<compile_context>
chip_gen: v7x
topology: tpu7x:2x2x1
jax: 0.10.2.dev20260603
libtpu: 0.0.44.dev20260713+nightly
codegen_flags: <defaults>
</compile_context>

<pallas_src>
import jax
import jax.numpy as jnp
from jax import lax
from jax.experimental import pallas as pl
from jax.experimental.pallas import tpu as pltpu
from jax.experimental.pallas import tpu_sc as plsc

_BATCH = 4
_NT = 8192
_TS = 768
_NC = 2
_NS = 16
_NW = _NC * _NS
_ROWS_W = _NT // _NW
_CHUNK = 32
_NCHUNK = _ROWS_W // _CHUNK
_NSTEP = _NCHUNK * _BATCH
_NBUF = 3


def _sc_body(x_hbm, t_hbm, o_hbm,
             xbuf0, xbuf1, xbuf2, tbuf0, tbuf1,
             xin0, xin1, xin2, xout0, xout1, xout2, tin0, tin1):
    wid = lax.axis_index("s") * _NC + lax.axis_index("c")
    row0 = wid * _ROWS_W

    xbufs = [xbuf0, xbuf1, xbuf2]
    tbufs = [tbuf0, tbuf1]
    xin = [xin0, xin1, xin2]
    xout = [xout0, xout1, xout2]
    tin = [tin0, tin1]

    def start_xload(s):
        c, b = divmod(s, _BATCH)
        r = row0 + c * _CHUNK
        i = s % _NBUF
        return pltpu.async_copy(
            x_hbm.at[b, pl.ds(r, _CHUNK), :], xbufs[i], xin[i])

    def start_tload(c):
        r = row0 + c * _CHUNK
        return pltpu.async_copy(
            t_hbm.at[pl.ds(r, _CHUNK), :], tbufs[c % 2], tin[c % 2])

    tloads = {0: start_tload(0)}
    xloads = {0: start_xload(0)}
    stores = {}

    for s in range(_NSTEP):
        c, b = divmod(s, _BATCH)
        i = s % _NBUF
        if b == 0:
            tloads.pop(c).wait()
            if c + 1 < _NCHUNK:
                tloads[c + 1] = start_tload(c + 1)
        if s + 1 < _NSTEP:
            if s - 2 in stores:
                stores.pop(s - 2).wait()
            xloads[s + 1] = start_xload(s + 1)
        xloads.pop(s).wait()

        xb = xbufs[i]
        tb = tbufs[c % 2]


        r = row0 + c * _CHUNK
        stores[s] = pltpu.async_copy(
            xb, o_hbm.at[b, pl.ds(r, _CHUNK), :], xout[i])

    for s in list(stores):
        stores.pop(s).wait()


def kernel(x, table):
    mesh = plsc.VectorSubcoreMesh(core_axis_name="c", subcore_axis_name="s")
    k = pl.kernel(
        _sc_body,
        out_type=jax.ShapeDtypeStruct((_BATCH, _NT, _TS), jnp.float32),
        mesh=mesh,
        scratch_types=[
            pltpu.VMEM((_CHUNK, _TS), jnp.float32),
            pltpu.VMEM((_CHUNK, _TS), jnp.float32),
            pltpu.VMEM((_CHUNK, _TS), jnp.float32),
            pltpu.VMEM((_CHUNK, _TS), jnp.float32),
            pltpu.VMEM((_CHUNK, _TS), jnp.float32),
            pltpu.SemaphoreType.DMA,
            pltpu.SemaphoreType.DMA,
            pltpu.SemaphoreType.DMA,
            pltpu.SemaphoreType.DMA,
            pltpu.SemaphoreType.DMA,
            pltpu.SemaphoreType.DMA,
            pltpu.SemaphoreType.DMA,
            pltpu.SemaphoreType.DMA,
        ],
    )
    return k(x, table)

# --- scband reference (transcript-rebuilt; emitter-appended) ---
"""Pipeline reference for scband-positional-embedding-61830349193606 (READ-ONLY COPY).

The authoritative reference and input builder live on the scoring server;
editing this copy changes nothing except your own understanding.
"""

import jax, jax.numpy as jnp
import numpy as np

NUM_TOKENS = 8192
TOKEN_SIZE = 768
BATCH = 4

def setup_inputs(seed: int = 0) -> dict:
    key = jax.random.key(seed)
    k1, k2 = jax.random.split(key)
    x = jax.random.normal(k1, (BATCH, NUM_TOKENS, TOKEN_SIZE), dtype=jnp.float32)
    # learned positional embedding table (nn.Embedding weight)
    table = jax.random.normal(k2, (NUM_TOKENS, TOKEN_SIZE), dtype=jnp.float32) * 0.02
    return {"x": x, "table": table}

def reference(x, table):
    # positions = arange(0, num_tokens)
    positions = jnp.arange(0, NUM_TOKENS, dtype=jnp.int32)
    # embedding lookup: table[positions] -> [num_tokens, token_size]
    pos_emb = jnp.take(table, positions, axis=0)
    # torch.cat(list(args), dim=1) with a single arg is identity; broadcast-add pos emb
    out = jnp.concatenate([x], axis=1) + pos_emb
    return out

if __name__ == "__main__":
    import jax
    _d = setup_inputs()
    print(jax.jit(kernel)(*tuple(_d.values())))

</pallas_src>

<mosaic_0001>
#map = affine_map<(d0, d1) -> (0, 0, 0)>
#map1 = affine_map<(d0, d1) -> (0, 0)>
module attributes {stable_mosaic.version = 14 : i64} {
  func.func @_sc_body(%arg0: i32, %arg1: i32, %arg2: memref<4x8192x768xf32, #tpu.memory_space<hbm>>, %arg3: memref<8192x768xf32, #tpu.memory_space<hbm>>, %arg4: memref<4x8192x768xf32, #tpu.memory_space<hbm>>, %arg5: memref<32x768xf32, #tpu.memory_space<vmem>>, %arg6: memref<32x768xf32, #tpu.memory_space<vmem>>, %arg7: memref<32x768xf32, #tpu.memory_space<vmem>>, %arg8: memref<32x768xf32, #tpu.memory_space<vmem>>, %arg9: memref<32x768xf32, #tpu.memory_space<vmem>>, %arg10: memref<!tpu.dma_semaphore, #tpu.memory_space<semaphore_mem>>, %arg11: memref<!tpu.dma_semaphore, #tpu.memory_space<semaphore_mem>>, %arg12: memref<!tpu.dma_semaphore, #tpu.memory_space<semaphore_mem>>, %arg13: memref<!tpu.dma_semaphore, #tpu.memory_space<semaphore_mem>>, %arg14: memref<!tpu.dma_semaphore, #tpu.memory_space<semaphore_mem>>, %arg15: memref<!tpu.dma_semaphore, #tpu.memory_space<semaphore_mem>>, %arg16: memref<!tpu.dma_semaphore, #tpu.memory_space<semaphore_mem>>, %arg17: memref<!tpu.dma_semaphore, #tpu.memory_space<semaphore_mem>>) attributes {dimension_semantics = [#tpu.dimension_semantics<core_parallel>, #tpu.dimension_semantics<subcore_parallel>], iteration_bounds = array<i64: 2, 16>, scalar_prefetch = 0 : i64, scratch_operands = 13 : i64, tpu.core_type = #tpu.core_type<sc_vector_subcore>, window_params = [{transform_indices = #map}, {transform_indices = #map1}, {transform_indices = #map}]} {
    %mul3A = arith.constant 2 : i32
    %mul3A_0 = arith.muli %arg1, %mul3A : i32
    %add3A = arith.addi %mul3A_0, %arg0 : i32
    %mul3A_1 = arith.constant 256 : i32
    %mul3A_2 = arith.muli %add3A, %mul3A_1 : i32
    %add3A_3 = arith.constant 0 : i32
    %add3A_4 = arith.addi %mul3A_2, %add3A_3 : i32
    %dma_start3A = arith.constant 0 : i32
    %dma_start3A_5 = tpu.memref_slice %arg3[%add3A_4, %dma_start3A] : memref<8192x768xf32, #tpu.memory_space<hbm>> -> memref<32x768xf32, #tpu.memory_space<hbm>>
    %dma_start3A_6 = arith.constant 0 : i32
    %dma_start3A_7 = tpu.memref_slice %arg3[%add3A_4, %dma_start3A_6] : memref<8192x768xf32, #tpu.memory_space<hbm>> -> memref<32x768xf32, #tpu.memory_space<hbm>>
    tpu.enqueue_dma source(%dma_start3A_7 : memref<32x768xf32, #tpu.memory_space<hbm>>) target(%arg8 : memref<32x768xf32, #tpu.memory_space<vmem>>) target_semaphore(%arg16 : memref<!tpu.dma_semaphore, #tpu.memory_space<semaphore_mem>>)
    %add3A_8 = arith.constant 0 : i32
    %add3A_9 = arith.addi %mul3A_2, %add3A_8 : i32
    %dma_start3A_10 = arith.constant 0 : i32
    %dma_start3A_11 = arith.constant 0 : i32
    %dma_start3A_12 = tpu.memref_slice %arg2[%dma_start3A_10, %add3A_9, %dma_start3A_11] : memref<4x8192x768xf32, #tpu.memory_space<hbm>> -> memref<1x32x768xf32, #tpu.memory_space<hbm>>
    %dma_start3A_13 = tpu.memref_squeeze %dma_start3A_12 : memref<1x32x768xf32, #tpu.memory_space<hbm>> -> memref<32x768xf32, #tpu.memory_space<hbm>>
    %dma_start3A_14 = arith.constant 0 : i32
    %dma_start3A_15 = tpu.memref_slice %arg2[%dma_start3A_10, %add3A_9, %dma_start3A_14] : memref<4x8192x768xf32, #tpu.memory_space<hbm>> -> memref<1x32x768xf32, #tpu.memory_space<hbm>>
    %dma_start3A_16 = tpu.memref_squeeze %dma_start3A_15 : memref<1x32x768xf32, #tpu.memory_space<hbm>> -> memref<32x768xf32, #tpu.memory_space<hbm>>
    tpu.enqueue_dma source(%dma_start3A_16 : memref<32x768xf32, #tpu.memory_space<hbm>>) target(%arg5 : memref<32x768xf32, #tpu.memory_space<vmem>>) target_semaphore(%arg10 : memref<!tpu.dma_semaphore, #tpu.memory_space<semaphore_mem>>)
    %dma_wait3A = arith.constant 0 : i32
    %dma_wait3A_17 = tpu.memref_slice %arg3[%add3A_4, %dma_wait3A] : memref<8192x768xf32, #tpu.memory_space<hbm>> -> memref<32x768xf32, #tpu.memory_space<hbm>>
    %dma_wait3A_18 = arith.constant 0 : i32
    %dma_wait3A_19 = tpu.memref_slice %arg3[%add3A_4, %dma_wait3A_18] : memref<8192x768xf32, #tpu.memory_space<hbm>> -> memref<32x768xf32, #tpu.memory_space<hbm>>
    tpu.wait_dma2 semaphore(%arg16 : memref<!tpu.dma_semaphore, #tpu.memory_space<semaphore_mem>>) src(%dma_wait3A_19 : memref<32x768xf32, #tpu.memory_space<hbm>>) dst(%arg8 : memref<32x768xf32, #tpu.memory_space<vmem>>)
    %add3A_20 = arith.constant 32 : i32
    %add3A_21 = arith.addi %mul3A_2, %add3A_20 : i32
    %dma_start3A_22 = arith.constant 0 : i32
    %dma_start3A_23 = tpu.memref_slice %arg3[%add3A_21, %dma_start3A_22] : memref<8192x768xf32, #tpu.memory_space<hbm>> -> memref<32x768xf32, #tpu.memory_space<hbm>>
    %dma_start3A_24 = arith.constant 0 : i32
    %dma_start3A_25 = tpu.memref_slice %arg3[%add3A_21, %dma_start3A_24] : memref<8192x768xf32, #tpu.memory_space<hbm>> -> memref<32x768xf32, #tpu.memory_space<hbm>>
    tpu.enqueue_dma source(%dma_start3A_25 : memref<32x768xf32, #tpu.memory_space<hbm>>) target(%arg9 : memref<32x768xf32, #tpu.memory_space<vmem>>) target_semaphore(%arg17 : memref<!tpu.dma_semaphore, #tpu.memory_space<semaphore_mem>>)
    %add3A_26 = arith.constant 0 : i32
    %add3A_27 = arith.addi %mul3A_2, %add3A_26 : i32
    %dma_start3A_28 = arith.constant 1 : i32
    %dma_start3A_29 = arith.constant 0 : i32
    %dma_start3A_30 = tpu.memref_slice %arg2[%dma_start3A_28, %add3A_27, %dma_start3A_29] : memref<4x8192x768xf32, #tpu.memory_space<hbm>> -> memref<1x32x768xf32, #tpu.memory_space<hbm>>
    %dma_start3A_31 = tpu.memref_squeeze %dma_start3A_30 : memref<1x32x768xf32, #tpu.memory_space<hbm>> -> memref<32x768xf32, #tpu.memory_space<hbm>>
    %dma_start3A_32 = arith.constant 0 : i32
    %dma_start3A_33 = tpu.memref_slice %arg2[%dma_start3A_28, %add3A_27, %dma_start3A_32] : memref<4x8192x768xf32, #tpu.memory_space<hbm>> -> memref<1x32x768xf32, #tpu.memory_space<hbm>>
    %dma_start3A_34 = tpu.memref_squeeze %dma_start3A_33 : memref<1x32x768xf32, #tpu.memory_space<hbm>> -> memref<32x768xf32, #tpu.memory_space<hbm>>
    tpu.enqueue_dma source(%dma_start3A_34 : memref<32x768xf32, #tpu.memory_space<hbm>>) target(%arg6 : memref<32x768xf32, #tpu.memory_space<vmem>>) target_semaphore(%arg11 : memref<!tpu.dma_semaphore, #tpu.memory_space<semaphore_mem>>)
    %dma_wait3A_35 = arith.constant 0 : i32
    %dma_wait3A_36 = arith.constant 0 : i32
    %dma_wait3A_37 = tpu.memref_slice %arg2[%dma_wait3A_35, %add3A_9, %dma_wait3A_36] : memref<4x8192x768xf32, #tpu.memory_space<hbm>> -> memref<1x32x768xf32, #tpu.memory_space<hbm>>
    %dma_wait3A_38 = tpu.memref_squeeze %dma_wait3A_37 : memref<1x32x768xf32, #tpu.memory_space<hbm>> -> memref<32x768xf32, #tpu.memory_space<hbm>>
    %dma_wait3A_39 = arith.constant 0 : i32
    %dma_wait3A_40 = tpu.memref_slice %arg2[%dma_wait3A_35, %add3A_9, %dma_wait3A_39] : memref<4x8192x768xf32, #tpu.memory_space<hbm>> -> memref<1x32x768xf32, #tpu.memory_space<hbm>>
    %dma_wait3A_41 = tpu.memref_squeeze %dma_wait3A_40 : memref<1x32x768xf32, #tpu.memory_space<hbm>> -> memref<32x768xf32, #tpu.memory_space<hbm>>
    tpu.wait_dma2 semaphore(%arg10 : memref<!tpu.dma_semaphore, #tpu.memory_space<semaphore_mem>>) src(%dma_wait3A_41 : memref<32x768xf32, #tpu.memory_space<hbm>>) dst(%arg5 : memref<32x768xf32, #tpu.memory_space<vmem>>)
    %add3A_42 = arith.constant 0 : i32
    %add3A_43 = arith.addi %mul3A_2, %add3A_42 : i32
    %dma_start3A_44 = arith.constant 0 : i32
    %dma_start3A_45 = arith.constant 0 : i32
    %dma_start3A_46 = tpu.memref_slice %arg4[%dma_start3A_44, %add3A_43, %dma_start3A_45] : memref<4x8192x768xf32, #tpu.memory_space<hbm>> -> memref<1x32x768xf32, #tpu.memory_space<hbm>>
    %dma_start3A_47 = tpu.memref_squeeze %dma_start3A_46 : memref<1x32x768xf32, #tpu.memory_space<hbm>> -> memref<32x768xf32, #tpu.memory_space<hbm>>
    %dma_start3A_48 = arith.constant 0 : i32
    %dma_start3A_49 = tpu.memref_slice %arg4[%dma_start3A_44, %add3A_43, %dma_start3A_48] : memref<4x8192x768xf32, #tpu.memory_space<hbm>> -> memref<1x32x768xf32, #tpu.memory_space<hbm>>
    %dma_start3A_50 = tpu.memref_squeeze %dma_start3A_49 : memref<1x32x768xf32, #tpu.memory_space<hbm>> -> memref<32x768xf32, #tpu.memory_space<hbm>>
    tpu.enqueue_dma source(%arg5 : memref<32x768xf32, #tpu.memory_space<vmem>>) target(%dma_start3A_50 : memref<32x768xf32, #tpu.memory_space<hbm>>) target_semaphore(%arg13 : memref<!tpu.dma_semaphore, #tpu.memory_space<semaphore_mem>>)
    %add3A_51 = arith.constant 0 : i32
    %add3A_52 = arith.addi %mul3A_2, %add3A_51 : i32
    %dma_start3A_53 = arith.constant 2 : i32
    %dma_start3A_54 = arith.constant 0 : i32
    %dma_start3A_55 = tpu.memref_slice %arg2[%dma_start3A_53, %add3A_52, %dma_start3A_54] : memref<4x8192x768xf32, #tpu.memory_space<hbm>> -> memref<1x32x768xf32, #tpu.memory_space<hbm>>
    %dma_start3A_56 = tpu.memref_squeeze %dma_start3A_55 : memref<1x32x768xf32, #tpu.memory_space<hbm>> -> memref<32x768xf32, #tpu.memory_space<hbm>>
    %dma_start3A_57 = arith.constant 0 : i32
    %dma_start3A_58 = tpu.memref_slice %arg2[%dma_start3A_53, %add3A_52, %dma_start3A_57] : memref<4x8192x768xf32, #tpu.memory_space<hbm>> -> memref<1x32x768xf32, #tpu.memory_space<hbm>>
    %dma_start3A_59 = tpu.memref_squeeze %dma_start3A_58 : memref<1x32x768xf32, #tpu.memory_space<hbm>> -> memref<32x768xf32, #tpu.memory_space<hbm>>
    tpu.enqueue_dma source(%dma_start3A_59 : memref<32x768xf32, #tpu.memory_space<hbm>>) target(%arg7 : memref<32x768xf32, #tpu.memory_space<vmem>>) target_semaphore(%arg12 : memref<!tpu.dma_semaphore, #tpu.memory_space<semaphore_mem>>)
    %dma_wait3A_60 = arith.constant 1 : i32
    %dma_wait3A_61 = arith.constant 0 : i32
    %dma_wait3A_62 = tpu.memref_slice %arg2[%dma_wait3A_60, %add3A_27, %dma_wait3A_61] : memref<4x8192x768xf32, #tpu.memory_space<hbm>> -> memref<1x32x768xf32, #tpu.memory_space<hbm>>
    %dma_wait3A_63 = tpu.memref_squeeze %dma_wait3A_62 : memref<1x32x768xf32, #tpu.memory_space<hbm>> -> memref<32x768xf32, #tpu.memory_space<hbm>>
    %dma_wait3A_64 = arith.constant 0 : i32
    %dma_wait3A_65 = tpu.memref_slice %arg2[%dma_wait3A_60, %add3A_27, %dma_wait3A_64] : memref<4x8192x768xf32, #tpu.memory_space<hbm>> -> memref<1x32x768xf32, #tpu.memory_space<hbm>>
    %dma_wait3A_66 = tpu.memref_squeeze %dma_wait3A_65 : memref<1x32x768xf32, #tpu.memory_space<hbm>> -> memref<32x768xf32, #tpu.memory_space<hbm>>
    tpu.wait_dma2 semaphore(%arg11 : memref<!tpu.dma_semaphore, #tpu.memory_space<semaphore_mem>>) src(%dma_wait3A_66 : memref<32x768xf32, #tpu.memory_space<hbm>>) dst(%arg6 : memref<32x768xf32, #tpu.memory_space<vmem>>)
    %add3A_67 = arith.constant 0 : i32
    %add3A_68 = arith.addi %mul3A_2, %add3A_67 : i32
    %dma_start3A_69 = arith.constant 1 : i32
    %dma_start3A_70 = arith.constant 0 : i32
    %dma_start3A_71 = tpu.memref_slice %arg4[%dma_start3A_69, %add3A_68, %dma_start3A_70] : memref<4x8192x768xf32, #tpu.memory_space<hbm>> -> memref<1x32x768xf32, #tpu.memory_space<hbm>>
    %dma_start3A_72 = tpu.memref_squeeze %dma_start3A_71 : memref<1x32x768xf32, #tpu.memory_space<hbm>> -> memref<32x768xf32, #tpu.memory_space<hbm>>
    %dma_start3A_73 = arith.constant 0 : i32
    %dma_start3A_74 = tpu.memref_slice %arg4[%dma_start3A_69, %add3A_68, %dma_start3A_73] : memref<4x8192x768xf32, #tpu.memory_space<hbm>> -> memref<1x32x768xf32, #tpu.memory_space<hbm>>
    %dma_start3A_75 = tpu.memref_squeeze %dma_start3A_74 : memref<1x32x768xf32, #tpu.memory_space<hbm>> -> memref<32x768xf32, #tpu.memory_space<hbm>>
    tpu.enqueue_dma source(%arg6 : memref<32x768xf32, #tpu.memory_space<vmem>>) target(%dma_start3A_75 : memref<32x768xf32, #tpu.memory_space<hbm>>) target_semaphore(%arg14 : memref<!tpu.dma_semaphore, #tpu.memory_space<semaphore_mem>>)
    %dma_wait3A_76 = arith.constant 0 : i32
    %dma_wait3A_77 = arith.constant 0 : i32
    %dma_wait3A_78 = tpu.memref_slice %arg4[%dma_wait3A_76, %add3A_43, %dma_wait3A_77] : memref<4x8192x768xf32, #tpu.memory_space<hbm>> -> memref<1x32x768xf32, #tpu.memory_space<hbm>>
    %dma_wait3A_79 = tpu.memref_squeeze %dma_wait3A_78 : memref<1x32x768xf32, #tpu.memory_space<hbm>> -> memref<32x768xf32, #tpu.memory_space<hbm>>
    %dma_wait3A_80 = arith.constant 0 : i32
    %dma_wait3A_81 = tpu.memref_slice %arg4[%dma_wait3A_76, %add3A_43, %dma_wait3A_80] : memref<4x8192x768xf32, #tpu.memory_space<hbm>> -> memref<1x32x768xf32, #tpu.memory_space<hbm>>
    %dma_wait3A_82 = tpu.memref_squeeze %dma_wait3A_81 : memref<1x32x768xf32, #tpu.memory_space<hbm>> -> memref<32x768xf32, #tpu.memory_space<hbm>>
    tpu.wait_dma2 semaphore(%arg13 : memref<!tpu.dma_semaphore, #tpu.memory_space<semaphore_mem>>) src(%arg5 : memref<32x768xf32, #tpu.memory_space<vmem>>) dst(%dma_wait3A_82 : memref<32x768xf32, #tpu.memory_space<hbm>>)
    %add3A_83 = arith.constant 0 : i32
    %add3A_84 = arith.addi %mul3A_2, %add3A_83 : i32
    %dma_start3A_85 = arith.constant 3 : i32
    %dma_start3A_86 = arith.constant 0 : i32
    %dma_start3A_87 = tpu.memref_slice %arg2[%dma_start3A_85, %add3A_84, %dma_start3A_86] : memref<4x8192x768xf32, #tpu.memory_space<hbm>> -> memref<1x32x768xf32, #tpu.memory_space<hbm>>
    %dma_start3A_88 = tpu.memref_squeeze %dma_start3A_87 : memref<1x32x768xf32, #tpu.memory_space<hbm>> -> memref<32x768xf32, #tpu.memory_space<hbm>>
    %dma_start3A_89 = arith.constant 0 : i32
    %dma_start3A_90 = tpu.memref_slice %arg2[%dma_start3A_85, %add3A_84, %dma_start3A_89] : memref<4x8192x768xf32, #tpu.memory_space<hbm>> -> memref<1x32x768xf32, #tpu.memory_space<hbm>>
    %dma_start3A_91 = tpu.memref_squeeze %dma_start3A_90 : memref<1x32x768xf32, #tpu.memory_space<hbm>> -> memref<32x768xf32, #tpu.memory_space<hbm>>
    tpu.enqueue_dma source(%dma_start3A_91 : memref<32x768xf32, #tpu.memory_space<hbm>>) target(%arg5 : memref<32x768xf32, #tpu.memory_space<vmem>>) target_semaphore(%arg10 : memref<!tpu.dma_semaphore, #tpu.memory_space<semaphore_mem>>)
    %dma_wait3A_92 = arith.constant 2 : i32
    %dma_wait3A_93 = arith.constant 0 : i32
    %dma_wait3A_94 = tpu.memref_slice %arg2[%dma_wait3A_92, %add3A_52, %dma_wait3A_93] : memref<4x8192x768xf32, #tpu.memory_space<hbm>> -> memref<1x32x768xf32, #tpu.memory_space<hbm>>
    %dma_wait3A_95 = tpu.memref_squeeze %dma_wait3A_94 : memref<1x32x768xf32, #tpu.memory_space<hbm>> -> memref<32x768xf32, #tpu.memory_space<hbm>>
    %dma_wait3A_96 = arith.constant 0 : i32
    %dma_wait3A_97 = tpu.memref_slice %arg2[%dma_wait3A_92, %add3A_52, %dma_wait3A_96] : memref<4x8192x768xf32, #tpu.memory_space<hbm>> -> memref<1x32x768xf32, #tpu.memory_space<hbm>>
    %dma_wait3A_98 = tpu.memref_squeeze %dma_wait3A_97 : memref<1x32x768xf32, #tpu.memory_space<hbm>> -> memref<32x768xf32, #tpu.memory_space<hbm>>
    tpu.wait_dma2 semaphore(%arg12 : memref<!tpu.dma_semaphore, #tpu.memory_space<semaphore_mem>>) src(%dma_wait3A_98 : memref<32x768xf32, #tpu.memory_space<hbm>>) dst(%arg7 : memref<32x768xf32, #tpu.memory_space<vmem>>)
    %add3A_99 = arith.constant 0 : i32
    %add3A_100 = arith.addi %mul3A_2, %add3A_99 : i32
    %dma_start3A_101 = arith.constant 2 : i32
    %dma_start3A_102 = arith.constant 0 : i32
    %dma_start3A_103 = tpu.memref_slice %arg4[%dma_start3A_101, %add3A_100, %dma_start3A_102] : memref<4x8192x768xf32, #tpu.memory_space<hbm>> -> memref<1x32x768xf32, #tpu.memory_space<hbm>>
    %dma_start3A_104 = tpu.memref_squeeze %dma_start3A_103 : memref<1x32x768xf32, #tpu.memory_space<hbm>> -> memref<32x768xf32, #tpu.memory_space<hbm>>
    %dma_start3A_105 = arith.constant 0 : i32
    %dma_start3A_106 = tpu.memref_slice %arg4[%dma_start3A_101, %add3A_100, %dma_start3A_105] : memref<4x8192x768xf32, #tpu.memory_space<hbm>> -> memref<1x32x768xf32, #tpu.memory_space<hbm>>
    %dma_start3A_107 = tpu.memref_squeeze %dma_start3A_106 : memref<1x32x768xf32, #tpu.memory_space<hbm>> -> memref<32x768xf32, #tpu.memory_space<hbm>>
    tpu.enqueue_dma source(%arg7 : memref<32x768xf32, #tpu.memory_space<vmem>>) target(%dma_start3A_107 : memref<32x768xf32, #tpu.memory_space<hbm>>) target_semaphore(%arg15 : memref<!tpu.dma_semaphore, #tpu.memory_space<semaphore_mem>>)
    %dma_wait3A_108 = arith.constant 1 : i32
    %dma_wait3A_109 = arith.constant 0 : i32
    %dma_wait3A_110 = tpu.memref_slice %arg4[%dma_wait3A_108, %add3A_68, %dma_wait3A_109] : memref<4x8192x768xf32, #tpu.memory_space<hbm>> -> memref<1x32x768xf32, #tpu.memory_space<hbm>>
    %dma_wait3A_111 = tpu.memref_squeeze %dma_wait3A_110 : memref<1x32x768xf32, #tpu.memory_space<hbm>> -> memref<32x768xf32, #tpu.memory_space<hbm>>
    %dma_wait3A_112 = arith.constant 0 : i32
    %dma_wait3A_113 = tpu.memref_slice %arg4[%dma_wait3A_108, %add3A_68, %dma_wait3A_112] : memref<4x8192x768xf32, #tpu.memory_space<hbm>> -> memref<1x32x768xf32, #tpu.memory_space<hbm>>
    %dma_wait3A_114 = tpu.memref_squeeze %dma_wait3A_113 : memref<1x32x768xf32, #tpu.memory_space<hbm>> -> memref<32x768xf32, #tpu.memory_space<hbm>>
    tpu.wait_dma2 semaphore(%arg14 : memref<!tpu.dma_semaphore, #tpu.memory_space<semaphore_mem>>) src(%arg6 : memref<32x768xf32, #tpu.memory_space<vmem>>) dst(%dma_wait3A_114 : memref<32x768xf32, #tpu.memory_space<hbm>>)
    %add3A_115 = arith.constant 32 : i32
    %add3A_116 = arith.addi %mul3A_2, %add3A_115 : i32
    %dma_start3A_117 = arith.constant 0 : i32
    %dma_start3A_118 = arith.constant 0 : i32
    %dma_start3A_119 = tpu.memref_slice %arg2[%dma_start3A_117, %add3A_116, %dma_start3A_118] : memref<4x8192x768xf32, #tpu.memory_space<hbm>> -> memref<1x32x768xf32, #tpu.memory_space<hbm>>
    %dma_start3A_120 = tpu.memref_squeeze %dma_start3A_119 : memref<1x32x768xf32, #tpu.memory_space<hbm>> -> memref<32x768xf32, #tpu.memory_space<hbm>>
    %dma_start3A_121 = arith.constant 0 : i32
    %dma_start3A_122 = tpu.memref_slice %arg2[%dma_start3A_117, %add3A_116, %dma_start3A_121] : memref<4x8192x768xf32, #tpu.memory_space<hbm>> -> memref<1x32x768xf32, #tpu.memory_space<hbm>>
    %dma_start3A_123 = tpu.memref_squeeze %dma_start3A_122 : memref<1x32x768xf32, #tpu.memory_space<hbm>> -> memref<32x768xf32, #tpu.memory_space<hbm>>
    tpu.enqueue_dma source(%dma_start3A_123 : memref<32x768xf32, #tpu.memory_space<hbm>>) target(%arg6 : memref<32x768xf32, #tpu.memory_space<vmem>>) target_semaphore(%arg11 : memref<!tpu.dma_semaphore, #tpu.memory_space<semaphore_mem>>)
    %dma_wait3A_124 = arith.constant 3 : i32
    %dma_wait3A_125 = arith.constant 0 : i32
    %dma_wait3A_126 = tpu.memref_slice %arg2[%dma_wait3A_124, %add3A_84, %dma_wait3A_125] : memref<4x8192x768xf32, #tpu.memory_space<hbm>> -> memref<1x32x768xf32, #tpu.memory_space<hbm>>
    %dma_wait3A_127 = tpu.memref_squeeze %dma_wait3A_126 : memref<1x32x768xf32, #tpu.memory_space<hbm>> -> memref<32x768xf32, #tpu.memory_space<hbm>>
    %dma_wait3A_128 = arith.constant 0 : i32
    %dma_wait3A_129 = tpu.memref_slice %arg2[%dma_wait3A_124, %add3A_84, %dma_wait3A_128] : memref<4x8192x768xf32, #tpu.memory_space<hbm>> -> memref<1x32x768xf32, #tpu.memory_space<hbm>>
    %dma_wait3A_130 = tpu.memref_squeeze %dma_wait3A_129 : memref<1x32x768xf32, #tpu.memory_space<hbm>> -> memref<32x768xf32, #tpu.memory_space<hbm>>
    tpu.wait_dma2 semaphore(%arg10 : memref<!tpu.dma_semaphore, #tpu.memory_space<semaphore_mem>>) src(%dma_wait3A_130 : memref<32x768xf32, #tpu.memory_space<hbm>>) dst(%arg5 : memref<32x768xf32, #tpu.memory_space<vmem>>)
    %add3A_131 = arith.constant 0 : i32
    %add3A_132 = arith.addi %mul3A_2, %add3A_131 : i32
    %dma_start3A_133 = arith.constant 3 : i32
    %dma_start3A_134 = arith.constant 0 : i32
    %dma_start3A_135 = tpu.memref_slice %arg4[%dma_start3A_133, %add3A_132, %dma_start3A_134] : memref<4x8192x768xf32, #tpu.memory_space<hbm>> -> memref<1x32x768xf32, #tpu.memory_space<hbm>>
    %dma_start3A_136 = tpu.memref_squeeze %dma_start3A_135 : memref<1x32x768xf32, #tpu.memory_space<hbm>> -> memref<32x768xf32, #tpu.memory_space<hbm>>
    %dma_start3A_137 = arith.constant 0 : i32
    %dma_start3A_138 = tpu.memref_slice %arg4[%dma_start3A_133, %add3A_132, %dma_start3A_137] : memref<4x8192x768xf32, #tpu.memory_space<hbm>> -> memref<1x32x768xf32, #tpu.memory_space<hbm>>
    %dma_start3A_139 = tpu.memref_squeeze %dma_start3A_138 : memref<1x32x768xf32, #tpu.memory_space<hbm>> -> memref<32x768xf32, #tpu.memory_space<hbm>>
    tpu.enqueue_dma source(%arg5 : memref<32x768xf32, #tpu.memory_space<vmem>>) target(%dma_start3A_139 : memref<32x768xf32, #tpu.memory_space<hbm>>) target_semaphore(%arg13 : memref<!tpu.dma_semaphore, #tpu.memory_space<semaphore_mem>>)
    %dma_wait3A_140 = arith.constant 0 : i32
    %dma_wait3A_141 = tpu.memref_slice %arg3[%add3A_21, %dma_wait3A_140] : memref<8192x768xf32, #tpu.memory_space<hbm>> -> memref<32x768xf32, #tpu.memory_space<hbm>>
    %dma_wait3A_142 = arith.constant 0 : i32
    %dma_wait3A_143 = tpu.memref_slice %arg3[%add3A_21, %dma_wait3A_142] : memref<8192x768xf32, #tpu.memory_space<hbm>> -> memref<32x768xf32, #tpu.memory_space<hbm>>
    tpu.wait_dma2 semaphore(%arg17 : memref<!tpu.dma_semaphore, #tpu.memory_space<semaphore_mem>>) src(%dma_wait3A_143 : memref<32x768xf32, #tpu.memory_space<hbm>>) dst(%arg9 : memref<32x768xf32, #tpu.memory_space<vmem>>)
    %add3A_144 = arith.constant 64 : i32
    %add3A_145 = arith.addi %mul3A_2, %add3A_144 : i32
    %dma_start3A_146 = arith.constant 0 : i32
    %dma_start3A_147 = tpu.memref_slice %arg3[%add3A_145, %dma_start3A_146] : memref<8192x768xf32, #tpu.memory_space<hbm>> -> memref<32x768xf32, #tpu.memory_space<hbm>>
    %dma_start3A_148 = arith.constant 0 : i32
    %dma_start3A_149 = tpu.memref_slice %arg3[%add3A_145, %dma_start3A_148] : memref<8192x768xf32, #tpu.memory_space<hbm>> -> memref<32x768xf32, #tpu.memory_space<hbm>>
    tpu.enqueue_dma source(%dma_start3A_149 : memref<32x768xf32, #tpu.memory_space<hbm>>) target(%arg8 : memref<32x768xf32, #tpu.memory_space<vmem>>) target_semaphore(%arg16 : memref<!tpu.dma_semaphore, #tpu.memory_space<semaphore_mem>>)
    %dma_wait3A_150 = arith.constant 2 : i32
    %dma_wait3A_151 = arith.constant 0 : i32
    %dma_wait3A_152 = tpu.memref_slice %arg4[%dma_wait3A_150, %add3A_100, %dma_wait3A_151] : memref<4x8192x768xf32, #tpu.memory_space<hbm>> -> memref<1x32x768xf32, #tpu.memory_space<hbm>>
    %dma_wait3A_153 = tpu.memref_squeeze %dma_wait3A_152 : memref<1x32x768xf32, #tpu.memory_space<hbm>> -> memref<32x768xf32, #tpu.memory_space<hbm>>
    %dma_wait3A_154 = arith.constant 0 : i32
    %dma_wait3A_155 = tpu.memref_slice %arg4[%dma_wait3A_150, %add3A_100, %dma_wait3A_154] : memref<4x8192x768xf32, #tpu.memory_space<hbm>> -> memref<1x32x768xf32, #tpu.memory_space<hbm>>
    %dma_wait3A_156 = tpu.memref_squeeze %dma_wait3A_155 : memref<1x32x768xf32, #tpu.memory_space<hbm>> -> memref<32x768xf32, #tpu.memory_space<hbm>>
    tpu.wait_dma2 semaphore(%arg15 : memref<!tpu.dma_semaphore, #tpu.memory_space<semaphore_mem>>) src(%arg7 : memref<32x768xf32, #tpu.memory_space<vmem>>) dst(%dma_wait3A_156 : memref<32x768xf32, #tpu.memory_space<hbm>>)
    %add3A_157 = arith.constant 32 : i32
    %add3A_158 = arith.addi %mul3A_2, %add3A_157 : i32
    %dma_start3A_159 = arith.constant 1 : i32
    %dma_start3A_160 = arith.constant 0 : i32
    %dma_start3A_161 = tpu.memref_slice %arg2[%dma_start3A_159, %add3A_158, %dma_start3A_160] : memref<4x8192x768xf32, #tpu.memory_space<hbm>> -> memref<1x32x768xf32, #tpu.memory_space<hbm>>
    %dma_start3A_162 = tpu.memref_squeeze %dma_start3A_161 : memref<1x32x768xf32, #tpu.memory_space<hbm>> -> memref<32x768xf32, #tpu.memory_space<hbm>>
    %dma_start3A_163 = arith.constant 0 : i32
    %dma_start3A_164 = tpu.memref_slice %arg2[%dma_start3A_159, %add3A_158, %dma_start3A_163] : memref<4x8192x768xf32, #tpu.memory_space<hbm>> -> memref<1x32x768xf32, #tpu.memory_space<hbm>>
    %dma_start3A_165 = tpu.memref_squeeze %dma_start3A_164 : memref<1x32x768xf32, #tpu.memory_space<hbm>> -> memref<32x768xf32, #tpu.memory_space<hbm>>
    tpu.enqueue_dma source(%dma_start3A_165 : memref<32x768xf32, #tpu.memory_space<hbm>>) target(%arg7 : memref<32x768xf32, #tpu.memory_space<vmem>>) target_semaphore(%arg12 : memref<!tpu.dma_semaphore, #tpu.memory_space<semaphore_mem>>)
    %dma_wait3A_166 = arith.constant 0 : i32
    %dma_wait3A_167 = arith.constant 0 : i32
    %dma_wait3A_168 = tpu.memref_slice %arg2[%dma_wait3A_166, %add3A_116, %dma_wait3A_167] : memref<4x8192x768xf32, #tpu.memory_space<hbm>> -> memref<1x32x768xf32, #tpu.memory_space<hbm>>
    %dma_wait3A_169 = tpu.memref_squeeze %dma_wait3A_168 : memref<1x32x768xf32, #tpu.memory_space<hbm>> -> memref<32x768xf32, #tpu.memory_space<hbm>>
    %dma_wait3A_170 = arith.constant 0 : i32
    %dma_wait3A_171 = tpu.memref_slice %arg2[%dma_wait3A_166, %add3A_116, %dma_wait3A_170] : memref<4x8192x768xf32, #tpu.memory_space<hbm>> -> memref<1x32x768xf32, #tpu.memory_space<hbm>>
    %dma_wait3A_172 = tpu.memref_squeeze %dma_wait3A_171 : memref<1x32x768xf32, #tpu.memory_space<hbm>> -> memref<32x768xf32, #tpu.memory_space<hbm>>
    tpu.wait_dma2 semaphore(%arg11 : memref<!tpu.dma_semaphore, #tpu.memory_space<semaphore_mem>>) src(%dma_wait3A_172 : memref<32x768xf32, #tpu.memory_space<hbm>>) dst(%arg6 : memref<32x768xf32, #tpu.memory_space<vmem>>)
    %add3A_173 = arith.constant 32 : i32
    %add3A_174 = arith.addi %mul3A_2, %add3A_173 : i32
    %dma_start3A_175 = arith.constant 0 : i32
    %dma_start3A_176 = arith.constant 0 : i32
    %dma_start3A_177 = tpu.memref_slice %arg4[%dma_start3A_175, %add3A_174, %dma_start3A_176] : memref<4x8192x768xf32, #tpu.memory_space<hbm>> -> memref<1x32x768xf32, #tpu.memory_space<hbm>>
    %dma_start3A_178 = tpu.memref_squeeze %dma_start3A_177 : memref<1x32x768xf32, #tpu.memory_space<hbm>> -> memref<32x768xf32, #tpu.memory_space<hbm>>
    %dma_start3A_179 = arith.constant 0 : i32
    %dma_start3A_180 = tpu.memref_slice %arg4[%dma_start3A_175, %add3A_174, %dma_start3A_179] : memref<4x8192x768xf32, #tpu.memory_space<hbm>> -> memref<1x32x768xf32, #tpu.memory_space<hbm>>
    %dma_start3A_181 = tpu.memref_squeeze %dma_start3A_180 : memref<1x32x768xf32, #tpu.memory_space<hbm>> -> memref<32x768xf32, #tpu.memory_space<hbm>>
    tpu.enqueue_dma source(%arg6 : memref<32x768xf32, #tpu.memory_space<vmem>>) target(%dma_start3A_181 : memref<32x768xf32, #tpu.memory_space<hbm>>) target_semaphore(%arg14 : memref<!tpu.dma_semaphore, #tpu.memory_space<semaphore_mem>>)
    %dma_wait3A_182 = arith.constant 3 : i32
    %dma_wait3A_183 = arith.constant 0 : i32
    %dma_wait3A_184 = tpu.memref_slice %arg4[%dma_wait3A_182, %add3A_132, %dma_wait3A_183] : memref<4x8192x768xf32, #tpu.memory_space<hbm>> -> memref<1x32x768xf32, #tpu.memory_space<hbm>>
    %dma_wait3A_185 = tpu.memref_squeeze %dma_wait3A_184 : memref<1x32x768xf32, #tpu.memory_space<hbm>> -> memref<32x768xf32, #tpu.memory_space<hbm>>
    %dma_wait3A_186 = arith.constant 0 : i32
    %dma_wait3A_187 = tpu.memref_slice %arg4[%dma_wait3A_182, %add3A_132, %dma_wait3A_186] : memref<4x8192x768xf32, #tpu.memory_space<hbm>> -> memref<1x32x768xf32, #tpu.memory_space<hbm>>
    %dma_wait3A_188 = tpu.memref_squeeze %dma_wait3A_187 : memref<1x32x768xf32, #tpu.memory_space<hbm>> -> memref<32x768xf32, #tpu.memory_space<hbm>>
    tpu.wait_dma2 semaphore(%arg13 : memref<!tpu.dma_semaphore, #tpu.memory_space<semaphore_mem>>) src(%arg5 : memref<32x768xf32, #tpu.memory_space<vmem>>) dst(%dma_wait3A_188 : memref<32x768xf32, #tpu.memory_space<hbm>>)
    %add3A_189 = arith.constant 32 : i32
    %add3A_190 = arith.addi %mul3A_2, %add3A_189 : i32
    %dma_start3A_191 = arith.constant 2 : i32
    %dma_start3A_192 = arith.constant 0 : i32
    %dma_start3A_193 = tpu.memref_slice %arg2[%dma_start3A_191, %add3A_190, %dma_start3A_192] : memref<4x8192x768xf32, #tpu.memory_space<hbm>> -> memref<1x32x768xf32, #tpu.memory_space<hbm>>
    %dma_start3A_194 = tpu.memref_squeeze %dma_start3A_193 : memref<1x32x768xf32, #tpu.memory_space<hbm>> -> memref<32x768xf32, #tpu.memory_space<hbm>>
    %dma_start3A_195 = arith.constant 0 : i32
    %dma_start3A_196 = tpu.memref_slice %arg2[%dma_start3A_191, %add3A_190, %dma_start3A_195] : memref<4x8192x768xf32, #tpu.memory_space<hbm>> -> memref<1x32x768xf32, #tpu.memory_space<hbm>>
    %dma_start3A_197 = tpu.memref_squeeze %dma_start3A_196 : memref<1x32x768xf32, #tpu.memory_space<hbm>> -> memref<32x768xf32, #tpu.memory_space<hbm>>
    tpu.enqueue_dma source(%dma_start3A_197 : memref<32x768xf32, #tpu.memory_space<hbm>>) target(%arg5 : memref<32x768xf32, #tpu.memory_space<vmem>>) target_semaphore(%arg10 : memref<!tpu.dma_semaphore, #tpu.memory_space<semaphore_mem>>)
    %dma_wait3A_198 = arith.constant 1 : i32
    %dma_wait3A_199 = arith.constant 0 : i32
    %dma_wait3A_200 = tpu.memref_slice %arg2[%dma_wait3A_198, %add3A_158, %dma_wait3A_199] : memref<4x8192x768xf32, #tpu.memory_space<hbm>> -> memref<1x32x768xf32, #tpu.memory_space<hbm>>
    %dma_wait3A_201 = tpu.memref_squeeze %dma_wait3A_200 : memref<1x32x768xf32, #tpu.memory_space<hbm>> -> memref<32x768xf32, #tpu.memory_space<hbm>>
    %dma_wait3A_202 = arith.constant 0 : i32
    %dma_wait3A_203 = tpu.memref_slice %arg2[%dma_wait3A_198, %add3A_158, %dma_wait3A_202] : memref<4x8192x768xf32, #tpu.memory_space<hbm>> -> memref<1x32x768xf32, #tpu.memory_space<hbm>>
    %dma_wait3A_204 = tpu.memref_squeeze %dma_wait3A_203 : memref<1x32x768xf32, #tpu.memory_space<hbm>> -> memref<32x768xf32, #tpu.memory_space<hbm>>
    tpu.wait_dma2 semaphore(%arg12 : memref<!tpu.dma_semaphore, #tpu.memory_space<semaphore_mem>>) src(%dma_wait3A_204 : memref<32x768xf32, #tpu.memory_space<hbm>>) dst(%arg7 : memref<32x768xf32, #tpu.memory_space<vmem>>)
    %add3A_205 = arith.constant 32 : i32
    %add3A_206 = arith.addi %mul3A_2, %add3A_205 : i32
    %dma_start3A_207 = arith.constant 1 : i32
    %dma_start3A_208 = arith.constant 0 : i32
    %dma_start3A_209 = tpu.memref_slice %arg4[%dma_start3A_207, %add3A_206, %dma_start3A_208] : memref<4x8192x768xf32, #tpu.memory_space<hbm>> -> memref<1x32x768xf32, #tpu.memory_space<hbm>>
    %dma_start3A_210 = tpu.memref_squeeze %dma_start3A_209 : memref<1x32x768xf32, #tpu.memory_space<hbm>> -> memref<32x768xf32, #tpu.memory_space<hbm>>
    %dma_start3A_211 = arith.constant 0 : i32
    %dma_start3A_212 = tpu.memref_slice %arg4[%dma_start3A_207, %add3A_206, %dma_start3A_211] : memref<4x8192x768xf32, #tpu.memory_space<hbm>> -> memref<1x32x768xf32, #tpu.memory_space<hbm>>
    %dma_start3A_213 = tpu.memref_squeeze %dma_start3A_212 : memref<1x32x768xf32, #tpu.memory_space<hbm>> -> memref<32x768xf32, #tpu.memory_space<hbm>>
    tpu.enqueue_dma source(%arg7 : memref<32x768xf32, #tpu.memory_space<vmem>>) target(%dma_start3A_213 : memref<32x768xf32, #tpu.memory_space<hbm>>) target_semaphore(%arg15 : memref<!tpu.dma_semaphore, #tpu.memory_space<semaphore_mem>>)
    %dma_wait3A_214 = arith.constant 0 : i32
    %dma_wait3A_215 = arith.constant 0 : i32
    %dma_wait3A_216 = tpu.memref_slice %arg4[%dma_wait3A_214, %add3A_174, %dma_wait3A_215] : memref<4x8192x768xf32, #tpu.memory_space<hbm>> -> memref<1x32x768xf32, #tpu.memory_space<hbm>>
    %dma_wait3A_217 = tpu.memref_squeeze %dma_wait3A_216 : memref<1x32x768xf32, #tpu.memory_space<hbm>> -> memref<32x768xf32, #tpu.memory_space<hbm>>
    %dma_wait3A_218 = arith.constant 0 : i32
    %dma_wait3A_219 = tpu.memref_slice %arg4[%dma_wait3A_214, %add3A_174, %dma_wait3A_218] : memref<4x8192x768xf32, #tpu.memory_space<hbm>> -> memref<1x32x768xf32, #tpu.memory_space<hbm>>
    %dma_wait3A_220 = tpu.memref_squeeze %dma_wait3A_219 : memref<1x32x768xf32, #tpu.memory_space<hbm>> -> memref<32x768xf32, #tpu.memory_space<hbm>>
    tpu.wait_dma2 semaphore(%arg14 : memref<!tpu.dma_semaphore, #tpu.memory_space<semaphore_mem>>) src(%arg6 : memref<32x768xf32, #tpu.memory_space<vmem>>) dst(%dma_wait3A_220 : memref<32x768xf32, #tpu.memory_space<hbm>>)
    %add3A_221 = arith.constant 32 : i32
    %add3A_222 = arith.addi %mul3A_2, %add3A_221 : i32
    %dma_start3A_223 = arith.constant 3 : i32
    %dma_start3A_224 = arith.constant 0 : i32
    %dma_start3A_225 = tpu.memref_slice %arg2[%dma_start3A_223, %add3A_222, %dma_start3A_224] : memref<4x8192x768xf32, #tpu.memory_space<hbm>> -> memref<1x32x768xf32, #tpu.memory_space<hbm>>
    %dma_start3A_226 = tpu.memref_squeeze %dma_start3A_225 : memref<1x32x768xf32, #tpu.memory_space<hbm>> -> memref<32x768xf32, #tpu.memory_space<hbm>>
    %dma_start3A_227 = arith.constant 0 : i32
    %dma_start3A_228 = tpu.memref_slice %arg2[%dma_start3A_223, %add3A_222, %dma_start3A_227] : memref<4x8192x768xf32, #tpu.memory_space<hbm>> -> memref<1x32x768xf32, #tpu.memory_space<hbm>>
    %dma_start3A_229 = tpu.memref_squeeze %dma_start3A_228 : memref<1x32x768xf32, #tpu.memory_space<hbm>> -> memref<32x768xf32, #tpu.memory_space<hbm>>
    tpu.enqueue_dma source(%dma_start3A_229 : memref<32x768xf32, #tpu.memory_space<hbm>>) target(%arg6 : memref<32x768xf32, #tpu.memory_space<vmem>>) target_semaphore(%arg11 : memref<!tpu.dma_semaphore, #tpu.memory_space<semaphore_mem>>)
    %dma_wait3A_230 = arith.constant 2 : i32
    %dma_wait3A_231 = arith.constant 0 : i32
    %dma_wait3A_232 = tpu.memref_slice %arg2[%dma_wait3A_230, %add3A_190, %dma_wait3A_231] : memref<4x8192x768xf32, #tpu.memory_space<hbm>> -> memref<1x32x768xf32, #tpu.memory_space<hbm>>
    %dma_wait3A_233 = tpu.memref_squeeze %dma_wait3A_232 : memref<1x32x768xf32, #tpu.memory_space<hbm>> -> memref<32x768xf32, #tpu.memory_space<hbm>>
    %dma_wait3A_234 = arith.constant 0 : i32
    %dma_wait3A_235 = tpu.memref_slice %arg2[%dma_wait3A_230, %add3A_190, %dma_wait3A_234] : memref<4x8192x768xf32, #tpu.memory_space<hbm>> -> memref<1x32x768xf32, #tpu.memory_space<hbm>>
    %dma_wait3A_236 = tpu.memref_squeeze %dma_wait3A_235 : memref<1x32x768xf32, #tpu.memory_space<hbm>> -> memref<32x768xf32, #tpu.memory_space<hbm>>
    tpu.wait_dma2 semaphore(%arg10 : memref<!tpu.dma_semaphore, #tpu.memory_space<semaphore_mem>>) src(%dma_wait3A_236 : memref<32x768xf32, #tpu.memory_space<hbm>>) dst(%arg5 : memref<32x768xf32, #tpu.memory_space<vmem>>)
    %add3A_237 = arith.constant 32 : i32
    %add3A_238 = arith.addi %mul3A_2, %add3A_237 : i32
    %dma_start3A_239 = arith.constant 2 : i32
    %dma_start3A_240 = arith.constant 0 : i32
    %dma_start3A_241 = tpu.memref_slice %arg4[%dma_start3A_239, %add3A_238, %dma_start3A_240] : memref<4x8192x768xf32, #tpu.memory_space<hbm>> -> memref<1x32x768xf32, #tpu.memory_space<hbm>>
    %dma_start3A_242 = tpu.memref_squeeze %dma_start3A_241 : memref<1x32x768xf32, #tpu.memory_space<hbm>> -> memref<32x768xf32, #tpu.memory_space<hbm>>
    %dma_start3A_243 = arith.constant 0 : i32
    %dma_start3A_244 = tpu.memref_slice %arg4[%dma_start3A_239, %add3A_238, %dma_start3A_243] : memref<4x8192x768xf32, #tpu.memory_space<hbm>> -> memref<1x32x768xf32, #tpu.memory_space<hbm>>
    %dma_start3A_245 = tpu.memref_squeeze %dma_start3A_244 : memref<1x32x768xf32, #tpu.memory_space<hbm>> -> memref<32x768xf32, #tpu.memory_space<hbm>>
    tpu.enqueue_dma source(%arg5 : memref<32x768xf32, #tpu.memory_space<vmem>>) target(%dma_start3A_245 : memref<32x768xf32, #tpu.memory_space<hbm>>) target_semaphore(%arg13 : memref<!tpu.dma_semaphore, #tpu.memory_space<semaphore_mem>>)
    %dma_wait3A_246 = arith.constant 1 : i32
    %dma_wait3A_247 = arith.constant 0 : i32
    %dma_wait3A_248 = tpu.memref_slice %arg4[%dma_wait3A_246, %add3A_206, %dma_wait3A_247] : memref<4x8192x768xf32, #tpu.memory_space<hbm>> -> memref<1x32x768xf32, #tpu.memory_space<hbm>>
    %dma_wait3A_249 = tpu.memref_squeeze %dma_wait3A_248 : memref<1x32x768xf32, #tpu.memory_space<hbm>> -> memref<32x768xf32, #tpu.memory_space<hbm>>
    %dma_wait3A_250 = arith.constant 0 : i32
    %dma_wait3A_251 = tpu.memref_slice %arg4[%dma_wait3A_246, %add3A_206, %dma_wait3A_250] : memref<4x8192x768xf32, #tpu.memory_space<hbm>> -> memref<1x32x768xf32, #tpu.memory_space<hbm>>
    %dma_wait3A_252 = tpu.memref_squeeze %dma_wait3A_251 : memref<1x32x768xf32, #tpu.memory_space<hbm>> -> memref<32x768xf32, #tpu.memory_space<hbm>>
    tpu.wait_dma2 semaphore(%arg15 : memref<!tpu.dma_semaphore, #tpu.memory_space<semaphore_mem>>) src(%arg7 : memref<32x768xf32, #tpu.memory_space<vmem>>) dst(%dma_wait3A_252 : memref<32x768xf32, #tpu.memory_space<hbm>>)
    %add3A_253 = arith.constant 64 : i32
    %add3A_254 = arith.addi %mul3A_2, %add3A_253 : i32
    %dma_start3A_255 = arith.constant 0 : i32
    %dma_start3A_256 = arith.constant 0 : i32
    %dma_start3A_257 = tpu.memref_slice %arg2[%dma_start3A_255, %add3A_254, %dma_start3A_256] : memref<4x8192x768xf32, #tpu.memory_space<hbm>> -> memref<1x32x768xf32, #tpu.memory_space<hbm>>
    %dma_start3A_258 = tpu.memref_squeeze %dma_start3A_257 : memref<1x32x768xf32, #tpu.memory_space<hbm>> -> memref<32x768xf32, #tpu.memory_space<hbm>>
    %dma_start3A_259 = arith.constant 0 : i32
    %dma_start3A_260 = tpu.memref_slice %arg2[%dma_start3A_255, %add3A_254, %dma_start3A_259] : memref<4x8192x768xf32, #tpu.memory_space<hbm>> -> memref<1x32x768xf32, #tpu.memory_space<hbm>>
    %dma_start3A_261 = tpu.memref_squeeze %dma_start3A_260 : memref<1x32x768xf32, #tpu.memory_space<hbm>> -> memref<32x768xf32, #tpu.memory_space<hbm>>
    tpu.enqueue_dma source(%dma_start3A_261 : memref<32x768xf32, #tpu.memory_space<hbm>>) target(%arg7 : memref<32x768xf32, #tpu.memory_space<vmem>>) target_semaphore(%arg12 : memref<!tpu.dma_semaphore, #tpu.memory_space<semaphore_mem>>)
    %dma_wait3A_262 = arith.constant 3 : i32
    %dma_wait3A_263 = arith.constant 0 : i32
    %dma_wait3A_264 = tpu.memref_slice %arg2[%dma_wait3A_262, %add3A_222, %dma_wait3A_263] : memref<4x8192x768xf32, #tpu.memory_space<hbm>> -> memref<1x32x768xf32, #tpu.memory_space<hbm>>
    %dma_wait3A_265 = tpu.memref_squeeze %dma_wait3A_264 : memref<1x32x768xf32, #tpu.memory_space<hbm>> -> memref<32x768xf32, #tpu.memory_space<hbm>>
    %dma_wait3A_266 = arith.constant 0 : i32
    %dma_wait3A_267 = tpu.memref_slice %arg2[%dma_wait3A_262, %add3A_222, %dma_wait3A_266] : memref<4x8192x768xf32, #tpu.memory_space<hbm>> -> memref<1x32x768xf32, #tpu.memory_space<hbm>>
    %dma_wait3A_268 = tpu.memref_squeeze %dma_wait3A_267 : memref<1x32x768xf32, #tpu.memory_space<hbm>> -> memref<32x768xf32, #tpu.memory_space<hbm>>
    tpu.wait_dma2 semaphore(%arg11 : memref<!tpu.dma_semaphore, #tpu.memory_space<semaphore_mem>>) src(%dma_wait3A_268 : memref<32x768xf32, #tpu.memory_space<hbm>>) dst(%arg6 : memref<32x768xf32, #tpu.memory_space<vmem>>)
    %add3A_269 = arith.constant 32 : i32
    %add3A_270 = arith.addi %mul3A_2, %add3A_269 : i32
    %dma_start3A_271 = arith.constant 3 : i32
    %dma_start3A_272 = arith.constant 0 : i32
    %dma_start3A_273 = tpu.memref_slice %arg4[%dma_start3A_271, %add3A_270, %dma_start3A_272] : memref<4x8192x768xf32, #tpu.memory_space<hbm>> -> memref<1x32x768xf32, #tpu.memory_space<hbm>>
    %dma_start3A_274 = tpu.memref_squeeze %dma_start3A_273 : memref<1x32x768xf32, #tpu.memory_space<hbm>> -> memref<32x768xf32, #tpu.memory_space<hbm>>
    %dma_start3A_275 = arith.constant 0 : i32
    %dma_start3A_276 = tpu.memref_slice %arg4[%dma_start3A_271, %add3A_270, %dma_start3A_275] : memref<4x8192x768xf32, #tpu.memory_space<hbm>> -> memref<1x32x768xf32, #tpu.memory_space<hbm>>
    %dma_start3A_277 = tpu.memref_squeeze %dma_start3A_276 : memref<1x32x768xf32, #tpu.memory_space<hbm>> -> memref<32x768xf32, #tpu.memory_space<hbm>>
    tpu.enqueue_dma source(%arg6 : memref<32x768xf32, #tpu.memory_space<vmem>>) target(%dma_start3A_277 : memref<32x768xf32, #tpu.memory_space<hbm>>) target_semaphore(%arg14 : memref<!tpu.dma_semaphore, #tpu.memory_space<semaphore_mem>>)
    %dma_wait3A_278 = arith.constant 0 : i32
    %dma_wait3A_279 = tpu.memref_slice %arg3[%add3A_145, %dma_wait3A_278] : memref<8192x768xf32, #tpu.memory_space<hbm>> -> memref<32x768xf32, #tpu.memory_space<hbm>>
    %dma_wait3A_280 = arith.constant 0 : i32
    %dma_wait3A_281 = tpu.memref_slice %arg3[%add3A_145, %dma_wait3A_280] : memref<8192x768xf32, #tpu.memory_space<hbm>> -> memref<32x768xf32, #tpu.memory_space<hbm>>
    tpu.wait_dma2 semaphore(%arg16 : memref<!tpu.dma_semaphore, #tpu.memory_space<semaphore_mem>>) src(%dma_wait3A_281 : memref<32x768xf32, #tpu.memory_space<hbm>>) dst(%arg8 : memref<32x768xf32, #tpu.memory_space<vmem>>)
    %add3A_282 = arith.constant 96 : i32
    %add3A_283 = arith.addi %mul3A_2, %add3A_282 : i32
    %dma_start3A_284 = arith.constant 0 : i32
    %dma_start3A_285 = tpu.memref_slice %arg3[%add3A_283, %dma_start3A_284] : memref<8192x768xf32, #tpu.memory_space<hbm>> -> memref<32x768xf32, #tpu.memory_space<hbm>>
    %dma_start3A_286 = arith.constant 0 : i32
    %dma_start3A_287 = tpu.memref_slice %arg3[%add3A_283, %dma_start3A_286] : memref<8192x768xf32, #tpu.memory_space<hbm>> -> memref<32x768xf32, #tpu.memory_space<hbm>>
    tpu.enqueue_dma source(%dma_start3A_287 : memref<32x768xf32, #tpu.memory_space<hbm>>) target(%arg9 : memref<32x768xf32, #tpu.memory_space<vmem>>) target_semaphore(%arg17 : memref<!tpu.dma_semaphore, #tpu.memory_space<semaphore_mem>>)
    %dma_wait3A_288 = arith.constant 2 : i32
    %dma_wait3A_289 = arith.constant 0 : i32
    %dma_wait3A_290 = tpu.memref_slice %arg4[%dma_wait3A_288, %add3A_238, %dma_wait3A_289] : memref<4x8192x768xf32, #tpu.memory_space<hbm>> -> memref<1x32x768xf32, #tpu.memory_space<hbm>>
    %dma_wait3A_291 = tpu.memref_squeeze %dma_wait3A_290 : memref<1x32x768xf32, #tpu.memory_space<hbm>> -> memref<32x768xf32, #tpu.memory_space<hbm>>
    %dma_wait3A_292 = arith.constant 0 : i32
    %dma_wait3A_293 = tpu.memref_slice %arg4[%dma_wait3A_288, %add3A_238, %dma_wait3A_292] : memref<4x8192x768xf32, #tpu.memory_space<hbm>> -> memref<1x32x768xf32, #tpu.memory_space<hbm>>
    %dma_wait3A_294 = tpu.memref_squeeze %dma_wait3A_293 : memref<1x32x768xf32, #tpu.memory_space<hbm>> -> memref<32x768xf32, #tpu.memory_space<hbm>>
    tpu.wait_dma2 semaphore(%arg13 : memref<!tpu.dma_semaphore, #tpu.memory_space<semaphore_mem>>) src(%arg5 : memref<32x768xf32, #tpu.memory_space<vmem>>) dst(%dma_wait3A_294 : memref<32x768xf32, #tpu.memory_space<hbm>>)
    %add3A_295 = arith.constant 64 : i32
    %add3A_296 = arith.addi %mul3A_2, %add3A_295 : i32
    %dma_start3A_297 = arith.constant 1 : i32
    %dma_start3A_298 = arith.constant 0 : i32
    %dma_start3A_299 = tpu.memref_slice %arg2[%dma_start3A_297, %add3A_296, %dma_start3A_298] : memref<4x8192x768xf32, #tpu.memory_space<hbm>> -> memref<1x32x768xf32, #tpu.memory_space<hbm>>
    %dma_start3A_300 = tpu.memref_squeeze %dma_start3A_299 : memref<1x32x768xf32, #tpu.memory_space<hbm>> -> memref<32x768xf32, #tpu.memory_space<hbm>>
    %dma_start3A_301 = arith.constant 0 : i32
    %dma_start3A_302 = tpu.memref_slice %arg2[%dma_start3A_297, %add3A_296, %dma_start3A_301] : memref<4x8192x768xf32, #tpu.memory_space<hbm>> -> memref<1x32x768xf32, #tpu.memory_space<hbm>>
    %dma_start3A_303 = tpu.memref_squeeze %dma_start3A_302 : memref<1x32x768xf32, #tpu.memory_space<hbm>> -> memref<32x768xf32, #tpu.memory_space<hbm>>
    tpu.enqueue_dma source(%dma_start3A_303 : memref<32x768xf32, #tpu.memory_space<hbm>>) target(%arg5 : memref<32x768xf32, #tpu.memory_space<vmem>>) target_semaphore(%arg10 : memref<!tpu.dma_semaphore, #tpu.memory_space<semaphore_mem>>)
    %dma_wait3A_304 = arith.constant 0 : i32
    %dma_wait3A_305 = arith.constant 0 : i32
    %dma_wait3A_306 = tpu.memref_slice %arg2[%dma_wait3A_304, %add3A_254, %dma_wait3A_305] : memref<4x8192x768xf32, #tpu.memory_space<hbm>> -> memref<1x32x768xf32, #tpu.memory_space<hbm>>
    %dma_wait3A_307 = tpu.memref_squeeze %dma_wait3A_306 : memref<1x32x768xf32, #tpu.memory_space<hbm>> -> memref<32x768xf32, #tpu.memory_space<hbm>>
    %dma_wait3A_308 = arith.constant 0 : i32
    %dma_wait3A_309 = tpu.memref_slice %arg2[%dma_wait3A_304, %add3A_254, %dma_wait3A_308] : memref<4x8192x768xf32, #tpu.memory_space<hbm>> -> memref<1x32x768xf32, #tpu.memory_space<hbm>>
    %dma_wait3A_310 = tpu.memref_squeeze %dma_wait3A_309 : memref<1x32x768xf32, #tpu.memory_space<hbm>> -> memref<32x768xf32, #tpu.memory_space<hbm>>
    tpu.wait_dma2 semaphore(%arg12 : memref<!tpu.dma_semaphore, #tpu.memory_space<semaphore_mem>>) src(%dma_wait3A_310 : memref<32x768xf32, #tpu.memory_space<hbm>>) dst(%arg7 : memref<32x768xf32, #tpu.memory_space<vmem>>)
    %add3A_311 = arith.constant 64 : i32
    %add3A_312 = arith.addi %mul3A_2, %add3A_311 : i32
    %dma_start3A_313 = arith.constant 0 : i32
    %dma_start3A_314 = arith.constant 0 : i32
    %dma_start3A_315 = tpu.memref_slice %arg4[%dma_start3A_313, %add3A_312, %dma_start3A_314] : memref<4x8192x768xf32, #tpu.memory_space<hbm>> -> memref<1x32x768xf32, #tpu.memory_space<hbm>>
    %dma_start3A_316 = tpu.memref_squeeze %dma_start3A_315 : memref<1x32x768xf32, #tpu.memory_space<hbm>> -> memref<32x768xf32, #tpu.memory_space<hbm>>
    %dma_start3A_317 = arith.constant 0 : i32
    %dma_start3A_318 = tpu.memref_slice %arg4[%dma_start3A_313, %add3A_312, %dma_start3A_317] : memref<4x8192x768xf32, #tpu.memory_space<hbm>> -> memref<1x32x768xf32, #tpu.memory_space<hbm>>
    %dma_start3A_319 = tpu.memref_squeeze %dma_start3A_318 : memref<1x32x768xf32, #tpu.memory_space<hbm>> -> memref<32x768xf32, #tpu.memory_space<hbm>>
    tpu.enqueue_dma source(%arg7 : memref<32x768xf32, #tpu.memory_space<vmem>>) target(%dma_start3A_319 : memref<32x768xf32, #tpu.memory_space<hbm>>) target_semaphore(%arg15 : memref<!tpu.dma_semaphore, #tpu.memory_space<semaphore_mem>>)
    %dma_wait3A_320 = arith.constant 3 : i32
    %dma_wait3A_321 = arith.constant 0 : i32
    %dma_wait3A_322 = tpu.memref_slice %arg4[%dma_wait3A_320, %add3A_270, %dma_wait3A_321] : memref<4x8192x768xf32, #tpu.memory_space<hbm>> -> memref<1x32x768xf32, #tpu.memory_space<hbm>>
    %dma_wait3A_323 = tpu.memref_squeeze %dma_wait3A_322 : memref<1x32x768xf32, #tpu.memory_space<hbm>> -> memref<32x768xf32, #tpu.memory_space<hbm>>
    %dma_wait3A_324 = arith.constant 0 : i32
    %dma_wait3A_325 = tpu.memref_slice %arg4[%dma_wait3A_320, %add3A_270, %dma_wait3A_324] : memref<4x8192x768xf32, #tpu.memory_space<hbm>> -> memref<1x32x768xf32, #tpu.memory_space<hbm>>
    %dma_wait3A_326 = tpu.memref_squeeze %dma_wait3A_325 : memref<1x32x768xf32, #tpu.memory_space<hbm>> -> memref<32x768xf32, #tpu.memory_space<hbm>>
    tpu.wait_dma2 semaphore(%arg14 : memref<!tpu.dma_semaphore, #tpu.memory_space<semaphore_mem>>) src(%arg6 : memref<32x768xf32, #tpu.memory_space<vmem>>) dst(%dma_wait3A_326 : memref<32x768xf32, #tpu.memory_space<hbm>>)
    %add3A_327 = arith.constant 64 : i32
    %add3A_328 = arith.addi %mul3A_2, %add3A_327 : i32
    %dma_start3A_329 = arith.constant 2 : i32
    %dma_start3A_330 = arith.constant 0 : i32
    %dma_start3A_331 = tpu.memref_slice %arg2[%dma_start3A_329, %add3A_328, %dma_start3A_330] : memref<4x8192x768xf32, #tpu.memory_space<hbm>> -> memref<1x32x768xf32, #tpu.memory_space<hbm>>
    %dma_start3A_332 = tpu.memref_squeeze %dma_start3A_331 : memref<1x32x768xf32, #tpu.memory_space<hbm>> -> memref<32x768xf32, #tpu.memory_space<hbm>>
    %dma_start3A_333 = arith.constant 0 : i32
    %dma_start3A_334 = tpu.memref_slice %arg2[%dma_start3A_329, %add3A_328, %dma_start3A_333] : memref<4x8192x768xf32, #tpu.memory_space<hbm>> -> memref<1x32x768xf32, #tpu.memory_space<hbm>>
    %dma_start3A_335 = tpu.memref_squeeze %dma_start3A_334 : memref<1x32x768xf32, #tpu.memory_space<hbm>> -> memref<32x768xf32, #tpu.memory_space<hbm>>
    tpu.enqueue_dma source(%dma_start3A_335 : memref<32x768xf32, #tpu.memory_space<hbm>>) target(%arg6 : memref<32x768xf32, #tpu.memory_space<vmem>>) target_semaphore(%arg11 : memref<!tpu.dma_semaphore, #tpu.memory_space<semaphore_mem>>)
    %dma_wait3A_336 = arith.constant 1 : i32
    %dma_wait3A_337 = arith.constant 0 : i32
    %dma_wait3A_338 = tpu.memref_slice %arg2[%dma_wait3A_336, %add3A_296, %dma_wait3A_337] : memref<4x8192x768xf32, #tpu.memory_space<hbm>> -> memref<1x32x768xf32, #tpu.memory_space<hbm>>
    %dma_wait3A_339 = tpu.memref_squeeze %dma_wait3A_338 : memref<1x32x768xf32, #tpu.memory_space<hbm>> -> memref<32x768xf32, #tpu.memory_space<hbm>>
    %dma_wait3A_340 = arith.constant 0 : i32
    %dma_wait3A_341 = tpu.memref_slice %arg2[%dma_wait3A_336, %add3A_296, %dma_wait3A_340] : memref<4x8192x768xf32, #tpu.memory_space<hbm>> -> memref<1x32x768xf32, #tpu.memory_space<hbm>>
    %dma_wait3A_342 = tpu.memref_squeeze %dma_wait3A_341 : memref<1x32x768xf32, #tpu.memory_space<hbm>> -> memref<32x768xf32, #tpu.memory_space<hbm>>
    tpu.wait_dma2 semaphore(%arg10 : memref<!tpu.dma_semaphore, #tpu.memory_space<semaphore_mem>>) src(%dma_wait3A_342 : memref<32x768xf32, #tpu.memory_space<hbm>>) dst(%arg5 : memref<32x768xf32, #tpu.memory_space<vmem>>)
    %add3A_343 = arith.constant 64 : i32
    %add3A_344 = arith.addi %mul3A_2, %add3A_343 : i32
    %dma_start3A_345 = arith.constant 1 : i32
    %dma_start3A_346 = arith.constant 0 : i32
    %dma_start3A_347 = tpu.memref_slice %arg4[%dma_start3A_345, %add3A_344, %dma_start3A_346] : memref<4x8192x768xf32, #tpu.memory_space<hbm>> -> memref<1x32x768xf32, #tpu.memory_space<hbm>>
    %dma_start3A_348 = tpu.memref_squeeze %dma_start3A_347 : memref<1x32x768xf32, #tpu.memory_space<hbm>> -> memref<32x768xf32, #tpu.memory_space<hbm>>
    %dma_start3A_349 = arith.constant 0 : i32
    %dma_start3A_350 = tpu.memref_slice %arg4[%dma_start3A_345, %add3A_344, %dma_start3A_349] : memref<4x8192x768xf32, #tpu.memory_space<hbm>> -> memref<1x32x768xf32, #tpu.memory_space<hbm>>
    %dma_start3A_351 = tpu.memref_squeeze %dma_start3A_350 : memref<1x32x768xf32, #tpu.memory_space<hbm>> -> memref<32x768xf32, #tpu.memory_space<hbm>>
    tpu.enqueue_dma source(%arg5 : memref<32x768xf32, #tpu.memory_space<vmem>>) target(%dma_start3A_351 : memref<32x768xf32, #tpu.memory_space<hbm>>) target_semaphore(%arg13 : memref<!tpu.dma_semaphore, #tpu.memory_space<semaphore_mem>>)
    %dma_wait3A_352 = arith.constant 0 : i32
    %dma_wait3A_353 = arith.constant 0 : i32
    %dma_wait3A_354 = tpu.memref_slice %arg4[%dma_wait3A_352, %add3A_312, %dma_wait3A_353] : memref<4x8192x768xf32, #tpu.memory_space<hbm>> -> memref<1x32x768xf32, #tpu.memory_space<hbm>>
    %dma_wait3A_355 = tpu.memref_squeeze %dma_wait3A_354 : memref<1x32x768xf32, #tpu.memory_space<hbm>> -> memref<32x768xf32, #tpu.memory_space<hbm>>
    %dma_wait3A_356 = arith.constant 0 : i32
    %dma_wait3A_357 = tpu.memref_slice %arg4[%dma_wait3A_352, %add3A_312, %dma_wait3A_356] : memref<4x8192x768xf32, #tpu.memory_space<hbm>> -> memref<1x32x768xf32, #tpu.memory_space<hbm>>
    %dma_wait3A_358 = tpu.memref_squeeze %dma_wait3A_357 : memref<1x32x768xf32, #tpu.memory_space<hbm>> -> memref<32x768xf32, #tpu.memory_space<hbm>>
    tpu.wait_dma2 semaphore(%arg15 : memref<!tpu.dma_semaphore, #tpu.memory_space<semaphore_mem>>) src(%arg7 : memref<32x768xf32, #tpu.memory_space<vmem>>) dst(%dma_wait3A_358 : memref<32x768xf32, #tpu.memory_space<hbm>>)
    %add3A_359 = arith.constant 64 : i32
    %add3A_360 = arith.addi %mul3A_2, %add3A_359 : i32
    %dma_start3A_361 = arith.constant 3 : i32
    %dma_start3A_362 = arith.constant 0 : i32
    %dma_start3A_363 = tpu.memref_slice %arg2[%dma_start3A_361, %add3A_360, %dma_start3A_362] : memref<4x8192x768xf32, #tpu.memory_space<hbm>> -> memref<1x32x768xf32, #tpu.memory_space<hbm>>
    %dma_start3A_364 = tpu.memref_squeeze %dma_start3A_363 : memref<1x32x768xf32, #tpu.memory_space<hbm>> -> memref<32x768xf32, #tpu.memory_space<hbm>>
    %dma_start3A_365 = arith.constant 0 : i32
    %dma_start3A_366 = tpu.memref_slice %arg2[%dma_start3A_361, %add3A_360, %dma_start3A_365] : memref<4x8192x768xf32, #tpu.memory_space<hbm>> -> memref<1x32x768xf32, #tpu.memory_space<hbm>>
    %dma_start3A_367 = tpu.memref_squeeze %dma_start3A_366 : memref<1x32x768xf32, #tpu.memory_space<hbm>> -> memref<32x768xf32, #tpu.memory_space<hbm>>
    tpu.enqueue_dma source(%dma_start3A_367 : memref<32x768xf32, #tpu.memory_space<hbm>>) target(%arg7 : memref<32x768xf32, #tpu.memory_space<vmem>>) target_semaphore(%arg12 : memref<!tpu.dma_semaphore, #tpu.memory_space<semaphore_mem>>)
    %dma_wait3A_368 = arith.constant 2 : i32
    %dma_wait3A_369 = arith.constant 0 : i32
    %dma_wait3A_370 = tpu.memref_slice %arg2[%dma_wait3A_368, %add3A_328, %dma_wait3A_369] : memref<4x8192x768xf32, #tpu.memory_space<hbm>> -> memref<1x32x768xf32, #tpu.memory_space<hbm>>
    %dma_wait3A_371 = tpu.memref_squeeze %dma_wait3A_370 : memref<1x32x768xf32, #tpu.memory_space<hbm>> -> memref<32x768xf32, #tpu.memory_space<hbm>>
    %dma_wait3A_372 = arith.constant 0 : i32
    %dma_wait3A_373 = tpu.memref_slice %arg2[%dma_wait3A_368, %add3A_328, %dma_wait3A_372] : memref<4x8192x768xf32, #tpu.memory_space<hbm>> -> memref<1x32x768xf32, #tpu.memory_space<hbm>>
    %dma_wait3A_374 = tpu.memref_squeeze %dma_wait3A_373 : memref<1x32x768xf32, #tpu.memory_space<hbm>> -> memref<32x768xf32, #tpu.memory_space<hbm>>
    tpu.wait_dma2 semaphore(%arg11 : memref<!tpu.dma_semaphore, #tpu.memory_space<semaphore_mem>>) src(%dma_wait3A_374 : memref<32x768xf32, #tpu.memory_space<hbm>>) dst(%arg6 : memref<32x768xf32, #tpu.memory_space<vmem>>)
    %add3A_375 = arith.constant 64 : i32
    %add3A_376 = arith.addi %mul3A_2, %add3A_375 : i32
    %dma_start3A_377 = arith.constant 2 : i32
    %dma_start3A_378 = arith.constant 0 : i32
    %dma_start3A_379 = tpu.memref_slice %arg4[%dma_start3A_377, %add3A_376, %dma_start3A_378] : memref<4x8192x768xf32, #tpu.memory_space<hbm>> -> memref<1x32x768xf32, #tpu.memory_space<hbm>>
    %dma_start3A_380 = tpu.memref_squeeze %dma_start3A_379 : memref<1x32x768xf32, #tpu.memory_space<hbm>> -> memref<32x768xf32, #tpu.memory_space<hbm>>
    %dma_start3A_381 = arith.constant 0 : i32
    %dma_start3A_382 = tpu.memref_slice %arg4[%dma_start3A_377, %add3A_376, %dma_start3A_381] : memref<4x8192x768xf32, #tpu.memory_space<hbm>> -> memref<1x32x768xf32, #tpu.memory_space<hbm>>
    %dma_start3A_383 = tpu.memref_squeeze %dma_start3A_382 : memref<1x32x768xf32, #tpu.memory_space<hbm>> -> memref<32x768xf32, #tpu.memory_space<hbm>>
    tpu.enqueue_dma source(%arg6 : memref<32x768xf32, #tpu.memory_space<vmem>>) target(%dma_start3A_383 : memref<32x768xf32, #tpu.memory_space<hbm>>) target_semaphore(%arg14 : memref<!tpu.dma_semaphore, #tpu.memory_space<semaphore_mem>>)
    %dma_wait3A_384 = arith.constant 1 : i32
    %dma_wait3A_385 = arith.constant 0 : i32
    %dma_wait3A_386 = tpu.memref_slice %arg4[%dma_wait3A_384, %add3A_344, %dma_wait3A_385] : memref<4x8192x768xf32, #tpu.memory_space<hbm>> -> memref<1x32x768xf32, #tpu.memory_space<hbm>>
    %dma_wait3A_387 = tpu.memref_squeeze %dma_wait3A_386 : memref<1x32x768xf32, #tpu.memory_space<hbm>> -> memref<32x768xf32, #tpu.memory_space<hbm>>
    %dma_wait3A_388 = arith.constant 0 : i32
    %dma_wait3A_389 = tpu.memref_slice %arg4[%dma_wait3A_384, %add3A_344, %dma_wait3A_388] : memref<4x8192x768xf32, #tpu.memory_space<hbm>> -> memref<1x32x768xf32, #tpu.memory_space<hbm>>
    %dma_wait3A_390 = tpu.memref_squeeze %dma_wait3A_389 : memref<1x32x768xf32, #tpu.memory_space<hbm>> -> memref<32x768xf32, #tpu.memory_space<hbm>>
    tpu.wait_dma2 semaphore(%arg13 : memref<!tpu.dma_semaphore, #tpu.memory_space<semaphore_mem>>) src(%arg5 : memref<32x768xf32, #tpu.memory_space<vmem>>) dst(%dma_wait3A_390 : memref<32x768xf32, #tpu.memory_space<hbm>>)
    %add3A_391 = arith.constant 96 : i32
    %add3A_392 = arith.addi %mul3A_2, %add3A_391 : i32
    %dma_start3A_393 = arith.constant 0 : i32
    %dma_start3A_394 = arith.constant 0 : i32
    %dma_start3A_395 = tpu.memref_slice %arg2[%dma_start3A_393, %add3A_392, %dma_start3A_394] : memref<4x8192x768xf32, #tpu.memory_space<hbm>> -> memref<1x32x768xf32, #tpu.memory_space<hbm>>
    %dma_start3A_396 = tpu.memref_squeeze %dma_start3A_395 : memref<1x32x768xf32, #tpu.memory_space<hbm>> -> memref<32x768xf32, #tpu.memory_space<hbm>>
    %dma_start3A_397 = arith.constant 0 : i32
    %dma_start3A_398 = tpu.memref_slice %arg2[%dma_start3A_393, %add3A_392, %dma_start3A_397] : memref<4x8192x768xf32, #tpu.memory_space<hbm>> -> memref<1x32x768xf32, #tpu.memory_space<hbm>>
    %dma_start3A_399 = tpu.memref_squeeze %dma_start3A_398 : memref<1x32x768xf32, #tpu.memory_space<hbm>> -> memref<32x768xf32, #tpu.memory_space<hbm>>
    tpu.enqueue_dma source(%dma_start3A_399 : memref<32x768xf32, #tpu.memory_space<hbm>>) target(%arg5 : memref<32x768xf32, #tpu.memory_space<vmem>>) target_semaphore(%arg10 : memref<!tpu.dma_semaphore, #tpu.memory_space<semaphore_mem>>)
    %dma_wait3A_400 = arith.constant 3 : i32
    %dma_wait3A_401 = arith.constant 0 : i32
    %dma_wait3A_402 = tpu.memref_slice %arg2[%dma_wait3A_400, %add3A_360, %dma_wait3A_401] : memref<4x8192x768xf32, #tpu.memory_space<hbm>> -> memref<1x32x768xf32, #tpu.memory_space<hbm>>
    %dma_wait3A_403 = tpu.memref_squeeze %dma_wait3A_402 : memref<1x32x768xf32, #tpu.memory_space<hbm>> -> memref<32x768xf32, #tpu.memory_space<hbm>>
    %dma_wait3A_404 = arith.constant 0 : i32
    %dma_wait3A_405 = tpu.memref_slice %arg2[%dma_wait3A_400, %add3A_360, %dma_wait3A_404] : memref<4x8192x768xf32, #tpu.memory_space<hbm>> -> memref<1x32x768xf32, #tpu.memory_space<hbm>>
    %dma_wait3A_406 = tpu.memref_squeeze %dma_wait3A_405 : memref<1x32x768xf32, #tpu.memory_space<hbm>> -> memref<32x768xf32, #tpu.memory_space<hbm>>
    tpu.wait_dma2 semaphore(%arg12 : memref<!tpu.dma_semaphore, #tpu.memory_space<semaphore_mem>>) src(%dma_wait3A_406 : memref<32x768xf32, #tpu.memory_space<hbm>>) dst(%arg7 : memref<32x768xf32, #tpu.memory_space<vmem>>)
    %add3A_407 = arith.constant 64 : i32
    %add3A_408 = arith.addi %mul3A_2, %add3A_407 : i32
    %dma_start3A_409 = arith.constant 3 : i32
    %dma_start3A_410 = arith.constant 0 : i32
    %dma_start3A_411 = tpu.memref_slice %arg4[%dma_start3A_409, %add3A_408, %dma_start3A_410] : memref<4x8192x768xf32, #tpu.memory_space<hbm>> -> memref<1x32x768xf32, #tpu.memory_space<hbm>>
    %dma_start3A_412 = tpu.memref_squeeze %dma_start3A_411 : memref<1x32x768xf32, #tpu.memory_space<hbm>> -> memref<32x768xf32, #tpu.memory_space<hbm>>
    %dma_start3A_413 = arith.constant 0 : i32
    %dma_start3A_414 = tpu.memref_slice %arg4[%dma_start3A_409, %add3A_408, %dma_start3A_413] : memref<4x8192x768xf32, #tpu.memory_space<hbm>> -> memref<1x32x768xf32, #tpu.memory_space<hbm>>
    %dma_start3A_415 = tpu.memref_squeeze %dma_start3A_414 : memref<1x32x768xf32, #tpu.memory_space<hbm>> -> memref<32x768xf32, #tpu.memory_space<hbm>>
    tpu.enqueue_dma source(%arg7 : memref<32x768xf32, #tpu.memory_space<vmem>>) target(%dma_start3A_415 : memref<32x768xf32, #tpu.memory_space<hbm>>) target_semaphore(%arg15 : memref<!tpu.dma_semaphore, #tpu.memory_space<semaphore_mem>>)
    %dma_wait3A_416 = arith.constant 0 : i32
    %dma_wait3A_417 = tpu.memref_slice %arg3[%add3A_283, %dma_wait3A_416] : memref<8192x768xf32, #tpu.memory_space<hbm>> -> memref<32x768xf32, #tpu.memory_space<hbm>>
    %dma_wait3A_418 = arith.constant 0 : i32
    %dma_wait3A_419 = tpu.memref_slice %arg3[%add3A_283, %dma_wait3A_418] : memref<8192x768xf32, #tpu.memory_space<hbm>> -> memref<32x768xf32, #tpu.memory_space<hbm>>
    tpu.wait_dma2 semaphore(%arg17 : memref<!tpu.dma_semaphore, #tpu.memory_space<semaphore_mem>>) src(%dma_wait3A_419 : memref<32x768xf32, #tpu.memory_space<hbm>>) dst(%arg9 : memref<32x768xf32, #tpu.memory_space<vmem>>)
    %add3A_420 = arith.constant 128 : i32
    %add3A_421 = arith.addi %mul3A_2, %add3A_420 : i32
    %dma_start3A_422 = arith.constant 0 : i32
    %dma_start3A_423 = tpu.memref_slice %arg3[%add3A_421, %dma_start3A_422] : memref<8192x768xf32, #tpu.memory_space<hbm>> -> memref<32x768xf32, #tpu.memory_space<hbm>>
    %dma_start3A_424 = arith.constant 0 : i32
    %dma_start3A_425 = tpu.memref_slice %arg3[%add3A_421, %dma_start3A_424] : memref<8192x768xf32, #tpu.memory_space<hbm>> -> memref<32x768xf32, #tpu.memory_space<hbm>>
    tpu.enqueue_dma source(%dma_start3A_425 : memref<32x768xf32, #tpu.memory_space<hbm>>) target(%arg8 : memref<32x768xf32, #tpu.memory_space<vmem>>) target_semaphore(%arg16 : memref<!tpu.dma_semaphore, #tpu.memory_space<semaphore_mem>>)
    %dma_wait3A_426 = arith.constant 2 : i32
    %dma_wait3A_427 = arith.constant 0 : i32
    %dma_wait3A_428 = tpu.memref_slice %arg4[%dma_wait3A_426, %add3A_376, %dma_wait3A_427] : memref<4x8192x768xf32, #tpu.memory_space<hbm>> -> memref<1x32x768xf32, #tpu.memory_space<hbm>>
    %dma_wait3A_429 = tpu.memref_squeeze %dma_wait3A_428 : memref<1x32x768xf32, #tpu.memory_space<hbm>> -> memref<32x768xf32, #tpu.memory_space<hbm>>
    %dma_wait3A_430 = arith.constant 0 : i32
    %dma_wait3A_431 = tpu.memref_slice %arg4[%dma_wait3A_426, %add3A_376, %dma_wait3A_430] : memref<4x8192x768xf32, #tpu.memory_space<hbm>> -> memref<1x32x768xf32, #tpu.memory_space<hbm>>
    %dma_wait3A_432 = tpu.memref_squeeze %dma_wait3A_431 : memref<1x32x768xf32, #tpu.memory_space<hbm>> -> memref<32x768xf32, #tpu.memory_space<hbm>>
    tpu.wait_dma2 semaphore(%arg14 : memref<!tpu.dma_semaphore, #tpu.memory_space<semaphore_mem>>) src(%arg6 : memref<32x768xf32, #tpu.memory_space<vmem>>) dst(%dma_wait3A_432 : memref<32x768xf32, #tpu.memory_space<hbm>>)
    %add3A_433 = arith.constant 96 : i32
    %add3A_434 = arith.addi %mul3A_2, %add3A_433 : i32
    %dma_start3A_435 = arith.constant 1 : i32
    %dma_start3A_436 = arith.constant 0 : i32
    %dma_start3A_437 = tpu.memref_slice %arg2[%dma_start3A_435, %add3A_434, %dma_start3A_436] : memref<4x8192x768xf32, #tpu.memory_space<hbm>> -> memref<1x32x768xf32, #tpu.memory_space<hbm>>
    %dma_start3A_438 = tpu.memref_squeeze %dma_start3A_437 : memref<1x32x768xf32, #tpu.memory_space<hbm>> -> memref<32x768xf32, #tpu.memory_space<hbm>>
    %dma_start3A_439 = arith.constant 0 : i32
    %dma_start3A_440 = tpu.memref_slice %arg2[%dma_start3A_435, %add3A_434, %dma_start3A_439] : memref<4x8192x768xf32, #tpu.memory_space<hbm>> -> memref<1x32x768xf32, #tpu.memory_space<hbm>>
    %dma_start3A_441 = tpu.memref_squeeze %dma_start3A_440 : memref<1x32x768xf32, #tpu.memory_space<hbm>> -> memref<32x768xf32, #tpu.memory_space<hbm>>
    tpu.enqueue_dma source(%dma_start3A_441 : memref<32x768xf32, #tpu.memory_space<hbm>>) target(%arg6 : memref<32x768xf32, #tpu.memory_space<vmem>>) target_semaphore(%arg11 : memref<!tpu.dma_semaphore, #tpu.memory_space<semaphore_mem>>)
    %dma_wait3A_442 = arith.constant 0 : i32
    %dma_wait3A_443 = arith.constant 0 : i32
    %dma_wait3A_444 = tpu.memref_slice %arg2[%dma_wait3A_442, %add3A_392, %dma_wait3A_443] : memref<4x8192x768xf32, #tpu.memory_space<hbm>> -> memref<1x32x768xf32, #tpu.memory_space<hbm>>
    %dma_wait3A_445 = tpu.memref_squeeze %dma_wait3A_444 : memref<1x32x768xf32, #tpu.memory_space<hbm>> -> memref<32x768xf32, #tpu.memory_space<hbm>>
    %dma_wait3A_446 = arith.constant 0 : i32
    %dma_wait3A_447 = tpu.memref_slice %arg2[%dma_wait3A_442, %add3A_392, %dma_wait3A_446] : memref<4x8192x768xf32, #tpu.memory_space<hbm>> -> memref<1x32x768xf32, #tpu.memory_space<hbm>>
    %dma_wait3A_448 = tpu.memref_squeeze %dma_wait3A_447 : memref<1x32x768xf32, #tpu.memory_space<hbm>> -> memref<32x768xf32, #tpu.memory_space<hbm>>
    tpu.wait_dma2 semaphore(%arg10 : memref<!tpu.dma_semaphore, #tpu.memory_space<semaphore_mem>>) src(%dma_wait3A_448 : memref<32x768xf32, #tpu.memory_space<hbm>>) dst(%arg5 : memref<32x768xf32, #tpu.memory_space<vmem>>)
    %add3A_449 = arith.constant 96 : i32
    %add3A_450 = arith.addi %mul3A_2, %add3A_449 : i32
    %dma_start3A_451 = arith.constant 0 : i32
    %dma_start3A_452 = arith.constant 0 : i32
    %dma_start3A_453 = tpu.memref_slice %arg4[%dma_start3A_451, %add3A_450, %dma_start3A_452] : memref<4x8192x768xf32, #tpu.memory_space<hbm>> -> memref<1x32x768xf32, #tpu.memory_space<hbm>>
    %dma_start3A_454 = tpu.memref_squeeze %dma_start3A_453 : memref<1x32x768xf32, #tpu.memory_space<hbm>> -> memref<32x768xf32, #tpu.memory_space<hbm>>
    %dma_start3A_455 = arith.constant 0 : i32
    %dma_start3A_456 = tpu.memref_slice %arg4[%dma_start3A_451, %add3A_450, %dma_start3A_455] : memref<4x8192x768xf32, #tpu.memory_space<hbm>> -> memref<1x32x768xf32, #tpu.memory_space<hbm>>
    %dma_start3A_457 = tpu.memref_squeeze %dma_start3A_456 : memref<1x32x768xf32, #tpu.memory_space<hbm>> -> memref<32x768xf32, #tpu.memory_space<hbm>>
    tpu.enqueue_dma source(%arg5 : memref<32x768xf32, #tpu.memory_space<vmem>>) target(%dma_start3A_457 : memref<32x768xf32, #tpu.memory_space<hbm>>) target_semaphore(%arg13 : memref<!tpu.dma_semaphore, #tpu.memory_space<semaphore_mem>>)
    %dma_wait3A_458 = arith.constant 3 : i32
    %dma_wait3A_459 = arith.constant 0 : i32
    %dma_wait3A_460 = tpu.memref_slice %arg4[%dma_wait3A_458, %add3A_408, %dma_wait3A_459] : memref<4x8192x768xf32, #tpu.memory_space<hbm>> -> memref<1x32x768xf32, #tpu.memory_space<hbm>>
    %dma_wait3A_461 = tpu.memref_squeeze %dma_wait3A_460 : memref<1x32x768xf32, #tpu.memory_space<hbm>> -> memref<32x768xf32, #tpu.memory_space<hbm>>
    %dma_wait3A_462 = arith.constant 0 : i32
    %dma_wait3A_463 = tpu.memref_slice %arg4[%dma_wait3A_458, %add3A_408, %dma_wait3A_462] : memref<4x8192x768xf32, #tpu.memory_space<hbm>> -> memref<1x32x768xf32, #tpu.memory_space<hbm>>
    %dma_wait3A_464 = tpu.memref_squeeze %dma_wait3A_463 : memref<1x32x768xf32, #tpu.memory_space<hbm>> -> memref<32x768xf32, #tpu.memory_space<hbm>>
    tpu.wait_dma2 semaphore(%arg15 : memref<!tpu.dma_semaphore, #tpu.memory_space<semaphore_mem>>) src(%arg7 : memref<32x768xf32, #tpu.memory_space<vmem>>) dst(%dma_wait3A_464 : memref<32x768xf32, #tpu.memory_space<hbm>>)
    %add3A_465 = arith.constant 96 : i32
    %add3A_466 = arith.addi %mul3A_2, %add3A_465 : i32
    %dma_start3A_467 = arith.constant 2 : i32
    %dma_start3A_468 = arith.constant 0 : i32
    %dma_start3A_469 = tpu.memref_slice %arg2[%dma_start3A_467, %add3A_466, %dma_start3A_468] : memref<4x8192x768xf32, #tpu.memory_space<hbm>> -> memref<1x32x768xf32, #tpu.memory_space<hbm>>
    %dma_start3A_470 = tpu.memref_squeeze %dma_start3A_469 : memref<1x32x768xf32, #tpu.memory_space<hbm>> -> memref<32x768xf32, #tpu.memory_space<hbm>>
    %dma_start3A_471 = arith.constant 0 : i32
    %dma_start3A_472 = tpu.memref_slice %arg2[%dma_start3A_467, %add3A_466, %dma_start3A_471] : memref<4x8192x768xf32, #tpu.memory_space<hbm>> -> memref<1x32x768xf32, #tpu.memory_space<hbm>>
    %dma_start3A_473 = tpu.memref_squeeze %dma_start3A_472 : memref<1x32x768xf32, #tpu.memory_space<hbm>> -> memref<32x768xf32, #tpu.memory_space<hbm>>
    tpu.enqueue_dma source(%dma_start3A_473 : memref<32x768xf32, #tpu.memory_space<hbm>>) target(%arg7 : memref<32x768xf32, #tpu.memory_space<vmem>>) target_semaphore(%arg12 : memref<!tpu.dma_semaphore, #tpu.memory_space<semaphore_mem>>)
    %dma_wait3A_474 = arith.constant 1 : i32
    %dma_wait3A_475 = arith.constant 0 : i32
    %dma_wait3A_476 = tpu.memref_slice %arg2[%dma_wait3A_474, %add3A_434, %dma_wait3A_475] : memref<4x8192x768xf32, #tpu.memory_space<hbm>> -> memref<1x32x768xf32, #tpu.memory_space<hbm>>
    %dma_wait3A_477 = tpu.memref_squeeze %dma_wait3A_476 : memref<1x32x768xf32, #tpu.memory_space<hbm>> -> memref<32x768xf32, #tpu.memory_space<hbm>>
    %dma_wait3A_478 = arith.constant 0 : i32
    %dma_wait3A_479 = tpu.memref_slice %arg2[%dma_wait3A_474, %add3A_434, %dma_wait3A_478] : memref<4x8192x768xf32, #tpu.memory_space<hbm>> -> memref<1x32x768xf32, #tpu.memory_space<hbm>>
    %dma_wait3A_480 = tpu.memref_squeeze %dma_wait3A_479 : memref<1x32x768xf32, #tpu.memory_space<hbm>> -> memref<32x768xf32, #tpu.memory_space<hbm>>
    tpu.wait_dma2 semaphore(%arg11 : memref<!tpu.dma_semaphore, #tpu.memory_space<semaphore_mem>>) src(%dma_wait3A_480 : memref<32x768xf32, #tpu.memory_space<hbm>>) dst(%arg6 : memref<32x768xf32, #tpu.memory_space<vmem>>)
    %add3A_481 = arith.constant 96 : i32
    %add3A_482 = arith.addi %mul3A_2, %add3A_481 : i32
    %dma_start3A_483 = arith.constant 1 : i32
    %dma_start3A_484 = arith.constant 0 : i32
    %dma_start3A_485 = tpu.memref_slice %arg4[%dma_start3A_483, %add3A_482, %dma_start3A_484] : memref<4x8192x768xf32, #tpu.memory_space<hbm>> -> memref<1x32x768xf32, #tpu.memory_space<hbm>>
    %dma_start3A_486 = tpu.memref_squeeze %dma_start3A_485 : memref<1x32x768xf32, #tpu.memory_space<hbm>> -> memref<32x768xf32, #tpu.memory_space<hbm>>
    %dma_start3A_487 = arith.constant 0 : i32
    %dma_start3A_488 = tpu.memref_slice %arg4[%dma_start3A_483, %add3A_482, %dma_start3A_487] : memref<4x8192x768xf32, #tpu.memory_space<hbm>> -> memref<1x32x768xf32, #tpu.memory_space<hbm>>
    %dma_start3A_489 = tpu.memref_squeeze %dma_start3A_488 : memref<1x32x768xf32, #tpu.memory_space<hbm>> -> memref<32x768xf32, #tpu.memory_space<hbm>>
    tpu.enqueue_dma source(%arg6 : memref<32x768xf32, #tpu.memory_space<vmem>>) target(%dma_start3A_489 : memref<32x768xf32, #tpu.memory_space<hbm>>) target_semaphore(%arg14 : memref<!tpu.dma_semaphore, #tpu.memory_space<semaphore_mem>>)
    %dma_wait3A_490 = arith.constant 0 : i32
    %dma_wait3A_491 = arith.constant 0 : i32
    %dma_wait3A_492 = tpu.memref_slice %arg4[%dma_wait3A_490, %add3A_450, %dma_wait3A_491] : memref<4x8192x768xf32, #tpu.memory_space<hbm>> -> memref<1x32x768xf32, #tpu.memory_space<hbm>>
    %dma_wait3A_493 = tpu.memref_squeeze %dma_wait3A_492 : memref<1x32x768xf32, #tpu.memory_space<hbm>> -> memref<32x768xf32, #tpu.memory_space<hbm>>
    %dma_wait3A_494 = arith.constant 0 : i32
    %dma_wait3A_495 = tpu.memref_slice %arg4[%dma_wait3A_490, %add3A_450, %dma_wait3A_494] : memref<4x8192x768xf32, #tpu.memory_space<hbm>> -> memref<1x32x768xf32, #tpu.memory_space<hbm>>
    %dma_wait3A_496 = tpu.memref_squeeze %dma_wait3A_495 : memref<1x32x768xf32, #tpu.memory_space<hbm>> -> memref<32x768xf32, #tpu.memory_space<hbm>>
    tpu.wait_dma2 semaphore(%arg13 : memref<!tpu.dma_semaphore, #tpu.memory_space<semaphore_mem>>) src(%arg5 : memref<32x768xf32, #tpu.memory_space<vmem>>) dst(%dma_wait3A_496 : memref<32x768xf32, #tpu.memory_space<hbm>>)
    %add3A_497 = arith.constant 96 : i32
    %add3A_498 = arith.addi %mul3A_2, %add3A_497 : i32
    %dma_start3A_499 = arith.constant 3 : i32
    %dma_start3A_500 = arith.constant 0 : i32
    %dma_start3A_501 = tpu.memref_slice %arg2[%dma_start3A_499, %add3A_498, %dma_start3A_500] : memref<4x8192x768xf32, #tpu.memory_space<hbm>> -> memref<1x32x768xf32, #tpu.memory_space<hbm>>
    %dma_start3A_502 = tpu.memref_squeeze %dma_start3A_501 : memref<1x32x768xf32, #tpu.memory_space<hbm>> -> memref<32x768xf32, #tpu.memory_space<hbm>>
    %dma_start3A_503 = arith.constant 0 : i32
    %dma_start3A_504 = tpu.memref_slice %arg2[%dma_start3A_499, %add3A_498, %dma_start3A_503] : memref<4x8192x768xf32, #tpu.memory_space<hbm>> -> memref<1x32x768xf32, #tpu.memory_space<hbm>>
    %dma_start3A_505 = tpu.memref_squeeze %dma_start3A_504 : memref<1x32x768xf32, #tpu.memory_space<hbm>> -> memref<32x768xf32, #tpu.memory_space<hbm>>
    tpu.enqueue_dma source(%dma_start3A_505 : memref<32x768xf32, #tpu.memory_space<hbm>>) target(%arg5 : memref<32x768xf32, #tpu.memory_space<vmem>>) target_semaphore(%arg10 : memref<!tpu.dma_semaphore, #tpu.memory_space<semaphore_mem>>)
    %dma_wait3A_506 = arith.constant 2 : i32
    %dma_wait3A_507 = arith.constant 0 : i32
    %dma_wait3A_508 = tpu.memref_slice %arg2[%dma_wait3A_506, %add3A_466, %dma_wait3A_507] : memref<4x8192x768xf32, #tpu.memory_space<hbm>> -> memref<1x32x768xf32, #tpu.memory_space<hbm>>
    %dma_wait3A_509 = tpu.memref_squeeze %dma_wait3A_508 : memref<1x32x768xf32, #tpu.memory_space<hbm>> -> memref<32x768xf32, #tpu.memory_space<hbm>>
    %dma_wait3A_510 = arith.constant 0 : i32
    %dma_wait3A_511 = tpu.memref_slice %arg2[%dma_wait3A_506, %add3A_466, %dma_wait3A_510] : memref<4x8192x768xf32, #tpu.memory_space<hbm>> -> memref<1x32x768xf32, #tpu.memory_space<hbm>>
    %dma_wait3A_512 = tpu.memref_squeeze %dma_wait3A_511 : memref<1x32x768xf32, #tpu.memory_space<hbm>> -> memref<32x768xf32, #tpu.memory_space<hbm>>
    tpu.wait_dma2 semaphore(%arg12 : memref<!tpu.dma_semaphore, #tpu.memory_space<semaphore_mem>>) src(%dma_wait3A_512 : memref<32x768xf32, #tpu.memory_space<hbm>>) dst(%arg7 : memref<32x768xf32, #tpu.memory_space<vmem>>)
    %add3A_513 = arith.constant 96 : i32
    %add3A_514 = arith.addi %mul3A_2, %add3A_513 : i32
    %dma_start3A_515 = arith.constant 2 : i32
    %dma_start3A_516 = arith.constant 0 : i32
    %dma_start3A_517 = tpu.memref_slice %arg4[%dma_start3A_515, %add3A_514, %dma_start3A_516] : memref<4x8192x768xf32, #tpu.memory_space<hbm>> -> memref<1x32x768xf32, #tpu.memory_space<hbm>>
    %dma_start3A_518 = tpu.memref_squeeze %dma_start3A_517 : memref<1x32x768xf32, #tpu.memory_space<hbm>> -> memref<32x768xf32, #tpu.memory_space<hbm>>
    %dma_start3A_519 = arith.constant 0 : i32
    %dma_start3A_520 = tpu.memref_slice %arg4[%dma_start3A_515, %add3A_514, %dma_start3A_519] : memref<4x8192x768xf32, #tpu.memory_space<hbm>> -> memref<1x32x768xf32, #tpu.memory_space<hbm>>
    %dma_start3A_521 = tpu.memref_squeeze %dma_start3A_520 : memref<1x32x768xf32, #tpu.memory_space<hbm>> -> memref<32x768xf32, #tpu.memory_space<hbm>>
    tpu.enqueue_dma source(%arg7 : memref<32x768xf32, #tpu.memory_space<vmem>>) target(%dma_start3A_521 : memref<32x768xf32, #tpu.memory_space<hbm>>) target_semaphore(%arg15 : memref<!tpu.dma_semaphore, #tpu.memory_space<semaphore_mem>>)
    %dma_wait3A_522 = arith.constant 1 : i32
    %dma_wait3A_523 = arith.constant 0 : i32
    %dma_wait3A_524 = tpu.memref_slice %arg4[%dma_wait3A_522, %add3A_482, %dma_wait3A_523] : memref<4x8192x768xf32, #tpu.memory_space<hbm>> -> memref<1x32x768xf32, #tpu.memory_space<hbm>>
    %dma_wait3A_525 = tpu.memref_squeeze %dma_wait3A_524 : memref<1x32x768xf32, #tpu.memory_space<hbm>> -> memref<32x768xf32, #tpu.memory_space<hbm>>
    %dma_wait3A_526 = arith.constant 0 : i32
    %dma_wait3A_527 = tpu.memref_slice %arg4[%dma_wait3A_522, %add3A_482, %dma_wait3A_526] : memref<4x8192x768xf32, #tpu.memory_space<hbm>> -> memref<1x32x768xf32, #tpu.memory_space<hbm>>
    %dma_wait3A_528 = tpu.memref_squeeze %dma_wait3A_527 : memref<1x32x768xf32, #tpu.memory_space<hbm>> -> memref<32x768xf32, #tpu.memory_space<hbm>>
    tpu.wait_dma2 semaphore(%arg14 : memref<!tpu.dma_semaphore, #tpu.memory_space<semaphore_mem>>) src(%arg6 : memref<32x768xf32, #tpu.memory_space<vmem>>) dst(%dma_wait3A_528 : memref<32x768xf32, #tpu.memory_space<hbm>>)
    %add3A_529 = arith.constant 128 : i32
    %add3A_530 = arith.addi %mul3A_2, %add3A_529 : i32
    %dma_start3A_531 = arith.constant 0 : i32
    %dma_start3A_532 = arith.constant 0 : i32
    %dma_start3A_533 = tpu.memref_slice %arg2[%dma_start3A_531, %add3A_530, %dma_start3A_532] : memref<4x8192x768xf32, #tpu.memory_space<hbm>> -> memref<1x32x768xf32, #tpu.memory_space<hbm>>
    %dma_start3A_534 = tpu.memref_squeeze %dma_start3A_533 : memref<1x32x768xf32, #tpu.memory_space<hbm>> -> memref<32x768xf32, #tpu.memory_space<hbm>>
    %dma_start3A_535 = arith.constant 0 : i32
    %dma_start3A_536 = tpu.memref_slice %arg2[%dma_start3A_531, %add3A_530, %dma_start3A_535] : memref<4x8192x768xf32, #tpu.memory_space<hbm>> -> memref<1x32x768xf32, #tpu.memory_space<hbm>>
    %dma_start3A_537 = tpu.memref_squeeze %dma_start3A_536 : memref<1x32x768xf32, #tpu.memory_space<hbm>> -> memref<32x768xf32, #tpu.memory_space<hbm>>
    tpu.enqueue_dma source(%dma_start3A_537 : memref<32x768xf32, #tpu.memory_space<hbm>>) target(%arg6 : memref<32x768xf32, #tpu.memory_space<vmem>>) target_semaphore(%arg11 : memref<!tpu.dma_semaphore, #tpu.memory_space<semaphore_mem>>)
    %dma_wait3A_538 = arith.constant 3 : i32
    %dma_wait3A_539 = arith.constant 0 : i32
    %dma_wait3A_540 = tpu.memref_slice %arg2[%dma_wait3A_538, %add3A_498, %dma_wait3A_539] : memref<4x8192x768xf32, #tpu.memory_space<hbm>> -> memref<1x32x768xf32, #tpu.memory_space<hbm>>
    %dma_wait3A_541 = tpu.memref_squeeze %dma_wait3A_540 : memref<1x32x768xf32, #tpu.memory_space<hbm>> -> memref<32x768xf32, #tpu.memory_space<hbm>>
    %dma_wait3A_542 = arith.constant 0 : i32
    %dma_wait3A_543 = tpu.memref_slice %arg2[%dma_wait3A_538, %add3A_498, %dma_wait3A_542] : memref<4x8192x768xf32, #tpu.memory_space<hbm>> -> memref<1x32x768xf32, #tpu.memory_space<hbm>>
    %dma_wait3A_544 = tpu.memref_squeeze %dma_wait3A_543 : memref<1x32x768xf32, #tpu.memory_space<hbm>> -> memref<32x768xf32, #tpu.memory_space<hbm>>
    tpu.wait_dma2 semaphore(%arg10 : memref<!tpu.dma_semaphore, #tpu.memory_space<semaphore_mem>>) src(%dma_wait3A_544 : memref<32x768xf32, #tpu.memory_space<hbm>>) dst(%arg5 : memref<32x768xf32, #tpu.memory_space<vmem>>)
    %add3A_545 = arith.constant 96 : i32
    %add3A_546 = arith.addi %mul3A_2, %add3A_545 : i32
    %dma_start3A_547 = arith.constant 3 : i32
    %dma_start3A_548 = arith.constant 0 : i32
    %dma_start3A_549 = tpu.memref_slice %arg4[%dma_start3A_547, %add3A_546, %dma_start3A_548] : memref<4x8192x768xf32, #tpu.memory_space<hbm>> -> memref<1x32x768xf32, #tpu.memory_space<hbm>>
    %dma_start3A_550 = tpu.memref_squeeze %dma_start3A_549 : memref<1x32x768xf32, #tpu.memory_space<hbm>> -> memref<32x768xf32, #tpu.memory_space<hbm>>
    %dma_start3A_551 = arith.constant 0 : i32
    %dma_start3A_552 = tpu.memref_slice %arg4[%dma_start3A_547, %add3A_546, %dma_start3A_551] : memref<4x8192x768xf32, #tpu.memory_space<hbm>> -> memref<1x32x768xf32, #tpu.memory_space<hbm>>
    %dma_start3A_553 = tpu.memref_squeeze %dma_start3A_552 : memref<1x32x768xf32, #tpu.memory_space<hbm>> -> memref<32x768xf32, #tpu.memory_space<hbm>>
    tpu.enqueue_dma source(%arg5 : memref<32x768xf32, #tpu.memory_space<vmem>>) target(%dma_start3A_553 : memref<32x768xf32, #tpu.memory_space<hbm>>) target_semaphore(%arg13 : memref<!tpu.dma_semaphore, #tpu.memory_space<semaphore_mem>>)
    %dma_wait3A_554 = arith.constant 0 : i32
    %dma_wait3A_555 = tpu.memref_slice %arg3[%add3A_421, %dma_wait3A_554] : memref<8192x768xf32, #tpu.memory_space<hbm>> -> memref<32x768xf32, #tpu.memory_space<hbm>>
    %dma_wait3A_556 = arith.constant 0 : i32
    %dma_wait3A_557 = tpu.memref_slice %arg3[%add3A_421, %dma_wait3A_556] : memref<8192x768xf32, #tpu.memory_space<hbm>> -> memref<32x768xf32, #tpu.memory_space<hbm>>
    tpu.wait_dma2 semaphore(%arg16 : memref<!tpu.dma_semaphore, #tpu.memory_space<semaphore_mem>>) src(%dma_wait3A_557 : memref<32x768xf32, #tpu.memory_space<hbm>>) dst(%arg8 : memref<32x768xf32, #tpu.memory_space<vmem>>)
    %add3A_558 = arith.constant 160 : i32
    %add3A_559 = arith.addi %mul3A_2, %add3A_558 : i32
    %dma_start3A_560 = arith.constant 0 : i32
    %dma_start3A_561 = tpu.memref_slice %arg3[%add3A_559, %dma_start3A_560] : memref<8192x768xf32, #tpu.memory_space<hbm>> -> memref<32x768xf32, #tpu.memory_space<hbm>>
    %dma_start3A_562 = arith.constant 0 : i32
    %dma_start3A_563 = tpu.memref_slice %arg3[%add3A_559, %dma_start3A_562] : memref<8192x768xf32, #tpu.memory_space<hbm>> -> memref<32x768xf32, #tpu.memory_space<hbm>>
    tpu.enqueue_dma source(%dma_start3A_563 : memref<32x768xf32, #tpu.memory_space<hbm>>) target(%arg9 : memref<32x768xf32, #tpu.memory_space<vmem>>) target_semaphore(%arg17 : memref<!tpu.dma_semaphore, #tpu.memory_space<semaphore_mem>>)
    %dma_wait3A_564 = arith.constant 2 : i32
    %dma_wait3A_565 = arith.constant 0 : i32
    %dma_wait3A_566 = tpu.memref_slice %arg4[%dma_wait3A_564, %add3A_514, %dma_wait3A_565] : memref<4x8192x768xf32, #tpu.memory_space<hbm>> -> memref<1x32x768xf32, #tpu.memory_space<hbm>>
    %dma_wait3A_567 = tpu.memref_squeeze %dma_wait3A_566 : memref<1x32x768xf32, #tpu.memory_space<hbm>> -> memref<32x768xf32, #tpu.memory_space<hbm>>
    %dma_wait3A_568 = arith.constant 0 : i32
    %dma_wait3A_569 = tpu.memref_slice %arg4[%dma_wait3A_564, %add3A_514, %dma_wait3A_568] : memref<4x8192x768xf32, #tpu.memory_space<hbm>> -> memref<1x32x768xf32, #tpu.memory_space<hbm>>
    %dma_wait3A_570 = tpu.memref_squeeze %dma_wait3A_569 : memref<1x32x768xf32, #tpu.memory_space<hbm>> -> memref<32x768xf32, #tpu.memory_space<hbm>>
    tpu.wait_dma2 semaphore(%arg15 : memref<!tpu.dma_semaphore, #tpu.memory_space<semaphore_mem>>) src(%arg7 : memref<32x768xf32, #tpu.memory_space<vmem>>) dst(%dma_wait3A_570 : memref<32x768xf32, #tpu.memory_space<hbm>>)
    %add3A_571 = arith.constant 128 : i32
    %add3A_572 = arith.addi %mul3A_2, %add3A_571 : i32
    %dma_start3A_573 = arith.constant 1 : i32
    %dma_start3A_574 = arith.constant 0 : i32
    %dma_start3A_575 = tpu.memref_slice %arg2[%dma_start3A_573, %add3A_572, %dma_start3A_574] : memref<4x8192x768xf32, #tpu.memory_space<hbm>> -> memref<1x32x768xf32, #tpu.memory_space<hbm>>
    %dma_start3A_576 = tpu.memref_squeeze %dma_start3A_575 : memref<1x32x768xf32, #tpu.memory_space<hbm>> -> memref<32x768xf32, #tpu.memory_space<hbm>>
    %dma_start3A_577 = arith.constant 0 : i32
    %dma_start3A_578 = tpu.memref_slice %arg2[%dma_start3A_573, %add3A_572, %dma_start3A_577] : memref<4x8192x768xf32, #tpu.memory_space<hbm>> -> memref<1x32x768xf32, #tpu.memory_space<hbm>>
    %dma_start3A_579 = tpu.memref_squeeze %dma_start3A_578 : memref<1x32x768xf32, #tpu.memory_space<hbm>> -> memref<32x768xf32, #tpu.memory_space<hbm>>
    tpu.enqueue_dma source(%dma_start3A_579 : memref<32x768xf32, #tpu.memory_space<hbm>>) target(%arg7 : memref<32x768xf32, #tpu.memory_space<vmem>>) target_semaphore(%arg12 : memref<!tpu.dma_semaphore, #tpu.memory_space<semaphore_mem>>)
    %dma_wait3A_580 = arith.constant 0 : i32
    %dma_wait3A_581 = arith.constant 0 : i32
    %dma_wait3A_582 = tpu.memref_slice %arg2[%dma_wait3A_580, %add3A_530, %dma_wait3A_581] : memref<4x8192x768xf32, #tpu.memory_space<hbm>> -> memref<1x32x768xf32, #tpu.memory_space<hbm>>
    %dma_wait3A_583 = tpu.memref_squeeze %dma_wait3A_582 : memref<1x32x768xf32, #tpu.memory_space<hbm>> -> memref<32x768xf32, #tpu.memory_space<hbm>>
    %dma_wait3A_584 = arith.constant 0 : i32
    %dma_wait3A_585 = tpu.memref_slice %arg2[%dma_wait3A_580, %add3A_530, %dma_wait3A_584] : memref<4x8192x768xf32, #tpu.memory_space<hbm>> -> memref<1x32x768xf32, #tpu.memory_space<hbm>>
    %dma_wait3A_586 = tpu.memref_squeeze %dma_wait3A_585 : memref<1x32x768xf32, #tpu.memory_space<hbm>> -> memref<32x768xf32, #tpu.memory_space<hbm>>
    tpu.wait_dma2 semaphore(%arg11 : memref<!tpu.dma_semaphore, #tpu.memory_space<semaphore_mem>>) src(%dma_wait3A_586 : memref<32x768xf32, #tpu.memory_space<hbm>>) dst(%arg6 : memref<32x768xf32, #tpu.memory_space<vmem>>)
    %add3A_587 = arith.constant 128 : i32
    %add3A_588 = arith.addi %mul3A_2, %add3A_587 : i32
    %dma_start3A_589 = arith.constant 0 : i32
    %dma_start3A_590 = arith.constant 0 : i32
    %dma_start3A_591 = tpu.memref_slice %arg4[%dma_start3A_589, %add3A_588, %dma_start3A_590] : memref<4x8192x768xf32, #tpu.memory_space<hbm>> -> memref<1x32x768xf32, #tpu.memory_space<hbm>>
    %dma_start3A_592 = tpu.memref_squeeze %dma_start3A_591 : memref<1x32x768xf32, #tpu.memory_space<hbm>> -> memref<32x768xf32, #tpu.memory_space<hbm>>
    %dma_start3A_593 = arith.constant 0 : i32
    %dma_start3A_594 = tpu.memref_slice %arg4[%dma_start3A_589, %add3A_588, %dma_start3A_593] : memref<4x8192x768xf32, #tpu.memory_space<hbm>> -> memref<1x32x768xf32, #tpu.memory_space<hbm>>
    %dma_start3A_595 = tpu.memref_squeeze %dma_start3A_594 : memref<1x32x768xf32, #tpu.memory_space<hbm>> -> memref<32x768xf32, #tpu.memory_space<hbm>>
    tpu.enqueue_dma source(%arg6 : memref<32x768xf32, #tpu.memory_space<vmem>>) target(%dma_start3A_595 : memref<32x768xf32, #tpu.memory_space<hbm>>) target_semaphore(%arg14 : memref<!tpu.dma_semaphore, #tpu.memory_space<semaphore_mem>>)
    %dma_wait3A_596 = arith.constant 3 : i32
    %dma_wait3A_597 = arith.constant 0 : i32
    %dma_wait3A_598 = tpu.memref_slice %arg4[%dma_wait3A_596, %add3A_546, %dma_wait3A_597] : memref<4x8192x768xf32, #tpu.memory_space<hbm>> -> memref<1x32x768xf32, #tpu.memory_space<hbm>>
    %dma_wait3A_599 = tpu.memref_squeeze %dma_wait3A_598 : memref<1x32x768xf32, #tpu.memory_space<hbm>> -> memref<32x768xf32, #tpu.memory_space<hbm>>
    %dma_wait3A_600 = arith.constant 0 : i32
    %dma_wait3A_601 = tpu.memref_slice %arg4[%dma_wait3A_596, %add3A_546, %dma_wait3A_600] : memref<4x8192x768xf32, #tpu.memory_space<hbm>> -> memref<1x32x768xf32, #tpu.memory_space<hbm>>
    %dma_wait3A_602 = tpu.memref_squeeze %dma_wait3A_601 : memref<1x32x768xf32, #tpu.memory_space<hbm>> -> memref<32x768xf32, #tpu.memory_space<hbm>>
    tpu.wait_dma2 semaphore(%arg13 : memref<!tpu.dma_semaphore, #tpu.memory_space<semaphore_mem>>) src(%arg5 : memref<32x768xf32, #tpu.memory_space<vmem>>) dst(%dma_wait3A_602 : memref<32x768xf32, #tpu.memory_space<hbm>>)
    %add3A_603 = arith.constant 128 : i32
    %add3A_604 = arith.addi %mul3A_2, %add3A_603 : i32
    %dma_start3A_605 = arith.constant 2 : i32
    %dma_start3A_606 = arith.constant 0 : i32
    %dma_start3A_607 = tpu.memref_slice %arg2[%dma_start3A_605, %add3A_604, %dma_start3A_606] : memref<4x8192x768xf32, #tpu.memory_space<hbm>> -> memref<1x32x768xf32, #tpu.memory_space<hbm>>
    %dma_start3A_608 = tpu.memref_squeeze %dma_start3A_607 : memref<1x32x768xf32, #tpu.memory_space<hbm>> -> memref<32x768xf32, #tpu.memory_space<hbm>>
    %dma_start3A_609 = arith.constant 0 : i32
    %dma_start3A_610 = tpu.memref_slice %arg2[%dma_start3A_605, %add3A_604, %dma_start3A_609] : memref<4x8192x768xf32, #tpu.memory_space<hbm>> -> memref<1x32x768xf32, #tpu.memory_space<hbm>>
    %dma_start3A_611 = tpu.memref_squeeze %dma_start3A_610 : memref<1x32x768xf32, #tpu.memory_space<hbm>> -> memref<32x768xf32, #tpu.memory_space<hbm>>
    tpu.enqueue_dma source(%dma_start3A_611 : memref<32x768xf32, #tpu.memory_space<hbm>>) target(%arg5 : memref<32x768xf32, #tpu.memory_space<vmem>>) target_semaphore(%arg10 : memref<!tpu.dma_semaphore, #tpu.memory_space<semaphore_mem>>)
    %dma_wait3A_612 = arith.constant 1 : i32
    %dma_wait3A_613 = arith.constant 0 : i32
    %dma_wait3A_614 = tpu.memref_slice %arg2[%dma_wait3A_612, %add3A_572, %dma_wait3A_613] : memref<4x8192x768xf32, #tpu.memory_space<hbm>> -> memref<1x32x768xf32, #tpu.memory_space<hbm>>
    %dma_wait3A_615 = tpu.memref_squeeze %dma_wait3A_614 : memref<1x32x768xf32, #tpu.memory_space<hbm>> -> memref<32x768xf32, #tpu.memory_space<hbm>>
    %dma_wait3A_616 = arith.constant 0 : i32
    %dma_wait3A_617 = tpu.memref_slice %arg2[%dma_wait3A_612, %add3A_572, %dma_wait3A_616] : memref<4x8192x768xf32, #tpu.memory_space<hbm>> -> memref<1x32x768xf32, #tpu.memory_space<hbm>>
    %dma_wait3A_618 = tpu.memref_squeeze %dma_wait3A_617 : memref<1x32x768xf32, #tpu.memory_space<hbm>> -> memref<32x768xf32, #tpu.memory_space<hbm>>
    tpu.wait_dma2 semaphore(%arg12 : memref<!tpu.dma_semaphore, #tpu.memory_space<semaphore_mem>>) src(%dma_wait3A_618 : memref<32x768xf32, #tpu.memory_space<hbm>>) dst(%arg7 : memref<32x768xf32, #tpu.memory_space<vmem>>)
    %add3A_619 = arith.constant 128 : i32
    %add3A_620 = arith.addi %mul3A_2, %add3A_619 : i32
    %dma_start3A_621 = arith.constant 1 : i32
    %dma_start3A_622 = arith.constant 0 : i32
    %dma_start3A_623 = tpu.memref_slice %arg4[%dma_start3A_621, %add3A_620, %dma_start3A_622] : memref<4x8192x768xf32, #tpu.memory_space<hbm>> -> memref<1x32x768xf32, #tpu.memory_space<hbm>>
    %dma_start3A_624 = tpu.memref_squeeze %dma_start3A_623 : memref<1x32x768xf32, #tpu.memory_space<hbm>> -> memref<32x768xf32, #tpu.memory_space<hbm>>
    %dma_start3A_625 = arith.constant 0 : i32
    %dma_start3A_626 = tpu.memref_slice %arg4[%dma_start3A_621, %add3A_620, %dma_start3A_625] : memref<4x8192x768xf32, #tpu.memory_space<hbm>> -> memref<1x32x768xf32, #tpu.memory_space<hbm>>
    %dma_start3A_627 = tpu.memref_squeeze %dma_start3A_626 : memref<1x32x768xf32, #tpu.memory_space<hbm>> -> memref<32x768xf32, #tpu.memory_space<hbm>>
    tpu.enqueue_dma source(%arg7 : memref<32x768xf32, #tpu.memory_space<vmem>>) target(%dma_start3A_627 : memref<32x768xf32, #tpu.memory_space<hbm>>) target_semaphore(%arg15 : memref<!tpu.dma_semaphore, #tpu.memory_space<semaphore_mem>>)
    %dma_wait3A_628 = arith.constant 0 : i32
    %dma_wait3A_629 = arith.constant 0 : i32
    %dma_wait3A_630 = tpu.memref_slice %arg4[%dma_wait3A_628, %add3A_588, %dma_wait3A_629] : memref<4x8192x768xf32, #tpu.memory_space<hbm>> -> memref<1x32x768xf32, #tpu.memory_space<hbm>>
    %dma_wait3A_631 = tpu.memref_squeeze %dma_wait3A_630 : memref<1x32x768xf32, #tpu.memory_space<hbm>> -> memref<32x768xf32, #tpu.memory_space<hbm>>
    %dma_wait3A_632 = arith.constant 0 : i32
    %dma_wait3A_633 = tpu.memref_slice %arg4[%dma_wait3A_628, %add3A_588, %dma_wait3A_632] : memref<4x8192x768xf32, #tpu.memory_space<hbm>> -> memref<1x32x768xf32, #tpu.memory_space<hbm>>
    %dma_wait3A_634 = tpu.memref_squeeze %dma_wait3A_633 : memref<1x32x768xf32, #tpu.memory_space<hbm>> -> memref<32x768xf32, #tpu.memory_space<hbm>>
    tpu.wait_dma2 semaphore(%arg14 : memref<!tpu.dma_semaphore, #tpu.memory_space<semaphore_mem>>) src(%arg6 : memref<32x768xf32, #tpu.memory_space<vmem>>) dst(%dma_wait3A_634 : memref<32x768xf32, #tpu.memory_space<hbm>>)
    %add3A_635 = arith.constant 128 : i32
    %add3A_636 = arith.addi %mul3A_2, %add3A_635 : i32
    %dma_start3A_637 = arith.constant 3 : i32
    %dma_start3A_638 = arith.constant 0 : i32
    %dma_start3A_639 = tpu.memref_slice %arg2[%dma_start3A_637, %add3A_636, %dma_start3A_638] : memref<4x8192x768xf32, #tpu.memory_space<hbm>> -> memref<1x32x768xf32, #tpu.memory_space<hbm>>
    %dma_start3A_640 = tpu.memref_squeeze %dma_start3A_639 : memref<1x32x768xf32, #tpu.memory_space<hbm>> -> memref<32x768xf32, #tpu.memory_space<hbm>>
    %dma_start3A_641 = arith.constant 0 : i32
    %dma_start3A_642 = tpu.memref_slice %arg2[%dma_start3A_637, %add3A_636, %dma_start3A_641] : memref<4x8192x768xf32, #tpu.memory_space<hbm>> -> memref<1x32x768xf32, #tpu.memory_space<hbm>>
    %dma_start3A_643 = tpu.memref_squeeze %dma_start3A_642 : memref<1x32x768xf32, #tpu.memory_space<hbm>> -> memref<32x768xf32, #tpu.memory_space<hbm>>
    tpu.enqueue_dma source(%dma_start3A_643 : memref<32x768xf32, #tpu.memory_space<hbm>>) target(%arg6 : memref<32x768xf32, #tpu.memory_space<vmem>>) target_semaphore(%arg11 : memref<!tpu.dma_semaphore, #tpu.memory_space<semaphore_mem>>)
    %dma_wait3A_644 = arith.constant 2 : i32
    %dma_wait3A_645 = arith.constant 0 : i32
    %dma_wait3A_646 = tpu.memref_slice %arg2[%dma_wait3A_644, %add3A_604, %dma_wait3A_645] : memref<4x8192x768xf32, #tpu.memory_space<hbm>> -> memref<1x32x768xf32, #tpu.memory_space<hbm>>
    %dma_wait3A_647 = tpu.memref_squeeze %dma_wait3A_646 : memref<1x32x768xf32, #tpu.memory_space<hbm>> -> memref<32x768xf32, #tpu.memory_space<hbm>>
    %dma_wait3A_648 = arith.constant 0 : i32
    %dma_wait3A_649 = tpu.memref_slice %arg2[%dma_wait3A_644, %add3A_604, %dma_wait3A_648] : memref<4x8192x768xf32, #tpu.memory_space<hbm>> -> memref<1x32x768xf32, #tpu.memory_space<hbm>>
    %dma_wait3A_650 = tpu.memref_squeeze %dma_wait3A_649 : memref<1x32x768xf32, #tpu.memory_space<hbm>> -> memref<32x768xf32, #tpu.memory_space<hbm>>
    tpu.wait_dma2 semaphore(%arg10 : memref<!tpu.dma_semaphore, #tpu.memory_space<semaphore_mem>>) src(%dma_wait3A_650 : memref<32x768xf32, #tpu.memory_space<hbm>>) dst(%arg5 : memref<32x768xf32, #tpu.memory_space<vmem>>)
    %add3A_651 = arith.constant 128 : i32
    %add3A_652 = arith.addi %mul3A_2, %add3A_651 : i32
    %dma_start3A_653 = arith.constant 2 : i32
    %dma_start3A_654 = arith.constant 0 : i32
    %dma_start3A_655 = tpu.memref_slice %arg4[%dma_start3A_653, %add3A_652, %dma_start3A_654] : memref<4x8192x768xf32, #tpu.memory_space<hbm>> -> memref<1x32x768xf32, #tpu.memory_space<hbm>>
    %dma_start3A_656 = tpu.memref_squeeze %dma_start3A_655 : memref<1x32x768xf32, #tpu.memory_space<hbm>> -> memref<32x768xf32, #tpu.memory_space<hbm>>
    %dma_start3A_657 = arith.constant 0 : i32
    %dma_start3A_658 = tpu.memref_slice %arg4[%dma_start3A_653, %add3A_652, %dma_start3A_657] : memref<4x8192x768xf32, #tpu.memory_space<hbm>> -> memref<1x32x768xf32, #tpu.memory_space<hbm>>
    %dma_start3A_659 = tpu.memref_squeeze %dma_start3A_658 : memref<1x32x768xf32, #tpu.memory_space<hbm>> -> memref<32x768xf32, #tpu.memory_space<hbm>>
    tpu.enqueue_dma source(%arg5 : memref<32x768xf32, #tpu.memory_space<vmem>>) target(%dma_start3A_659 : memref<32x768xf32, #tpu.memory_space<hbm>>) target_semaphore(%arg13 : memref<!tpu.dma_semaphore, #tpu.memory_space<semaphore_mem>>)
    %dma_wait3A_660 = arith.constant 1 : i32
    %dma_wait3A_661 = arith.constant 0 : i32
    %dma_wait3A_662 = tpu.memref_slice %arg4[%dma_wait3A_660, %add3A_620, %dma_wait3A_661] : memref<4x8192x768xf32, #tpu.memory_space<hbm>> -> memref<1x32x768xf32, #tpu.memory_space<hbm>>
    %dma_wait3A_663 = tpu.memref_squeeze %dma_wait3A_662 : memref<1x32x768xf32, #tpu.memory_space<hbm>> -> memref<32x768xf32, #tpu.memory_space<hbm>>
    %dma_wait3A_664 = arith.constant 0 : i32
    %dma_wait3A_665 = tpu.memref_slice %arg4[%dma_wait3A_660, %add3A_620, %dma_wait3A_664] : memref<4x8192x768xf32, #tpu.memory_space<hbm>> -> memref<1x32x768xf32, #tpu.memory_space<hbm>>
    %dma_wait3A_666 = tpu.memref_squeeze %dma_wait3A_665 : memref<1x32x768xf32, #tpu.memory_space<hbm>> -> memref<32x768xf32, #tpu.memory_space<hbm>>
    tpu.wait_dma2 semaphore(%arg15 : memref<!tpu.dma_semaphore, #tpu.memory_space<semaphore_mem>>) src(%arg7 : memref<32x768xf32, #tpu.memory_space<vmem>>) dst(%dma_wait3A_666 : memref<32x768xf32, #tpu.memory_space<hbm>>)
    %add3A_667 = arith.constant 160 : i32
    %add3A_668 = arith.addi %mul3A_2, %add3A_667 : i32
    %dma_start3A_669 = arith.constant 0 : i32
    %dma_start3A_670 = arith.constant 0 : i32
    %dma_start3A_671 = tpu.memref_slice %arg2[%dma_start3A_669, %add3A_668, %dma_start3A_670] : memref<4x8192x768xf32, #tpu.memory_space<hbm>> -> memref<1x32x768xf32, #tpu.memory_space<hbm>>
    %dma_start3A_672 = tpu.memref_squeeze %dma_start3A_671 : memref<1x32x768xf32, #tpu.memory_space<hbm>> -> memref<32x768xf32, #tpu.memory_space<hbm>>
    %dma_start3A_673 = arith.constant 0 : i32
    %dma_start3A_674 = tpu.memref_slice %arg2[%dma_start3A_669, %add3A_668, %dma_start3A_673] : memref<4x8192x768xf32, #tpu.memory_space<hbm>> -> memref<1x32x768xf32, #tpu.memory_space<hbm>>
    %dma_start3A_675 = tpu.memref_squeeze %dma_start3A_674 : memref<1x32x768xf32, #tpu.memory_space<hbm>> -> memref<32x768xf32, #tpu.memory_space<hbm>>
    tpu.enqueue_dma source(%dma_start3A_675 : memref<32x768xf32, #tpu.memory_space<hbm>>) target(%arg7 : memref<32x768xf32, #tpu.memory_space<vmem>>) target_semaphore(%arg12 : memref<!tpu.dma_semaphore, #tpu.memory_space<semaphore_mem>>)
    %dma_wait3A_676 = arith.constant 3 : i32
    %dma_wait3A_677 = arith.constant 0 : i32
    %dma_wait3A_678 = tpu.memref_slice %arg2[%dma_wait3A_676, %add3A_636, %dma_wait3A_677] : memref<4x8192x768xf32, #tpu.memory_space<hbm>> -> memref<1x32x768xf32, #tpu.memory_space<hbm>>
    %dma_wait3A_679 = tpu.memref_squeeze %dma_wait3A_678 : memref<1x32x768xf32, #tpu.memory_space<hbm>> -> memref<32x768xf32, #tpu.memory_space<hbm>>
    %dma_wait3A_680 = arith.constant 0 : i32
    %dma_wait3A_681 = tpu.memref_slice %arg2[%dma_wait3A_676, %add3A_636, %dma_wait3A_680] : memref<4x8192x768xf32, #tpu.memory_space<hbm>> -> memref<1x32x768xf32, #tpu.memory_space<hbm>>
    %dma_wait3A_682 = tpu.memref_squeeze %dma_wait3A_681 : memref<1x32x768xf32, #tpu.memory_space<hbm>> -> memref<32x768xf32, #tpu.memory_space<hbm>>
    tpu.wait_dma2 semaphore(%arg11 : memref<!tpu.dma_semaphore, #tpu.memory_space<semaphore_mem>>) src(%dma_wait3A_682 : memref<32x768xf32, #tpu.memory_space<hbm>>) dst(%arg6 : memref<32x768xf32, #tpu.memory_space<vmem>>)
    %add3A_683 = arith.constant 128 : i32
    %add3A_684 = arith.addi %mul3A_2, %add3A_683 : i32
    %dma_start3A_685 = arith.constant 3 : i32
    %dma_start3A_686 = arith.constant 0 : i32
    %dma_start3A_687 = tpu.memref_slice %arg4[%dma_start3A_685, %add3A_684, %dma_start3A_686] : memref<4x8192x768xf32, #tpu.memory_space<hbm>> -> memref<1x32x768xf32, #tpu.memory_space<hbm>>
    %dma_start3A_688 = tpu.memref_squeeze %dma_start3A_687 : memref<1x32x768xf32, #tpu.memory_space<hbm>> -> memref<32x768xf32, #tpu.memory_space<hbm>>
    %dma_start3A_689 = arith.constant 0 : i32
    %dma_start3A_690 = tpu.memref_slice %arg4[%dma_start3A_685, %add3A_684, %dma_start3A_689] : memref<4x8192x768xf32, #tpu.memory_space<hbm>> -> memref<1x32x768xf32, #tpu.memory_space<hbm>>
    %dma_start3A_691 = tpu.memref_squeeze %dma_start3A_690 : memref<1x32x768xf32, #tpu.memory_space<hbm>> -> memref<32x768xf32, #tpu.memory_space<hbm>>
    tpu.enqueue_dma source(%arg6 : memref<32x768xf32, #tpu.memory_space<vmem>>) target(%dma_start3A_691 : memref<32x768xf32, #tpu.memory_space<hbm>>) target_semaphore(%arg14 : memref<!tpu.dma_semaphore, #tpu.memory_space<semaphore_mem>>)
    %dma_wait3A_692 = arith.constant 0 : i32
    %dma_wait3A_693 = tpu.memref_slice %arg3[%add3A_559, %dma_wait3A_692] : memref<8192x768xf32, #tpu.memory_space<hbm>> -> memref<32x768xf32, #tpu.memory_space<hbm>>
    %dma_wait3A_694 = arith.constant 0 : i32
    %dma_wait3A_695 = tpu.memref_slice %arg3[%add3A_559, %dma_wait3A_694] : memref<8192x768xf32, #tpu.memory_space<hbm>> -> memref<32x768xf32, #tpu.memory_space<hbm>>
    tpu.wait_dma2 semaphore(%arg17 : memref<!tpu.dma_semaphore, #tpu.memory_space<semaphore_mem>>) src(%dma_wait3A_695 : memref<32x768xf32, #tpu.memory_space<hbm>>) dst(%arg9 : memref<32x768xf32, #tpu.memory_space<vmem>>)
    %add3A_696 = arith.constant 192 : i32
    %add3A_697 = arith.addi %mul3A_2, %add3A_696 : i32
    %dma_start3A_698 = arith.constant 0 : i32
    %dma_start3A_699 = tpu.memref_slice %arg3[%add3A_697, %dma_start3A_698] : memref<8192x768xf32, #tpu.memory_space<hbm>> -> memref<32x768xf32, #tpu.memory_space<hbm>>
    %dma_start3A_700 = arith.constant 0 : i32
    %dma_start3A_701 = tpu.memref_slice %arg3[%add3A_697, %dma_start3A_700] : memref<8192x768xf32, #tpu.memory_space<hbm>> -> memref<32x768xf32, #tpu.memory_space<hbm>>
    tpu.enqueue_dma source(%dma_start3A_701 : memref<32x768xf32, #tpu.memory_space<hbm>>) target(%arg8 : memref<32x768xf32, #tpu.memory_space<vmem>>) target_semaphore(%arg16 : memref<!tpu.dma_semaphore, #tpu.memory_space<semaphore_mem>>)
    %dma_wait3A_702 = arith.constant 2 : i32
    %dma_wait3A_703 = arith.constant 0 : i32
    %dma_wait3A_704 = tpu.memref_slice %arg4[%dma_wait3A_702, %add3A_652, %dma_wait3A_703] : memref<4x8192x768xf32, #tpu.memory_space<hbm>> -> memref<1x32x768xf32, #tpu.memory_space<hbm>>
    %dma_wait3A_705 = tpu.memref_squeeze %dma_wait3A_704 : memref<1x32x768xf32, #tpu.memory_space<hbm>> -> memref<32x768xf32, #tpu.memory_space<hbm>>
    %dma_wait3A_706 = arith.constant 0 : i32
    %dma_wait3A_707 = tpu.memref_slice %arg4[%dma_wait3A_702, %add3A_652, %dma_wait3A_706] : memref<4x8192x768xf32, #tpu.memory_space<hbm>> -> memref<1x32x768xf32, #tpu.memory_space<hbm>>
    %dma_wait3A_708 = tpu.memref_squeeze %dma_wait3A_707 : memref<1x32x768xf32, #tpu.memory_space<hbm>> -> memref<32x768xf32, #tpu.memory_space<hbm>>
    tpu.wait_dma2 semaphore(%arg13 : memref<!tpu.dma_semaphore, #tpu.memory_space<semaphore_mem>>) src(%arg5 : memref<32x768xf32, #tpu.memory_space<vmem>>) dst(%dma_wait3A_708 : memref<32x768xf32, #tpu.memory_space<hbm>>)
    %add3A_709 = arith.constant 160 : i32
    %add3A_710 = arith.addi %mul3A_2, %add3A_709 : i32
    %dma_start3A_711 = arith.constant 1 : i32
    %dma_start3A_712 = arith.constant 0 : i32
    %dma_start3A_713 = tpu.memref_slice %arg2[%dma_start3A_711, %add3A_710, %dma_start3A_712] : memref<4x8192x768xf32, #tpu.memory_space<hbm>> -> memref<1x32x768xf32, #tpu.memory_space<hbm>>
    %dma_start3A_714 = tpu.memref_squeeze %dma_start3A_713 : memref<1x32x768xf32, #tpu.memory_space<hbm>> -> memref<32x768xf32, #tpu.memory_space<hbm>>
    %dma_start3A_715 = arith.constant 0 : i32
    %dma_start3A_716 = tpu.memref_slice %arg2[%dma_start3A_711, %add3A_710, %dma_start3A_715] : memref<4x8192x768xf32, #tpu.memory_space<hbm>> -> memref<1x32x768xf32, #tpu.memory_space<hbm>>
    %dma_start3A_717 = tpu.memref_squeeze %dma_start3A_716 : memref<1x32x768xf32, #tpu.memory_space<hbm>> -> memref<32x768xf32, #tpu.memory_space<hbm>>
    tpu.enqueue_dma source(%dma_start3A_717 : memref<32x768xf32, #tpu.memory_space<hbm>>) target(%arg5 : memref<32x768xf32, #tpu.memory_space<vmem>>) target_semaphore(%arg10 : memref<!tpu.dma_semaphore, #tpu.memory_space<semaphore_mem>>)
    %dma_wait3A_718 = arith.constant 0 : i32
    %dma_wait3A_719 = arith.constant 0 : i32
    %dma_wait3A_720 = tpu.memref_slice %arg2[%dma_wait3A_718, %add3A_668, %dma_wait3A_719] : memref<4x8192x768xf32, #tpu.memory_space<hbm>> -> memref<1x32x768xf32, #tpu.memory_space<hbm>>
    %dma_wait3A_721 = tpu.memref_squeeze %dma_wait3A_720 : memref<1x32x768xf32, #tpu.memory_space<hbm>> -> memref<32x768xf32, #tpu.memory_space<hbm>>
    %dma_wait3A_722 = arith.constant 0 : i32
    %dma_wait3A_723 = tpu.memref_slice %arg2[%dma_wait3A_718, %add3A_668, %dma_wait3A_722] : memref<4x8192x768xf32, #tpu.memory_space<hbm>> -> memref<1x32x768xf32, #tpu.memory_space<hbm>>
    %dma_wait3A_724 = tpu.memref_squeeze %dma_wait3A_723 : memref<1x32x768xf32, #tpu.memory_space<hbm>> -> memref<32x768xf32, #tpu.memory_space<hbm>>
    tpu.wait_dma2 semaphore(%arg12 : memref<!tpu.dma_semaphore, #tpu.memory_space<semaphore_mem>>) src(%dma_wait3A_724 : memref<32x768xf32, #tpu.memory_space<hbm>>) dst(%arg7 : memref<32x768xf32, #tpu.memory_space<vmem>>)
    %add3A_725 = arith.constant 160 : i32
    %add3A_726 = arith.addi %mul3A_2, %add3A_725 : i32
    %dma_start3A_727 = arith.constant 0 : i32
    %dma_start3A_728 = arith.constant 0 : i32
    %dma_start3A_729 = tpu.memref_slice %arg4[%dma_start3A_727, %add3A_726, %dma_start3A_728] : memref<4x8192x768xf32, #tpu.memory_space<hbm>> -> memref<1x32x768xf32, #tpu.memory_space<hbm>>
    %dma_start3A_730 = tpu.memref_squeeze %dma_start3A_729 : memref<1x32x768xf32, #tpu.memory_space<hbm>> -> memref<32x768xf32, #tpu.memory_space<hbm>>
    %dma_start3A_731 = arith.constant 0 : i32
    %dma_start3A_732 = tpu.memref_slice %arg4[%dma_start3A_727, %add3A_726, %dma_start3A_731] : memref<4x8192x768xf32, #tpu.memory_space<hbm>> -> memref<1x32x768xf32, #tpu.memory_space<hbm>>
    %dma_start3A_733 = tpu.memref_squeeze %dma_start3A_732 : memref<1x32x768xf32, #tpu.memory_space<hbm>> -> memref<32x768xf32, #tpu.memory_space<hbm>>
    tpu.enqueue_dma source(%arg7 : memref<32x768xf32, #tpu.memory_space<vmem>>) target(%dma_start3A_733 : memref<32x768xf32, #tpu.memory_space<hbm>>) target_semaphore(%arg15 : memref<!tpu.dma_semaphore, #tpu.memory_space<semaphore_mem>>)
    %dma_wait3A_734 = arith.constant 3 : i32
    %dma_wait3A_735 = arith.constant 0 : i32
    %dma_wait3A_736 = tpu.memref_slice %arg4[%dma_wait3A_734, %add3A_684, %dma_wait3A_735] : memref<4x8192x768xf32, #tpu.memory_space<hbm>> -> memref<1x32x768xf32, #tpu.memory_space<hbm>>
    %dma_wait3A_737 = tpu.memref_squeeze %dma_wait3A_736 : memref<1x32x768xf32, #tpu.memory_space<hbm>> -> memref<32x768xf32, #tpu.memory_space<hbm>>
    %dma_wait3A_738 = arith.constant 0 : i32
    %dma_wait3A_739 = tpu.memref_slice %arg4[%dma_wait3A_734, %add3A_684, %dma_wait3A_738] : memref<4x8192x768xf32, #tpu.memory_space<hbm>> -> memref<1x32x768xf32, #tpu.memory_space<hbm>>
    %dma_wait3A_740 = tpu.memref_squeeze %dma_wait3A_739 : memref<1x32x768xf32, #tpu.memory_space<hbm>> -> memref<32x768xf32, #tpu.memory_space<hbm>>
    tpu.wait_dma2 semaphore(%arg14 : memref<!tpu.dma_semaphore, #tpu.memory_space<semaphore_mem>>) src(%arg6 : memref<32x768xf32, #tpu.memory_space<vmem>>) dst(%dma_wait3A_740 : memref<32x768xf32, #tpu.memory_space<hbm>>)
    %add3A_741 = arith.constant 160 : i32
    %add3A_742 = arith.addi %mul3A_2, %add3A_741 : i32
    %dma_start3A_743 = arith.constant 2 : i32
    %dma_start3A_744 = arith.constant 0 : i32
    %dma_start3A_745 = tpu.memref_slice %arg2[%dma_start3A_743, %add3A_742, %dma_start3A_744] : memref<4x8192x768xf32, #tpu.memory_space<hbm>> -> memref<1x32x768xf32, #tpu.memory_space<hbm>>
    %dma_start3A_746 = tpu.memref_squeeze %dma_start3A_745 : memref<1x32x768xf32, #tpu.memory_space<hbm>> -> memref<32x768xf32, #tpu.memory_space<hbm>>
    %dma_start3A_747 = arith.constant 0 : i32
    %dma_start3A_748 = tpu.memref_slice %arg2[%dma_start3A_743, %add3A_742, %dma_start3A_747] : memref<4x8192x768xf32, #tpu.memory_space<hbm>> -> memref<1x32x768xf32, #tpu.memory_space<hbm>>
    %dma_start3A_749 = tpu.memref_squeeze %dma_start3A_748 : memref<1x32x768xf32, #tpu.memory_space<hbm>> -> memref<32x768xf32, #tpu.memory_space<hbm>>
    tpu.enqueue_dma source(%dma_start3A_749 : memref<32x768xf32, #tpu.memory_space<hbm>>) target(%arg6 : memref<32x768xf32, #tpu.memory_space<vmem>>) target_semaphore(%arg11 : memref<!tpu.dma_semaphore, #tpu.memory_space<semaphore_mem>>)
    %dma_wait3A_750 = arith.constant 1 : i32
    %dma_wait3A_751 = arith.constant 0 : i32
    %dma_wait3A_752 = tpu.memref_slice %arg2[%dma_wait3A_750, %add3A_710, %dma_wait3A_751] : memref<4x8192x768xf32, #tpu.memory_space<hbm>> -> memref<1x32x768xf32, #tpu.memory_space<hbm>>
    %dma_wait3A_753 = tpu.memref_squeeze %dma_wait3A_752 : memref<1x32x768xf32, #tpu.memory_space<hbm>> -> memref<32x768xf32, #tpu.memory_space<hbm>>
    %dma_wait3A_754 = arith.constant 0 : i32
    %dma_wait3A_755 = tpu.memref_slice %arg2[%dma_wait3A_750, %add3A_710, %dma_wait3A_754] : memref<4x8192x768xf32, #tpu.memory_space<hbm>> -> memref<1x32x768xf32, #tpu.memory_space<hbm>>
    %dma_wait3A_756 = tpu.memref_squeeze %dma_wait3A_755 : memref<1x32x768xf32, #tpu.memory_space<hbm>> -> memref<32x768xf32, #tpu.memory_space<hbm>>
    tpu.wait_dma2 semaphore(%arg10 : memref<!tpu.dma_semaphore, #tpu.memory_space<semaphore_mem>>) src(%dma_wait3A_756 : memref<32x768xf32, #tpu.memory_space<hbm>>) dst(%arg5 : memref<32x768xf32, #tpu.memory_space<vmem>>)
    %add3A_757 = arith.constant 160 : i32
    %add3A_758 = arith.addi %mul3A_2, %add3A_757 : i32
    %dma_start3A_759 = arith.constant 1 : i32
    %dma_start3A_760 = arith.constant 0 : i32
    %dma_start3A_761 = tpu.memref_slice %arg4[%dma_start3A_759, %add3A_758, %dma_start3A_760] : memref<4x8192x768xf32, #tpu.memory_space<hbm>> -> memref<1x32x768xf32, #tpu.memory_space<hbm>>
    %dma_start3A_762 = tpu.memref_squeeze %dma_start3A_761 : memref<1x32x768xf32, #tpu.memory_space<hbm>> -> memref<32x768xf32, #tpu.memory_space<hbm>>
    %dma_start3A_763 = arith.constant 0 : i32
    %dma_start3A_764 = tpu.memref_slice %arg4[%dma_start3A_759, %add3A_758, %dma_start3A_763] : memref<4x8192x768xf32, #tpu.memory_space<hbm>> -> memref<1x32x768xf32, #tpu.memory_space<hbm>>
    %dma_start3A_765 = tpu.memref_squeeze %dma_start3A_764 : memref<1x32x768xf32, #tpu.memory_space<hbm>> -> memref<32x768xf32, #tpu.memory_space<hbm>>
    tpu.enqueue_dma source(%arg5 : memref<32x768xf32, #tpu.memory_space<vmem>>) target(%dma_start3A_765 : memref<32x768xf32, #tpu.memory_space<hbm>>) target_semaphore(%arg13 : memref<!tpu.dma_semaphore, #tpu.memory_space<semaphore_mem>>)
    %dma_wait3A_766 = arith.constant 0 : i32
    %dma_wait3A_767 = arith.constant 0 : i32
    %dma_wait3A_768 = tpu.memref_slice %arg4[%dma_wait3A_766, %add3A_726, %dma_wait3A_767] : memref<4x8192x768xf32, #tpu.memory_space<hbm>> -> memref<1x32x768xf32, #tpu.memory_space<hbm>>
    %dma_wait3A_769 = tpu.memref_squeeze %dma_wait3A_768 : memref<1x32x768xf32, #tpu.memory_space<hbm>> -> memref<32x768xf32, #tpu.memory_space<hbm>>
    %dma_wait3A_770 = arith.constant 0 : i32
    %dma_wait3A_771 = tpu.memref_slice %arg4[%dma_wait3A_766, %add3A_726, %dma_wait3A_770] : memref<4x8192x768xf32, #tpu.memory_space<hbm>> -> memref<1x32x768xf32, #tpu.memory_space<hbm>>
    %dma_wait3A_772 = tpu.memref_squeeze %dma_wait3A_771 : memref<1x32x768xf32, #tpu.memory_space<hbm>> -> memref<32x768xf32, #tpu.memory_space<hbm>>
    tpu.wait_dma2 semaphore(%arg15 : memref<!tpu.dma_semaphore, #tpu.memory_space<semaphore_mem>>) src(%arg7 : memref<32x768xf32, #tpu.memory_space<vmem>>) dst(%dma_wait3A_772 : memref<32x768xf32, #tpu.memory_space<hbm>>)
    %add3A_773 = arith.constant 160 : i32
    %add3A_774 = arith.addi %mul3A_2, %add3A_773 : i32
    %dma_start3A_775 = arith.constant 3 : i32
    %dma_start3A_776 = arith.constant 0 : i32
    %dma_start3A_777 = tpu.memref_slice %arg2[%dma_start3A_775, %add3A_774, %dma_start3A_776] : memref<4x8192x768xf32, #tpu.memory_space<hbm>> -> memref<1x32x768xf32, #tpu.memory_space<hbm>>
    %dma_start3A_778 = tpu.memref_squeeze %dma_start3A_777 : memref<1x32x768xf32, #tpu.memory_space<hbm>> -> memref<32x768xf32, #tpu.memory_space<hbm>>
    %dma_start3A_779 = arith.constant 0 : i32
    %dma_start3A_780 = tpu.memref_slice %arg2[%dma_start3A_775, %add3A_774, %dma_start3A_779] : memref<4x8192x768xf32, #tpu.memory_space<hbm>> -> memref<1x32x768xf32, #tpu.memory_space<hbm>>
    %dma_start3A_781 = tpu.memref_squeeze %dma_start3A_780 : memref<1x32x768xf32, #tpu.memory_space<hbm>> -> memref<32x768xf32, #tpu.memory_space<hbm>>
    tpu.enqueue_dma source(%dma_start3A_781 : memref<32x768xf32, #tpu.memory_space<hbm>>) target(%arg7 : memref<32x768xf32, #tpu.memory_space<vmem>>) target_semaphore(%arg12 : memref<!tpu.dma_semaphore, #tpu.memory_space<semaphore_mem>>)
    %dma_wait3A_782 = arith.constant 2 : i32
    %dma_wait3A_783 = arith.constant 0 : i32
    %dma_wait3A_784 = tpu.memref_slice %arg2[%dma_wait3A_782, %add3A_742, %dma_wait3A_783] : memref<4x8192x768xf32, #tpu.memory_space<hbm>> -> memref<1x32x768xf32, #tpu.memory_space<hbm>>
    %dma_wait3A_785 = tpu.memref_squeeze %dma_wait3A_784 : memref<1x32x768xf32, #tpu.memory_space<hbm>> -> memref<32x768xf32, #tpu.memory_space<hbm>>
    %dma_wait3A_786 = arith.constant 0 : i32
    %dma_wait3A_787 = tpu.memref_slice %arg2[%dma_wait3A_782, %add3A_742, %dma_wait3A_786] : memref<4x8192x768xf32, #tpu.memory_space<hbm>> -> memref<1x32x768xf32, #tpu.memory_space<hbm>>
    %dma_wait3A_788 = tpu.memref_squeeze %dma_wait3A_787 : memref<1x32x768xf32, #tpu.memory_space<hbm>> -> memref<32x768xf32, #tpu.memory_space<hbm>>
    tpu.wait_dma2 semaphore(%arg11 : memref<!tpu.dma_semaphore, #tpu.memory_space<semaphore_mem>>) src(%dma_wait3A_788 : memref<32x768xf32, #tpu.memory_space<hbm>>) dst(%arg6 : memref<32x768xf32, #tpu.memory_space<vmem>>)
    %add3A_789 = arith.constant 160 : i32
    %add3A_790 = arith.addi %mul3A_2, %add3A_789 : i32
    %dma_start3A_791 = arith.constant 2 : i32
    %dma_start3A_792 = arith.constant 0 : i32
    %dma_start3A_793 = tpu.memref_slice %arg4[%dma_start3A_791, %add3A_790, %dma_start3A_792] : memref<4x8192x768xf32, #tpu.memory_space<hbm>> -> memref<1x32x768xf32, #tpu.memory_space<hbm>>
    %dma_start3A_794 = tpu.memref_squeeze %dma_start3A_793 : memref<1x32x768xf32, #tpu.memory_space<hbm>> -> memref<32x768xf32, #tpu.memory_space<hbm>>
    %dma_start3A_795 = arith.constant 0 : i32
    %dma_start3A_796 = tpu.memref_slice %arg4[%dma_start3A_791, %add3A_790, %dma_start3A_795] : memref<4x8192x768xf32, #tpu.memory_space<hbm>> -> memref<1x32x768xf32, #tpu.memory_space<hbm>>
    %dma_start3A_797 = tpu.memref_squeeze %dma_start3A_796 : memref<1x32x768xf32, #tpu.memory_space<hbm>> -> memref<32x768xf32, #tpu.memory_space<hbm>>
    tpu.enqueue_dma source(%arg6 : memref<32x768xf32, #tpu.memory_space<vmem>>) target(%dma_start3A_797 : memref<32x768xf32, #tpu.memory_space<hbm>>) target_semaphore(%arg14 : memref<!tpu.dma_semaphore, #tpu.memory_space<semaphore_mem>>)
    %dma_wait3A_798 = arith.constant 1 : i32
    %dma_wait3A_799 = arith.constant 0 : i32
    %dma_wait3A_800 = tpu.memref_slice %arg4[%dma_wait3A_798, %add3A_758, %dma_wait3A_799] : memref<4x8192x768xf32, #tpu.memory_space<hbm>> -> memref<1x32x768xf32, #tpu.memory_space<hbm>>
    %dma_wait3A_801 = tpu.memref_squeeze %dma_wait3A_800 : memref<1x32x768xf32, #tpu.memory_space<hbm>> -> memref<32x768xf32, #tpu.memory_space<hbm>>
    %dma_wait3A_802 = arith.constant 0 : i32
    %dma_wait3A_803 = tpu.memref_slice %arg4[%dma_wait3A_798, %add3A_758, %dma_wait3A_802] : memref<4x8192x768xf32, #tpu.memory_space<hbm>> -> memref<1x32x768xf32, #tpu.memory_space<hbm>>
    %dma_wait3A_804 = tpu.memref_squeeze %dma_wait3A_803 : memref<1x32x768xf32, #tpu.memory_space<hbm>> -> memref<32x768xf32, #tpu.memory_space<hbm>>
    tpu.wait_dma2 semaphore(%arg13 : memref<!tpu.dma_semaphore, #tpu.memory_space<semaphore_mem>>) src(%arg5 : memref<32x768xf32, #tpu.memory_space<vmem>>) dst(%dma_wait3A_804 : memref<32x768xf32, #tpu.memory_space<hbm>>)
    %add3A_805 = arith.constant 192 : i32
    %add3A_806 = arith.addi %mul3A_2, %add3A_805 : i32
    %dma_start3A_807 = arith.constant 0 : i32
    %dma_start3A_808 = arith.constant 0 : i32
    %dma_start3A_809 = tpu.memref_slice %arg2[%dma_start3A_807, %add3A_806, %dma_start3A_808] : memref<4x8192x768xf32, #tpu.memory_space<hbm>> -> memref<1x32x768xf32, #tpu.memory_space<hbm>>
    %dma_start3A_810 = tpu.memref_squeeze %dma_start3A_809 : memref<1x32x768xf32, #tpu.memory_space<hbm>> -> memref<32x768xf32, #tpu.memory_space<hbm>>
    %dma_start3A_811 = arith.constant 0 : i32
    %dma_start3A_812 = tpu.memref_slice %arg2[%dma_start3A_807, %add3A_806, %dma_start3A_811] : memref<4x8192x768xf32, #tpu.memory_space<hbm>> -> memref<1x32x768xf32, #tpu.memory_space<hbm>>
    %dma_start3A_813 = tpu.memref_squeeze %dma_start3A_812 : memref<1x32x768xf32, #tpu.memory_space<hbm>> -> memref<32x768xf32, #tpu.memory_space<hbm>>
    tpu.enqueue_dma source(%dma_start3A_813 : memref<32x768xf32, #tpu.memory_space<hbm>>) target(%arg5 : memref<32x768xf32, #tpu.memory_space<vmem>>) target_semaphore(%arg10 : memref<!tpu.dma_semaphore, #tpu.memory_space<semaphore_mem>>)
    %dma_wait3A_814 = arith.constant 3 : i32
    %dma_wait3A_815 = arith.constant 0 : i32
    %dma_wait3A_816 = tpu.memref_slice %arg2[%dma_wait3A_814, %add3A_774, %dma_wait3A_815] : memref<4x8192x768xf32, #tpu.memory_space<hbm>> -> memref<1x32x768xf32, #tpu.memory_space<hbm>>
    %dma_wait3A_817 = tpu.memref_squeeze %dma_wait3A_816 : memref<1x32x768xf32, #tpu.memory_space<hbm>> -> memref<32x768xf32, #tpu.memory_space<hbm>>
    %dma_wait3A_818 = arith.constant 0 : i32
    %dma_wait3A_819 = tpu.memref_slice %arg2[%dma_wait3A_814, %add3A_774, %dma_wait3A_818] : memref<4x8192x768xf32, #tpu.memory_space<hbm>> -> memref<1x32x768xf32, #tpu.memory_space<hbm>>
    %dma_wait3A_820 = tpu.memref_squeeze %dma_wait3A_819 : memref<1x32x768xf32, #tpu.memory_space<hbm>> -> memref<32x768xf32, #tpu.memory_space<hbm>>
    tpu.wait_dma2 semaphore(%arg12 : memref<!tpu.dma_semaphore, #tpu.memory_space<semaphore_mem>>) src(%dma_wait3A_820 : memref<32x768xf32, #tpu.memory_space<hbm>>) dst(%arg7 : memref<32x768xf32, #tpu.memory_space<vmem>>)
    %add3A_821 = arith.constant 160 : i32
    %add3A_822 = arith.addi %mul3A_2, %add3A_821 : i32
    %dma_start3A_823 = arith.constant 3 : i32
    %dma_start3A_824 = arith.constant 0 : i32
    %dma_start3A_825 = tpu.memref_slice %arg4[%dma_start3A_823, %add3A_822, %dma_start3A_824] : memref<4x8192x768xf32, #tpu.memory_space<hbm>> -> memref<1x32x768xf32, #tpu.memory_space<hbm>>
    %dma_start3A_826 = tpu.memref_squeeze %dma_start3A_825 : memref<1x32x768xf32, #tpu.memory_space<hbm>> -> memref<32x768xf32, #tpu.memory_space<hbm>>
    %dma_start3A_827 = arith.constant 0 : i32
    %dma_start3A_828 = tpu.memref_slice %arg4[%dma_start3A_823, %add3A_822, %dma_start3A_827] : memref<4x8192x768xf32, #tpu.memory_space<hbm>> -> memref<1x32x768xf32, #tpu.memory_space<hbm>>
    %dma_start3A_829 = tpu.memref_squeeze %dma_start3A_828 : memref<1x32x768xf32, #tpu.memory_space<hbm>> -> memref<32x768xf32, #tpu.memory_space<hbm>>
    tpu.enqueue_dma source(%arg7 : memref<32x768xf32, #tpu.memory_space<vmem>>) target(%dma_start3A_829 : memref<32x768xf32, #tpu.memory_space<hbm>>) target_semaphore(%arg15 : memref<!tpu.dma_semaphore, #tpu.memory_space<semaphore_mem>>)
    %dma_wait3A_830 = arith.constant 0 : i32
    %dma_wait3A_831 = tpu.memref_slice %arg3[%add3A_697, %dma_wait3A_830] : memref<8192x768xf32, #tpu.memory_space<hbm>> -> memref<32x768xf32, #tpu.memory_space<hbm>>
    %dma_wait3A_832 = arith.constant 0 : i32
    %dma_wait3A_833 = tpu.memref_slice %arg3[%add3A_697, %dma_wait3A_832] : memref<8192x768xf32, #tpu.memory_space<hbm>> -> memref<32x768xf32, #tpu.memory_space<hbm>>
    tpu.wait_dma2 semaphore(%arg16 : memref<!tpu.dma_semaphore, #tpu.memory_space<semaphore_mem>>) src(%dma_wait3A_833 : memref<32x768xf32, #tpu.memory_space<hbm>>) dst(%arg8 : memref<32x768xf32, #tpu.memory_space<vmem>>)
    %add3A_834 = arith.constant 224 : i32
    %add3A_835 = arith.addi %mul3A_2, %add3A_834 : i32
    %dma_start3A_836 = arith.constant 0 : i32
    %dma_start3A_837 = tpu.memref_slice %arg3[%add3A_835, %dma_start3A_836] : memref<8192x768xf32, #tpu.memory_space<hbm>> -> memref<32x768xf32, #tpu.memory_space<hbm>>
    %dma_start3A_838 = arith.constant 0 : i32
    %dma_start3A_839 = tpu.memref_slice %arg3[%add3A_835, %dma_start3A_838] : memref<8192x768xf32, #tpu.memory_space<hbm>> -> memref<32x768xf32, #tpu.memory_space<hbm>>
    tpu.enqueue_dma source(%dma_start3A_839 : memref<32x768xf32, #tpu.memory_space<hbm>>) target(%arg9 : memref<32x768xf32, #tpu.memory_space<vmem>>) target_semaphore(%arg17 : memref<!tpu.dma_semaphore, #tpu.memory_space<semaphore_mem>>)
    %dma_wait3A_840 = arith.constant 2 : i32
    %dma_wait3A_841 = arith.constant 0 : i32
    %dma_wait3A_842 = tpu.memref_slice %arg4[%dma_wait3A_840, %add3A_790, %dma_wait3A_841] : memref<4x8192x768xf32, #tpu.memory_space<hbm>> -> memref<1x32x768xf32, #tpu.memory_space<hbm>>
    %dma_wait3A_843 = tpu.memref_squeeze %dma_wait3A_842 : memref<1x32x768xf32, #tpu.memory_space<hbm>> -> memref<32x768xf32, #tpu.memory_space<hbm>>
    %dma_wait3A_844 = arith.constant 0 : i32
    %dma_wait3A_845 = tpu.memref_slice %arg4[%dma_wait3A_840, %add3A_790, %dma_wait3A_844] : memref<4x8192x768xf32, #tpu.memory_space<hbm>> -> memref<1x32x768xf32, #tpu.memory_space<hbm>>
    %dma_wait3A_846 = tpu.memref_squeeze %dma_wait3A_845 : memref<1x32x768xf32, #tpu.memory_space<hbm>> -> memref<32x768xf32, #tpu.memory_space<hbm>>
    tpu.wait_dma2 semaphore(%arg14 : memref<!tpu.dma_semaphore, #tpu.memory_space<semaphore_mem>>) src(%arg6 : memref<32x768xf32, #tpu.memory_space<vmem>>) dst(%dma_wait3A_846 : memref<32x768xf32, #tpu.memory_space<hbm>>)
    %add3A_847 = arith.constant 192 : i32
    %add3A_848 = arith.addi %mul3A_2, %add3A_847 : i32
    %dma_start3A_849 = arith.constant 1 : i32
    %dma_start3A_850 = arith.constant 0 : i32
    %dma_start3A_851 = tpu.memref_slice %arg2[%dma_start3A_849, %add3A_848, %dma_start3A_850] : memref<4x8192x768xf32, #tpu.memory_space<hbm>> -> memref<1x32x768xf32, #tpu.memory_space<hbm>>
    %dma_start3A_852 = tpu.memref_squeeze %dma_start3A_851 : memref<1x32x768xf32, #tpu.memory_space<hbm>> -> memref<32x768xf32, #tpu.memory_space<hbm>>
    %dma_start3A_853 = arith.constant 0 : i32
    %dma_start3A_854 = tpu.memref_slice %arg2[%dma_start3A_849, %add3A_848, %dma_start3A_853] : memref<4x8192x768xf32, #tpu.memory_space<hbm>> -> memref<1x32x768xf32, #tpu.memory_space<hbm>>
    %dma_start3A_855 = tpu.memref_squeeze %dma_start3A_854 : memref<1x32x768xf32, #tpu.memory_space<hbm>> -> memref<32x768xf32, #tpu.memory_space<hbm>>
    tpu.enqueue_dma source(%dma_start3A_855 : memref<32x768xf32, #tpu.memory_space<hbm>>) target(%arg6 : memref<32x768xf32, #tpu.memory_space<vmem>>) target_semaphore(%arg11 : memref<!tpu.dma_semaphore, #tpu.memory_space<semaphore_mem>>)
    %dma_wait3A_856 = arith.constant 0 : i32
    %dma_wait3A_857 = arith.constant 0 : i32
    %dma_wait3A_858 = tpu.memref_slice %arg2[%dma_wait3A_856, %add3A_806, %dma_wait3A_857] : memref<4x8192x768xf32, #tpu.memory_space<hbm>> -> memref<1x32x768xf32, #tpu.memory_space<hbm>>
    %dma_wait3A_859 = tpu.memref_squeeze %dma_wait3A_858 : memref<1x32x768xf32, #tpu.memory_space<hbm>> -> memref<32x768xf32, #tpu.memory_space<hbm>>
    %dma_wait3A_860 = arith.constant 0 : i32
    %dma_wait3A_861 = tpu.memref_slice %arg2[%dma_wait3A_856, %add3A_806, %dma_wait3A_860] : memref<4x8192x768xf32, #tpu.memory_space<hbm>> -> memref<1x32x768xf32, #tpu.memory_space<hbm>>
    %dma_wait3A_862 = tpu.memref_squeeze %dma_wait3A_861 : memref<1x32x768xf32, #tpu.memory_space<hbm>> -> memref<32x768xf32, #tpu.memory_space<hbm>>
    tpu.wait_dma2 semaphore(%arg10 : memref<!tpu.dma_semaphore, #tpu.memory_space<semaphore_mem>>) src(%dma_wait3A_862 : memref<32x768xf32, #tpu.memory_space<hbm>>) dst(%arg5 : memref<32x768xf32, #tpu.memory_space<vmem>>)
    %add3A_863 = arith.constant 192 : i32
    %add3A_864 = arith.addi %mul3A_2, %add3A_863 : i32
    %dma_start3A_865 = arith.constant 0 : i32
    %dma_start3A_866 = arith.constant 0 : i32
    %dma_start3A_867 = tpu.memref_slice %arg4[%dma_start3A_865, %add3A_864, %dma_start3A_866] : memref<4x8192x768xf32, #tpu.memory_space<hbm>> -> memref<1x32x768xf32, #tpu.memory_space<hbm>>
    %dma_start3A_868 = tpu.memref_squeeze %dma_start3A_867 : memref<1x32x768xf32, #tpu.memory_space<hbm>> -> memref<32x768xf32, #tpu.memory_space<hbm>>
    %dma_start3A_869 = arith.constant 0 : i32
    %dma_start3A_870 = tpu.memref_slice %arg4[%dma_start3A_865, %add3A_864, %dma_start3A_869] : memref<4x8192x768xf32, #tpu.memory_space<hbm>> -> memref<1x32x768xf32, #tpu.memory_space<hbm>>
    %dma_start3A_871 = tpu.memref_squeeze %dma_start3A_870 : memref<1x32x768xf32, #tpu.memory_space<hbm>> -> memref<32x768xf32, #tpu.memory_space<hbm>>
    tpu.enqueue_dma source(%arg5 : memref<32x768xf32, #tpu.memory_space<vmem>>) target(%dma_start3A_871 : memref<32x768xf32, #tpu.memory_space<hbm>>) target_semaphore(%arg13 : memref<!tpu.dma_semaphore, #tpu.memory_space<semaphore_mem>>)
    %dma_wait3A_872 = arith.constant 3 : i32
    %dma_wait3A_873 = arith.constant 0 : i32
    %dma_wait3A_874 = tpu.memref_slice %arg4[%dma_wait3A_872, %add3A_822, %dma_wait3A_873] : memref<4x8192x768xf32, #tpu.memory_space<hbm>> -> memref<1x32x768xf32, #tpu.memory_space<hbm>>
    %dma_wait3A_875 = tpu.memref_squeeze %dma_wait3A_874 : memref<1x32x768xf32, #tpu.memory_space<hbm>> -> memref<32x768xf32, #tpu.memory_space<hbm>>
    %dma_wait3A_876 = arith.constant 0 : i32
    %dma_wait3A_877 = tpu.memref_slice %arg4[%dma_wait3A_872, %add3A_822, %dma_wait3A_876] : memref<4x8192x768xf32, #tpu.memory_space<hbm>> -> memref<1x32x768xf32, #tpu.memory_space<hbm>>
    %dma_wait3A_878 = tpu.memref_squeeze %dma_wait3A_877 : memref<1x32x768xf32, #tpu.memory_space<hbm>> -> memref<32x768xf32, #tpu.memory_space<hbm>>
    tpu.wait_dma2 semaphore(%arg15 : memref<!tpu.dma_semaphore, #tpu.memory_space<semaphore_mem>>) src(%arg7 : memref<32x768xf32, #tpu.memory_space<vmem>>) dst(%dma_wait3A_878 : memref<32x768xf32, #tpu.memory_space<hbm>>)
    %add3A_879 = arith.constant 192 : i32
    %add3A_880 = arith.addi %mul3A_2, %add3A_879 : i32
    %dma_start3A_881 = arith.constant 2 : i32
    %dma_start3A_882 = arith.constant 0 : i32
    %dma_start3A_883 = tpu.memref_slice %arg2[%dma_start3A_881, %add3A_880, %dma_start3A_882] : memref<4x8192x768xf32, #tpu.memory_space<hbm>> -> memref<1x32x768xf32, #tpu.memory_space<hbm>>
    %dma_start3A_884 = tpu.memref_squeeze %dma_start3A_883 : memref<1x32x768xf32, #tpu.memory_space<hbm>> -> memref<32x768xf32, #tpu.memory_space<hbm>>
    %dma_start3A_885 = arith.constant 0 : i32
    %dma_start3A_886 = tpu.memref_slice %arg2[%dma_start3A_881, %add3A_880, %dma_start3A_885] : memref<4x8192x768xf32, #tpu.memory_space<hbm>> -> memref<1x32x768xf32, #tpu.memory_space<hbm>>
    %dma_start3A_887 = tpu.memref_squeeze %dma_start3A_886 : memref<1x32x768xf32, #tpu.memory_space<hbm>> -> memref<32x768xf32, #tpu.memory_space<hbm>>
    tpu.enqueue_dma source(%dma_start3A_887 : memref<32x768xf32, #tpu.memory_space<hbm>>) target(%arg7 : memref<32x768xf32, #tpu.memory_space<vmem>>) target_semaphore(%arg12 : memref<!tpu.dma_semaphore, #tpu.memory_space<semaphore_mem>>)
    %dma_wait3A_888 = arith.constant 1 : i32
    %dma_wait3A_889 = arith.constant 0 : i32
    %dma_wait3A_890 = tpu.memref_slice %arg2[%dma_wait3A_888, %add3A_848, %dma_wait3A_889] : memref<4x8192x768xf32, #tpu.memory_space<hbm>> -> memref<1x32x768xf32, #tpu.memory_space<hbm>>
    %dma_wait3A_891 = tpu.memref_squeeze %dma_wait3A_890 : memref<1x32x768xf32, #tpu.memory_space<hbm>> -> memref<32x768xf32, #tpu.memory_space<hbm>>
    %dma_wait3A_892 = arith.constant 0 : i32
    %dma_wait3A_893 = tpu.memref_slice %arg2[%dma_wait3A_888, %add3A_848, %dma_wait3A_892] : memref<4x8192x768xf32, #tpu.memory_space<hbm>> -> memref<1x32x768xf32, #tpu.memory_space<hbm>>
    %dma_wait3A_894 = tpu.memref_squeeze %dma_wait3A_893 : memref<1x32x768xf32, #tpu.memory_space<hbm>> -> memref<32x768xf32, #tpu.memory_space<hbm>>
    tpu.wait_dma2 semaphore(%arg11 : memref<!tpu.dma_semaphore, #tpu.memory_space<semaphore_mem>>) src(%dma_wait3A_894 : memref<32x768xf32, #tpu.memory_space<hbm>>) dst(%arg6 : memref<32x768xf32, #tpu.memory_space<vmem>>)
    %add3A_895 = arith.constant 192 : i32
    %add3A_896 = arith.addi %mul3A_2, %add3A_895 : i32
    %dma_start3A_897 = arith.constant 1 : i32
    %dma_start3A_898 = arith.constant 0 : i32
    %dma_start3A_899 = tpu.memref_slice %arg4[%dma_start3A_897, %add3A_896, %dma_start3A_898] : memref<4x8192x768xf32, #tpu.memory_space<hbm>> -> memref<1x32x768xf32, #tpu.memory_space<hbm>>
    %dma_start3A_900 = tpu.memref_squeeze %dma_start3A_899 : memref<1x32x768xf32, #tpu.memory_space<hbm>> -> memref<32x768xf32, #tpu.memory_space<hbm>>
    %dma_start3A_901 = arith.constant 0 : i32
    %dma_start3A_902 = tpu.memref_slice %arg4[%dma_start3A_897, %add3A_896, %dma_start3A_901] : memref<4x8192x768xf32, #tpu.memory_space<hbm>> -> memref<1x32x768xf32, #tpu.memory_space<hbm>>
    %dma_start3A_903 = tpu.memref_squeeze %dma_start3A_902 : memref<1x32x768xf32, #tpu.memory_space<hbm>> -> memref<32x768xf32, #tpu.memory_space<hbm>>
    tpu.enqueue_dma source(%arg6 : memref<32x768xf32, #tpu.memory_space<vmem>>) target(%dma_start3A_903 : memref<32x768xf32, #tpu.memory_space<hbm>>) target_semaphore(%arg14 : memref<!tpu.dma_semaphore, #tpu.memory_space<semaphore_mem>>)
    %dma_wait3A_904 = arith.constant 0 : i32
    %dma_wait3A_905 = arith.constant 0 : i32
    %dma_wait3A_906 = tpu.memref_slice %arg4[%dma_wait3A_904, %add3A_864, %dma_wait3A_905] : memref<4x8192x768xf32, #tpu.memory_space<hbm>> -> memref<1x32x768xf32, #tpu.memory_space<hbm>>
    %dma_wait3A_907 = tpu.memref_squeeze %dma_wait3A_906 : memref<1x32x768xf32, #tpu.memory_space<hbm>> -> memref<32x768xf32, #tpu.memory_space<hbm>>
    %dma_wait3A_908 = arith.constant 0 : i32
    %dma_wait3A_909 = tpu.memref_slice %arg4[%dma_wait3A_904, %add3A_864, %dma_wait3A_908] : memref<4x8192x768xf32, #tpu.memory_space<hbm>> -> memref<1x32x768xf32, #tpu.memory_space<hbm>>
    %dma_wait3A_910 = tpu.memref_squeeze %dma_wait3A_909 : memref<1x32x768xf32, #tpu.memory_space<hbm>> -> memref<32x768xf32, #tpu.memory_space<hbm>>
    tpu.wait_dma2 semaphore(%arg13 : memref<!tpu.dma_semaphore, #tpu.memory_space<semaphore_mem>>) src(%arg5 : memref<32x768xf32, #tpu.memory_space<vmem>>) dst(%dma_wait3A_910 : memref<32x768xf32, #tpu.memory_space<hbm>>)
    %add3A_911 = arith.constant 192 : i32
    %add3A_912 = arith.addi %mul3A_2, %add3A_911 : i32
    %dma_start3A_913 = arith.constant 3 : i32
    %dma_start3A_914 = arith.constant 0 : i32
    %dma_start3A_915 = tpu.memref_slice %arg2[%dma_start3A_913, %add3A_912, %dma_start3A_914] : memref<4x8192x768xf32, #tpu.memory_space<hbm>> -> memref<1x32x768xf32, #tpu.memory_space<hbm>>
    %dma_start3A_916 = tpu.memref_squeeze %dma_start3A_915 : memref<1x32x768xf32, #tpu.memory_space<hbm>> -> memref<32x768xf32, #tpu.memory_space<hbm>>
    %dma_start3A_917 = arith.constant 0 : i32
    %dma_start3A_918 = tpu.memref_slice %arg2[%dma_start3A_913, %add3A_912, %dma_start3A_917] : memref<4x8192x768xf32, #tpu.memory_space<hbm>> -> memref<1x32x768xf32, #tpu.memory_space<hbm>>
    %dma_start3A_919 = tpu.memref_squeeze %dma_start3A_918 : memref<1x32x768xf32, #tpu.memory_space<hbm>> -> memref<32x768xf32, #tpu.memory_space<hbm>>
    tpu.enqueue_dma source(%dma_start3A_919 : memref<32x768xf32, #tpu.memory_space<hbm>>) target(%arg5 : memref<32x768xf32, #tpu.memory_space<vmem>>) target_semaphore(%arg10 : memref<!tpu.dma_semaphore, #tpu.memory_space<semaphore_mem>>)
    %dma_wait3A_920 = arith.constant 2 : i32
    %dma_wait3A_921 = arith.constant 0 : i32
    %dma_wait3A_922 = tpu.memref_slice %arg2[%dma_wait3A_920, %add3A_880, %dma_wait3A_921] : memref<4x8192x768xf32, #tpu.memory_space<hbm>> -> memref<1x32x768xf32, #tpu.memory_space<hbm>>
    %dma_wait3A_923 = tpu.memref_squeeze %dma_wait3A_922 : memref<1x32x768xf32, #tpu.memory_space<hbm>> -> memref<32x768xf32, #tpu.memory_space<hbm>>
    %dma_wait3A_924 = arith.constant 0 : i32
    %dma_wait3A_925 = tpu.memref_slice %arg2[%dma_wait3A_920, %add3A_880, %dma_wait3A_924] : memref<4x8192x768xf32, #tpu.memory_space<hbm>> -> memref<1x32x768xf32, #tpu.memory_space<hbm>>
    %dma_wait3A_926 = tpu.memref_squeeze %dma_wait3A_925 : memref<1x32x768xf32, #tpu.memory_space<hbm>> -> memref<32x768xf32, #tpu.memory_space<hbm>>
    tpu.wait_dma2 semaphore(%arg12 : memref<!tpu.dma_semaphore, #tpu.memory_space<semaphore_mem>>) src(%dma_wait3A_926 : memref<32x768xf32, #tpu.memory_space<hbm>>) dst(%arg7 : memref<32x768xf32, #tpu.memory_space<vmem>>)
    %add3A_927 = arith.constant 192 : i32
    %add3A_928 = arith.addi %mul3A_2, %add3A_927 : i32
    %dma_start3A_929 = arith.constant 2 : i32
    %dma_start3A_930 = arith.constant 0 : i32
    %dma_start3A_931 = tpu.memref_slice %arg4[%dma_start3A_929, %add3A_928, %dma_start3A_930] : memref<4x8192x768xf32, #tpu.memory_space<hbm>> -> memref<1x32x768xf32, #tpu.memory_space<hbm>>
    %dma_start3A_932 = tpu.memref_squeeze %dma_start3A_931 : memref<1x32x768xf32, #tpu.memory_space<hbm>> -> memref<32x768xf32, #tpu.memory_space<hbm>>
    %dma_start3A_933 = arith.constant 0 : i32
    %dma_start3A_934 = tpu.memref_slice %arg4[%dma_start3A_929, %add3A_928, %dma_start3A_933] : memref<4x8192x768xf32, #tpu.memory_space<hbm>> -> memref<1x32x768xf32, #tpu.memory_space<hbm>>
    %dma_start3A_935 = tpu.memref_squeeze %dma_start3A_934 : memref<1x32x768xf32, #tpu.memory_space<hbm>> -> memref<32x768xf32, #tpu.memory_space<hbm>>
    tpu.enqueue_dma source(%arg7 : memref<32x768xf32, #tpu.memory_space<vmem>>) target(%dma_start3A_935 : memref<32x768xf32, #tpu.memory_space<hbm>>) target_semaphore(%arg15 : memref<!tpu.dma_semaphore, #tpu.memory_space<semaphore_mem>>)
    %dma_wait3A_936 = arith.constant 1 : i32
    %dma_wait3A_937 = arith.constant 0 : i32
    %dma_wait3A_938 = tpu.memref_slice %arg4[%dma_wait3A_936, %add3A_896, %dma_wait3A_937] : memref<4x8192x768xf32, #tpu.memory_space<hbm>> -> memref<1x32x768xf32, #tpu.memory_space<hbm>>
    %dma_wait3A_939 = tpu.memref_squeeze %dma_wait3A_938 : memref<1x32x768xf32, #tpu.memory_space<hbm>> -> memref<32x768xf32, #tpu.memory_space<hbm>>
    %dma_wait3A_940 = arith.constant 0 : i32
    %dma_wait3A_941 = tpu.memref_slice %arg4[%dma_wait3A_936, %add3A_896, %dma_wait3A_940] : memref<4x8192x768xf32, #tpu.memory_space<hbm>> -> memref<1x32x768xf32, #tpu.memory_space<hbm>>
    %dma_wait3A_942 = tpu.memref_squeeze %dma_wait3A_941 : memref<1x32x768xf32, #tpu.memory_space<hbm>> -> memref<32x768xf32, #tpu.memory_space<hbm>>
    tpu.wait_dma2 semaphore(%arg14 : memref<!tpu.dma_semaphore, #tpu.memory_space<semaphore_mem>>) src(%arg6 : memref<32x768xf32, #tpu.memory_space<vmem>>) dst(%dma_wait3A_942 : memref<32x768xf32, #tpu.memory_space<hbm>>)
    %add3A_943 = arith.constant 224 : i32
    %add3A_944 = arith.addi %mul3A_2, %add3A_943 : i32
    %dma_start3A_945 = arith.constant 0 : i32
    %dma_start3A_946 = arith.constant 0 : i32
    %dma_start3A_947 = tpu.memref_slice %arg2[%dma_start3A_945, %add3A_944, %dma_start3A_946] : memref<4x8192x768xf32, #tpu.memory_space<hbm>> -> memref<1x32x768xf32, #tpu.memory_space<hbm>>
    %dma_start3A_948 = tpu.memref_squeeze %dma_start3A_947 : memref<1x32x768xf32, #tpu.memory_space<hbm>> -> memref<32x768xf32, #tpu.memory_space<hbm>>
    %dma_start3A_949 = arith.constant 0 : i32
    %dma_start3A_950 = tpu.memref_slice %arg2[%dma_start3A_945, %add3A_944, %dma_start3A_949] : memref<4x8192x768xf32, #tpu.memory_space<hbm>> -> memref<1x32x768xf32, #tpu.memory_space<hbm>>
    %dma_start3A_951 = tpu.memref_squeeze %dma_start3A_950 : memref<1x32x768xf32, #tpu.memory_space<hbm>> -> memref<32x768xf32, #tpu.memory_space<hbm>>
    tpu.enqueue_dma source(%dma_start3A_951 : memref<32x768xf32, #tpu.memory_space<hbm>>) target(%arg6 : memref<32x768xf32, #tpu.memory_space<vmem>>) target_semaphore(%arg11 : memref<!tpu.dma_semaphore, #tpu.memory_space<semaphore_mem>>)
    %dma_wait3A_952 = arith.constant 3 : i32
    %dma_wait3A_953 = arith.constant 0 : i32
    %dma_wait3A_954 = tpu.memref_slice %arg2[%dma_wait3A_952, %add3A_912, %dma_wait3A_953] : memref<4x8192x768xf32, #tpu.memory_space<hbm>> -> memref<1x32x768xf32, #tpu.memory_space<hbm>>
    %dma_wait3A_955 = tpu.memref_squeeze %dma_wait3A_954 : memref<1x32x768xf32, #tpu.memory_space<hbm>> -> memref<32x768xf32, #tpu.memory_space<hbm>>
    %dma_wait3A_956 = arith.constant 0 : i32
    %dma_wait3A_957 = tpu.memref_slice %arg2[%dma_wait3A_952, %add3A_912, %dma_wait3A_956] : memref<4x8192x768xf32, #tpu.memory_space<hbm>> -> memref<1x32x768xf32, #tpu.memory_space<hbm>>
    %dma_wait3A_958 = tpu.memref_squeeze %dma_wait3A_957 : memref<1x32x768xf32, #tpu.memory_space<hbm>> -> memref<32x768xf32, #tpu.memory_space<hbm>>
    tpu.wait_dma2 semaphore(%arg10 : memref<!tpu.dma_semaphore, #tpu.memory_space<semaphore_mem>>) src(%dma_wait3A_958 : memref<32x768xf32, #tpu.memory_space<hbm>>) dst(%arg5 : memref<32x768xf32, #tpu.memory_space<vmem>>)
    %add3A_959 = arith.constant 192 : i32
    %add3A_960 = arith.addi %mul3A_2, %add3A_959 : i32
    %dma_start3A_961 = arith.constant 3 : i32
    %dma_start3A_962 = arith.constant 0 : i32
    %dma_start3A_963 = tpu.memref_slice %arg4[%dma_start3A_961, %add3A_960, %dma_start3A_962] : memref<4x8192x768xf32, #tpu.memory_space<hbm>> -> memref<1x32x768xf32, #tpu.memory_space<hbm>>
    %dma_start3A_964 = tpu.memref_squeeze %dma_start3A_963 : memref<1x32x768xf32, #tpu.memory_space<hbm>> -> memref<32x768xf32, #tpu.memory_space<hbm>>
    %dma_start3A_965 = arith.constant 0 : i32
    %dma_start3A_966 = tpu.memref_slice %arg4[%dma_start3A_961, %add3A_960, %dma_start3A_965] : memref<4x8192x768xf32, #tpu.memory_space<hbm>> -> memref<1x32x768xf32, #tpu.memory_space<hbm>>
    %dma_start3A_967 = tpu.memref_squeeze %dma_start3A_966 : memref<1x32x768xf32, #tpu.memory_space<hbm>> -> memref<32x768xf32, #tpu.memory_space<hbm>>
    tpu.enqueue_dma source(%arg5 : memref<32x768xf32, #tpu.memory_space<vmem>>) target(%dma_start3A_967 : memref<32x768xf32, #tpu.memory_space<hbm>>) target_semaphore(%arg13 : memref<!tpu.dma_semaphore, #tpu.memory_space<semaphore_mem>>)
    %dma_wait3A_968 = arith.constant 0 : i32
    %dma_wait3A_969 = tpu.memref_slice %arg3[%add3A_835, %dma_wait3A_968] : memref<8192x768xf32, #tpu.memory_space<hbm>> -> memref<32x768xf32, #tpu.memory_space<hbm>>
    %dma_wait3A_970 = arith.constant 0 : i32
    %dma_wait3A_971 = tpu.memref_slice %arg3[%add3A_835, %dma_wait3A_970] : memref<8192x768xf32, #tpu.memory_space<hbm>> -> memref<32x768xf32, #tpu.memory_space<hbm>>
    tpu.wait_dma2 semaphore(%arg17 : memref<!tpu.dma_semaphore, #tpu.memory_space<semaphore_mem>>) src(%dma_wait3A_971 : memref<32x768xf32, #tpu.memory_space<hbm>>) dst(%arg9 : memref<32x768xf32, #tpu.memory_space<vmem>>)
    %dma_wait3A_972 = arith.constant 2 : i32
    %dma_wait3A_973 = arith.constant 0 : i32
    %dma_wait3A_974 = tpu.memref_slice %arg4[%dma_wait3A_972, %add3A_928, %dma_wait3A_973] : memref<4x8192x768xf32, #tpu.memory_space<hbm>> -> memref<1x32x768xf32, #tpu.memory_space<hbm>>
    %dma_wait3A_975 = tpu.memref_squeeze %dma_wait3A_974 : memref<1x32x768xf32, #tpu.memory_space<hbm>> -> memref<32x768xf32, #tpu.memory_space<hbm>>
    %dma_wait3A_976 = arith.constant 0 : i32
    %dma_wait3A_977 = tpu.memref_slice %arg4[%dma_wait3A_972, %add3A_928, %dma_wait3A_976] : memref<4x8192x768xf32, #tpu.memory_space<hbm>> -> memref<1x32x768xf32, #tpu.memory_space<hbm>>
    %dma_wait3A_978 = tpu.memref_squeeze %dma_wait3A_977 : memref<1x32x768xf32, #tpu.memory_space<hbm>> -> memref<32x768xf32, #tpu.memory_space<hbm>>
    tpu.wait_dma2 semaphore(%arg15 : memref<!tpu.dma_semaphore, #tpu.memory_space<semaphore_mem>>) src(%arg7 : memref<32x768xf32, #tpu.memory_space<vmem>>) dst(%dma_wait3A_978 : memref<32x768xf32, #tpu.memory_space<hbm>>)
    %add3A_979 = arith.constant 224 : i32
    %add3A_980 = arith.addi %mul3A_2, %add3A_979 : i32
    %dma_start3A_981 = arith.constant 1 : i32
    %dma_start3A_982 = arith.constant 0 : i32
    %dma_start3A_983 = tpu.memref_slice %arg2[%dma_start3A_981, %add3A_980, %dma_start3A_982] : memref<4x8192x768xf32, #tpu.memory_space<hbm>> -> memref<1x32x768xf32, #tpu.memory_space<hbm>>
    %dma_start3A_984 = tpu.memref_squeeze %dma_start3A_983 : memref<1x32x768xf32, #tpu.memory_space<hbm>> -> memref<32x768xf32, #tpu.memory_space<hbm>>
    %dma_start3A_985 = arith.constant 0 : i32
    %dma_start3A_986 = tpu.memref_slice %arg2[%dma_start3A_981, %add3A_980, %dma_start3A_985] : memref<4x8192x768xf32, #tpu.memory_space<hbm>> -> memref<1x32x768xf32, #tpu.memory_space<hbm>>
    %dma_start3A_987 = tpu.memref_squeeze %dma_start3A_986 : memref<1x32x768xf32, #tpu.memory_space<hbm>> -> memref<32x768xf32, #tpu.memory_space<hbm>>
    tpu.enqueue_dma source(%dma_start3A_987 : memref<32x768xf32, #tpu.memory_space<hbm>>) target(%arg7 : memref<32x768xf32, #tpu.memory_space<vmem>>) target_semaphore(%arg12 : memref<!tpu.dma_semaphore, #tpu.memory_space<semaphore_mem>>)
    %dma_wait3A_988 = arith.constant 0 : i32
    %dma_wait3A_989 = arith.constant 0 : i32
    %dma_wait3A_990 = tpu.memref_slice %arg2[%dma_wait3A_988, %add3A_944, %dma_wait3A_989] : memref<4x8192x768xf32, #tpu.memory_space<hbm>> -> memref<1x32x768xf32, #tpu.memory_space<hbm>>
    %dma_wait3A_991 = tpu.memref_squeeze %dma_wait3A_990 : memref<1x32x768xf32, #tpu.memory_space<hbm>> -> memref<32x768xf32, #tpu.memory_space<hbm>>
    %dma_wait3A_992 = arith.constant 0 : i32
    %dma_wait3A_993 = tpu.memref_slice %arg2[%dma_wait3A_988, %add3A_944, %dma_wait3A_992] : memref<4x8192x768xf32, #tpu.memory_space<hbm>> -> memref<1x32x768xf32, #tpu.memory_space<hbm>>
    %dma_wait3A_994 = tpu.memref_squeeze %dma_wait3A_993 : memref<1x32x768xf32, #tpu.memory_space<hbm>> -> memref<32x768xf32, #tpu.memory_space<hbm>>
    tpu.wait_dma2 semaphore(%arg11 : memref<!tpu.dma_semaphore, #tpu.memory_space<semaphore_mem>>) src(%dma_wait3A_994 : memref<32x768xf32, #tpu.memory_space<hbm>>) dst(%arg6 : memref<32x768xf32, #tpu.memory_space<vmem>>)
    %add3A_995 = arith.constant 224 : i32
    %add3A_996 = arith.addi %mul3A_2, %add3A_995 : i32
    %dma_start3A_997 = arith.constant 0 : i32
    %dma_start3A_998 = arith.constant 0 : i32
    %dma_start3A_999 = tpu.memref_slice %arg4[%dma_start3A_997, %add3A_996, %dma_start3A_998] : memref<4x8192x768xf32, #tpu.memory_space<hbm>> -> memref<1x32x768xf32, #tpu.memory_space<hbm>>
    %dma_start3A_1000 = tpu.memref_squeeze %dma_start3A_999 : memref<1x32x768xf32, #tpu.memory_space<hbm>> -> memref<32x768xf32, #tpu.memory_space<hbm>>
    %dma_start3A_1001 = arith.constant 0 : i32
    %dma_start3A_1002 = tpu.memref_slice %arg4[%dma_start3A_997, %add3A_996, %dma_start3A_1001] : memref<4x8192x768xf32, #tpu.memory_space<hbm>> -> memref<1x32x768xf32, #tpu.memory_space<hbm>>
    %dma_start3A_1003 = tpu.memref_squeeze %dma_start3A_1002 : memref<1x32x768xf32, #tpu.memory_space<hbm>> -> memref<32x768xf32, #tpu.memory_space<hbm>>
    tpu.enqueue_dma source(%arg6 : memref<32x768xf32, #tpu.memory_space<vmem>>) target(%dma_start3A_1003 : memref<32x768xf32, #tpu.memory_space<hbm>>) target_semaphore(%arg14 : memref<!tpu.dma_semaphore, #tpu.memory_space<semaphore_mem>>)
    %dma_wait3A_1004 = arith.constant 3 : i32
    %dma_wait3A_1005 = arith.constant 0 : i32
    %dma_wait3A_1006 = tpu.memref_slice %arg4[%dma_wait3A_1004, %add3A_960, %dma_wait3A_1005] : memref<4x8192x768xf32, #tpu.memory_space<hbm>> -> memref<1x32x768xf32, #tpu.memory_space<hbm>>
    %dma_wait3A_1007 = tpu.memref_squeeze %dma_wait3A_1006 : memref<1x32x768xf32, #tpu.memory_space<hbm>> -> memref<32x768xf32, #tpu.memory_space<hbm>>
    %dma_wait3A_1008 = arith.constant 0 : i32
    %dma_wait3A_1009 = tpu.memref_slice %arg4[%dma_wait3A_1004, %add3A_960, %dma_wait3A_1008] : memref<4x8192x768xf32, #tpu.memory_space<hbm>> -> memref<1x32x768xf32, #tpu.memory_space<hbm>>
    %dma_wait3A_1010 = tpu.memref_squeeze %dma_wait3A_1009 : memref<1x32x768xf32, #tpu.memory_space<hbm>> -> memref<32x768xf32, #tpu.memory_space<hbm>>
    tpu.wait_dma2 semaphore(%arg13 : memref<!tpu.dma_semaphore, #tpu.memory_space<semaphore_mem>>) src(%arg5 : memref<32x768xf32, #tpu.memory_space<vmem>>) dst(%dma_wait3A_1010 : memref<32x768xf32, #tpu.memory_space<hbm>>)
    %add3A_1011 = arith.constant 224 : i32
    %add3A_1012 = arith.addi %mul3A_2, %add3A_1011 : i32
    %dma_start3A_1013 = arith.constant 2 : i32
    %dma_start3A_1014 = arith.constant 0 : i32
    %dma_start3A_1015 = tpu.memref_slice %arg2[%dma_start3A_1013, %add3A_1012, %dma_start3A_1014] : memref<4x8192x768xf32, #tpu.memory_space<hbm>> -> memref<1x32x768xf32, #tpu.memory_space<hbm>>
    %dma_start3A_1016 = tpu.memref_squeeze %dma_start3A_1015 : memref<1x32x768xf32, #tpu.memory_space<hbm>> -> memref<32x768xf32, #tpu.memory_space<hbm>>
    %dma_start3A_1017 = arith.constant 0 : i32
    %dma_start3A_1018 = tpu.memref_slice %arg2[%dma_start3A_1013, %add3A_1012, %dma_start3A_1017] : memref<4x8192x768xf32, #tpu.memory_space<hbm>> -> memref<1x32x768xf32, #tpu.memory_space<hbm>>
    %dma_start3A_1019 = tpu.memref_squeeze %dma_start3A_1018 : memref<1x32x768xf32, #tpu.memory_space<hbm>> -> memref<32x768xf32, #tpu.memory_space<hbm>>
    tpu.enqueue_dma source(%dma_start3A_1019 : memref<32x768xf32, #tpu.memory_space<hbm>>) target(%arg5 : memref<32x768xf32, #tpu.memory_space<vmem>>) target_semaphore(%arg10 : memref<!tpu.dma_semaphore, #tpu.memory_space<semaphore_mem>>)
    %dma_wait3A_1020 = arith.constant 1 : i32
    %dma_wait3A_1021 = arith.constant 0 : i32
    %dma_wait3A_1022 = tpu.memref_slice %arg2[%dma_wait3A_1020, %add3A_980, %dma_wait3A_1021] : memref<4x8192x768xf32, #tpu.memory_space<hbm>> -> memref<1x32x768xf32, #tpu.memory_space<hbm>>
    %dma_wait3A_1023 = tpu.memref_squeeze %dma_wait3A_1022 : memref<1x32x768xf32, #tpu.memory_space<hbm>> -> memref<32x768xf32, #tpu.memory_space<hbm>>
    %dma_wait3A_1024 = arith.constant 0 : i32
    %dma_wait3A_1025 = tpu.memref_slice %arg2[%dma_wait3A_1020, %add3A_980, %dma_wait3A_1024] : memref<4x8192x768xf32, #tpu.memory_space<hbm>> -> memref<1x32x768xf32, #tpu.memory_space<hbm>>
    %dma_wait3A_1026 = tpu.memref_squeeze %dma_wait3A_1025 : memref<1x32x768xf32, #tpu.memory_space<hbm>> -> memref<32x768xf32, #tpu.memory_space<hbm>>
    tpu.wait_dma2 semaphore(%arg12 : memref<!tpu.dma_semaphore, #tpu.memory_space<semaphore_mem>>) src(%dma_wait3A_1026 : memref<32x768xf32, #tpu.memory_space<hbm>>) dst(%arg7 : memref<32x768xf32, #tpu.memory_space<vmem>>)
    %add3A_1027 = arith.constant 224 : i32
    %add3A_1028 = arith.addi %mul3A_2, %add3A_1027 : i32
    %dma_start3A_1029 = arith.constant 1 : i32
    %dma_start3A_1030 = arith.constant 0 : i32
    %dma_start3A_1031 = tpu.memref_slice %arg4[%dma_start3A_1029, %add3A_1028, %dma_start3A_1030] : memref<4x8192x768xf32, #tpu.memory_space<hbm>> -> memref<1x32x768xf32, #tpu.memory_space<hbm>>
    %dma_start3A_1032 = tpu.memref_squeeze %dma_start3A_1031 : memref<1x32x768xf32, #tpu.memory_space<hbm>> -> memref<32x768xf32, #tpu.memory_space<hbm>>
    %dma_start3A_1033 = arith.constant 0 : i32
    %dma_start3A_1034 = tpu.memref_slice %arg4[%dma_start3A_1029, %add3A_1028, %dma_start3A_1033] : memref<4x8192x768xf32, #tpu.memory_space<hbm>> -> memref<1x32x768xf32, #tpu.memory_space<hbm>>
    %dma_start3A_1035 = tpu.memref_squeeze %dma_start3A_1034 : memref<1x32x768xf32, #tpu.memory_space<hbm>> -> memref<32x768xf32, #tpu.memory_space<hbm>>
    tpu.enqueue_dma source(%arg7 : memref<32x768xf32, #tpu.memory_space<vmem>>) target(%dma_start3A_1035 : memref<32x768xf32, #tpu.memory_space<hbm>>) target_semaphore(%arg15 : memref<!tpu.dma_semaphore, #tpu.memory_space<semaphore_mem>>)
    %dma_wait3A_1036 = arith.constant 0 : i32
    %dma_wait3A_1037 = arith.constant 0 : i32
    %dma_wait3A_1038 = tpu.memref_slice %arg4[%dma_wait3A_1036, %add3A_996, %dma_wait3A_1037] : memref<4x8192x768xf32, #tpu.memory_space<hbm>> -> memref<1x32x768xf32, #tpu.memory_space<hbm>>
    %dma_wait3A_1039 = tpu.memref_squeeze %dma_wait3A_1038 : memref<1x32x768xf32, #tpu.memory_space<hbm>> -> memref<32x768xf32, #tpu.memory_space<hbm>>
    %dma_wait3A_1040 = arith.constant 0 : i32
    %dma_wait3A_1041 = tpu.memref_slice %arg4[%dma_wait3A_1036, %add3A_996, %dma_wait3A_1040] : memref<4x8192x768xf32, #tpu.memory_space<hbm>> -> memref<1x32x768xf32, #tpu.memory_space<hbm>>
    %dma_wait3A_1042 = tpu.memref_squeeze %dma_wait3A_1041 : memref<1x32x768xf32, #tpu.memory_space<hbm>> -> memref<32x768xf32, #tpu.memory_space<hbm>>
    tpu.wait_dma2 semaphore(%arg14 : memref<!tpu.dma_semaphore, #tpu.memory_space<semaphore_mem>>) src(%arg6 : memref<32x768xf32, #tpu.memory_space<vmem>>) dst(%dma_wait3A_1042 : memref<32x768xf32, #tpu.memory_space<hbm>>)
    %add3A_1043 = arith.constant 224 : i32
    %add3A_1044 = arith.addi %mul3A_2, %add3A_1043 : i32
    %dma_start3A_1045 = arith.constant 3 : i32
    %dma_start3A_1046 = arith.constant 0 : i32
    %dma_start3A_1047 = tpu.memref_slice %arg2[%dma_start3A_1045, %add3A_1044, %dma_start3A_1046] : memref<4x8192x768xf32, #tpu.memory_space<hbm>> -> memref<1x32x768xf32, #tpu.memory_space<hbm>>
    %dma_start3A_1048 = tpu.memref_squeeze %dma_start3A_1047 : memref<1x32x768xf32, #tpu.memory_space<hbm>> -> memref<32x768xf32, #tpu.memory_space<hbm>>
    %dma_start3A_1049 = arith.constant 0 : i32
    %dma_start3A_1050 = tpu.memref_slice %arg2[%dma_start3A_1045, %add3A_1044, %dma_start3A_1049] : memref<4x8192x768xf32, #tpu.memory_space<hbm>> -> memref<1x32x768xf32, #tpu.memory_space<hbm>>
    %dma_start3A_1051 = tpu.memref_squeeze %dma_start3A_1050 : memref<1x32x768xf32, #tpu.memory_space<hbm>> -> memref<32x768xf32, #tpu.memory_space<hbm>>
    tpu.enqueue_dma source(%dma_start3A_1051 : memref<32x768xf32, #tpu.memory_space<hbm>>) target(%arg6 : memref<32x768xf32, #tpu.memory_space<vmem>>) target_semaphore(%arg11 : memref<!tpu.dma_semaphore, #tpu.memory_space<semaphore_mem>>)
    %dma_wait3A_1052 = arith.constant 2 : i32
    %dma_wait3A_1053 = arith.constant 0 : i32
    %dma_wait3A_1054 = tpu.memref_slice %arg2[%dma_wait3A_1052, %add3A_1012, %dma_wait3A_1053] : memref<4x8192x768xf32, #tpu.memory_space<hbm>> -> memref<1x32x768xf32, #tpu.memory_space<hbm>>
    %dma_wait3A_1055 = tpu.memref_squeeze %dma_wait3A_1054 : memref<1x32x768xf32, #tpu.memory_space<hbm>> -> memref<32x768xf32, #tpu.memory_space<hbm>>
    %dma_wait3A_1056 = arith.constant 0 : i32
    %dma_wait3A_1057 = tpu.memref_slice %arg2[%dma_wait3A_1052, %add3A_1012, %dma_wait3A_1056] : memref<4x8192x768xf32, #tpu.memory_space<hbm>> -> memref<1x32x768xf32, #tpu.memory_space<hbm>>
    %dma_wait3A_1058 = tpu.memref_squeeze %dma_wait3A_1057 : memref<1x32x768xf32, #tpu.memory_space<hbm>> -> memref<32x768xf32, #tpu.memory_space<hbm>>
    tpu.wait_dma2 semaphore(%arg10 : memref<!tpu.dma_semaphore, #tpu.memory_space<semaphore_mem>>) src(%dma_wait3A_1058 : memref<32x768xf32, #tpu.memory_space<hbm>>) dst(%arg5 : memref<32x768xf32, #tpu.memory_space<vmem>>)
    %add3A_1059 = arith.constant 224 : i32
    %add3A_1060 = arith.addi %mul3A_2, %add3A_1059 : i32
    %dma_start3A_1061 = arith.constant 2 : i32
    %dma_start3A_1062 = arith.constant 0 : i32
    %dma_start3A_1063 = tpu.memref_slice %arg4[%dma_start3A_1061, %add3A_1060, %dma_start3A_1062] : memref<4x8192x768xf32, #tpu.memory_space<hbm>> -> memref<1x32x768xf32, #tpu.memory_space<hbm>>
    %dma_start3A_1064 = tpu.memref_squeeze %dma_start3A_1063 : memref<1x32x768xf32, #tpu.memory_space<hbm>> -> memref<32x768xf32, #tpu.memory_space<hbm>>
    %dma_start3A_1065 = arith.constant 0 : i32
    %dma_start3A_1066 = tpu.memref_slice %arg4[%dma_start3A_1061, %add3A_1060, %dma_start3A_1065] : memref<4x8192x768xf32, #tpu.memory_space<hbm>> -> memref<1x32x768xf32, #tpu.memory_space<hbm>>
    %dma_start3A_1067 = tpu.memref_squeeze %dma_start3A_1066 : memref<1x32x768xf32, #tpu.memory_space<hbm>> -> memref<32x768xf32, #tpu.memory_space<hbm>>
    tpu.enqueue_dma source(%arg5 : memref<32x768xf32, #tpu.memory_space<vmem>>) target(%dma_start3A_1067 : memref<32x768xf32, #tpu.memory_space<hbm>>) target_semaphore(%arg13 : memref<!tpu.dma_semaphore, #tpu.memory_space<semaphore_mem>>)
    %dma_wait3A_1068 = arith.constant 3 : i32
    %dma_wait3A_1069 = arith.constant 0 : i32
    %dma_wait3A_1070 = tpu.memref_slice %arg2[%dma_wait3A_1068, %add3A_1044, %dma_wait3A_1069] : memref<4x8192x768xf32, #tpu.memory_space<hbm>> -> memref<1x32x768xf32, #tpu.memory_space<hbm>>
    %dma_wait3A_1071 = tpu.memref_squeeze %dma_wait3A_1070 : memref<1x32x768xf32, #tpu.memory_space<hbm>> -> memref<32x768xf32, #tpu.memory_space<hbm>>
    %dma_wait3A_1072 = arith.constant 0 : i32
    %dma_wait3A_1073 = tpu.memref_slice %arg2[%dma_wait3A_1068, %add3A_1044, %dma_wait3A_1072] : memref<4x8192x768xf32, #tpu.memory_space<hbm>> -> memref<1x32x768xf32, #tpu.memory_space<hbm>>
    %dma_wait3A_1074 = tpu.memref_squeeze %dma_wait3A_1073 : memref<1x32x768xf32, #tpu.memory_space<hbm>> -> memref<32x768xf32, #tpu.memory_space<hbm>>
    tpu.wait_dma2 semaphore(%arg11 : memref<!tpu.dma_semaphore, #tpu.memory_space<semaphore_mem>>) src(%dma_wait3A_1074 : memref<32x768xf32, #tpu.memory_space<hbm>>) dst(%arg6 : memref<32x768xf32, #tpu.memory_space<vmem>>)
    %add3A_1075 = arith.constant 224 : i32
    %add3A_1076 = arith.addi %mul3A_2, %add3A_1075 : i32
    %dma_start3A_1077 = arith.constant 3 : i32
    %dma_start3A_1078 = arith.constant 0 : i32
    %dma_start3A_1079 = tpu.memref_slice %arg4[%dma_start3A_1077, %add3A_1076, %dma_start3A_1078] : memref<4x8192x768xf32, #tpu.memory_space<hbm>> -> memref<1x32x768xf32, #tpu.memory_space<hbm>>
    %dma_start3A_1080 = tpu.memref_squeeze %dma_start3A_1079 : memref<1x32x768xf32, #tpu.memory_space<hbm>> -> memref<32x768xf32, #tpu.memory_space<hbm>>
    %dma_start3A_1081 = arith.constant 0 : i32
    %dma_start3A_1082 = tpu.memref_slice %arg4[%dma_start3A_1077, %add3A_1076, %dma_start3A_1081] : memref<4x8192x768xf32, #tpu.memory_space<hbm>> -> memref<1x32x768xf32, #tpu.memory_space<hbm>>
    %dma_start3A_1083 = tpu.memref_squeeze %dma_start3A_1082 : memref<1x32x768xf32, #tpu.memory_space<hbm>> -> memref<32x768xf32, #tpu.memory_space<hbm>>
    tpu.enqueue_dma source(%arg6 : memref<32x768xf32, #tpu.memory_space<vmem>>) target(%dma_start3A_1083 : memref<32x768xf32, #tpu.memory_space<hbm>>) target_semaphore(%arg14 : memref<!tpu.dma_semaphore, #tpu.memory_space<semaphore_mem>>)
    %dma_wait3A_1084 = arith.constant 1 : i32
    %dma_wait3A_1085 = arith.constant 0 : i32
    %dma_wait3A_1086 = tpu.memref_slice %arg4[%dma_wait3A_1084, %add3A_1028, %dma_wait3A_1085] : memref<4x8192x768xf32, #tpu.memory_space<hbm>> -> memref<1x32x768xf32, #tpu.memory_space<hbm>>
    %dma_wait3A_1087 = tpu.memref_squeeze %dma_wait3A_1086 : memref<1x32x768xf32, #tpu.memory_space<hbm>> -> memref<32x768xf32, #tpu.memory_space<hbm>>
    %dma_wait3A_1088 = arith.constant 0 : i32
    %dma_wait3A_1089 = tpu.memref_slice %arg4[%dma_wait3A_1084, %add3A_1028, %dma_wait3A_1088] : memref<4x8192x768xf32, #tpu.memory_space<hbm>> -> memref<1x32x768xf32, #tpu.memory_space<hbm>>
    %dma_wait3A_1090 = tpu.memref_squeeze %dma_wait3A_1089 : memref<1x32x768xf32, #tpu.memory_space<hbm>> -> memref<32x768xf32, #tpu.memory_space<hbm>>
    tpu.wait_dma2 semaphore(%arg15 : memref<!tpu.dma_semaphore, #tpu.memory_space<semaphore_mem>>) src(%arg7 : memref<32x768xf32, #tpu.memory_space<vmem>>) dst(%dma_wait3A_1090 : memref<32x768xf32, #tpu.memory_space<hbm>>)
    %dma_wait3A_1091 = arith.constant 2 : i32
    %dma_wait3A_1092 = arith.constant 0 : i32
    %dma_wait3A_1093 = tpu.memref_slice %arg4[%dma_wait3A_1091, %add3A_1060, %dma_wait3A_1092] : memref<4x8192x768xf32, #tpu.memory_space<hbm>> -> memref<1x32x768xf32, #tpu.memory_space<hbm>>
    %dma_wait3A_1094 = tpu.memref_squeeze %dma_wait3A_1093 : memref<1x32x768xf32, #tpu.memory_space<hbm>> -> memref<32x768xf32, #tpu.memory_space<hbm>>
    %dma_wait3A_1095 = arith.constant 0 : i32
    %dma_wait3A_1096 = tpu.memref_slice %arg4[%dma_wait3A_1091, %add3A_1060, %dma_wait3A_1095] : memref<4x8192x768xf32, #tpu.memory_space<hbm>> -> memref<1x32x768xf32, #tpu.memory_space<hbm>>
    %dma_wait3A_1097 = tpu.memref_squeeze %dma_wait3A_1096 : memref<1x32x768xf32, #tpu.memory_space<hbm>> -> memref<32x768xf32, #tpu.memory_space<hbm>>
    tpu.wait_dma2 semaphore(%arg13 : memref<!tpu.dma_semaphore, #tpu.memory_space<semaphore_mem>>) src(%arg5 : memref<32x768xf32, #tpu.memory_space<vmem>>) dst(%dma_wait3A_1097 : memref<32x768xf32, #tpu.memory_space<hbm>>)
    %dma_wait3A_1098 = arith.constant 3 : i32
    %dma_wait3A_1099 = arith.constant 0 : i32
    %dma_wait3A_1100 = tpu.memref_slice %arg4[%dma_wait3A_1098, %add3A_1076, %dma_wait3A_1099] : memref<4x8192x768xf32, #tpu.memory_space<hbm>> -> memref<1x32x768xf32, #tpu.memory_space<hbm>>
    %dma_wait3A_1101 = tpu.memref_squeeze %dma_wait3A_1100 : memref<1x32x768xf32, #tpu.memory_space<hbm>> -> memref<32x768xf32, #tpu.memory_space<hbm>>
    %dma_wait3A_1102 = arith.constant 0 : i32
    %dma_wait3A_1103 = tpu.memref_slice %arg4[%dma_wait3A_1098, %add3A_1076, %dma_wait3A_1102] : memref<4x8192x768xf32, #tpu.memory_space<hbm>> -> memref<1x32x768xf32, #tpu.memory_space<hbm>>
    %dma_wait3A_1104 = tpu.memref_squeeze %dma_wait3A_1103 : memref<1x32x768xf32, #tpu.memory_space<hbm>> -> memref<32x768xf32, #tpu.memory_space<hbm>>
    tpu.wait_dma2 semaphore(%arg14 : memref<!tpu.dma_semaphore, #tpu.memory_space<semaphore_mem>>) src(%arg6 : memref<32x768xf32, #tpu.memory_space<vmem>>) dst(%dma_wait3A_1104 : memref<32x768xf32, #tpu.memory_space<hbm>>)
    return
  }
}

</mosaic_0001>

<sc_bundles>
// kernel: kernel.3.cloned.1.call-start
scs
__scs_entry_jumppad:
0x0: {  	(pc) =	sbr.rel $0x88, $3  }
0x1: {  	(tag) =	ssettag $0x0;
	lr =	simm.s32 $0x1  }
0x2: {  	[smem:$0x3F9F] =	sst lr;
	_ =	strace $0xD0000000  }
0x3: {  	_ = 	snop  }
0x4: {  	_ = 	snop  }
0x5: {  	_ = 	snop  }
0x6: {  	_ = 	snop  }
0x7: {  	_ = 	snop  }
__scs_overlays_trampoline_lowered:
0x8: {  	[smem:$0x3FAE] =	sst s0  }
0x9: {  	[smem:$0x3FAF] =	sst s1  }
0xa: {  	[smem:$0x3FB0] =	sst s2  }
0xb: {  	[smem:$0x3FB1] =	sst s3  }
0xc: {  	[smem:$0x3FB2] =	sst s4  }
0xd: {  	[smem:$0x3FB3] =	sst s5  }
0xe: {  	[smem:$0x3FB4] =	sst s6  }
0xf: {  	[smem:$0x3FB5] =	sst s7  }
0x10: {  	[smem:$0x3FB6] =	sst s8  }
0x11: {  	[smem:$0x3FB7] =	sst s9;
	s0 =	simm.s32 @!p0 $0x0  }
0x12: {  	s1 =	sld [smem:$0x3F9D];
	s0 =	simm.s32 @p0 $0x1  }
0x13: {  	[smem:$0x3FB8] =	sst s0;
	s0 =	simm.s32 @!p1 $0x0  }
0x14: {  	s2 =	sld [smem:$0x3F9C];
	s0 =	simm.s32 @p1 $0x1  }
0x15: {  	[smem:$0x3FB9] =	sst s0;
	s0 =	simm.s32 @!p2 $0x0  }
0x16: {  	s3 =	sld [smem:$0x3FDB];
	s0 =	simm.s32 @p2 $0x1  }
0x17: {  	s4 =	simm.s32 $0x1BF5;
	[smem:$0x3FBB] =	sst s0  }
0x18: {  	s0 =	sld [smem:$0x3F9E];
	_ =	swait.ge [sflag:s4], $0x0  }
0x19: {  	s7 =	sld [smem:$0x3F9F]  }
0x1a: {  	s8 =	sadd.s32 $0xFFFFE003, lr  }
0x1b: {  	s9 =	sadd.s32 $0xFFFFFEF7, lr;
	s5 =	simm.s32 $0xFFFFFFFF;
	p2 =	slt.u32 s8, $0xFFFFF086  }
0x1c: {  	p1 =	slt.u32 s9, $0xF7A;
	s5 =	simm.s32 @!p2 $0x0  }
0x1d: {  	s5 =	simm.s32 @p1 $0x1;
	p0 =	seq.s32 s7, s2  }
0x1e: {  	s7 =	smul.u32 @!p0 $0xF7A, s2;
	p2 =	seq.s32 @!p0 s5, $0x0  }
0x1f: {  	s9 =	smul.u32 $0xF7A, s1;
	s8 =	simm.s32 @!p0 $0x1BF5;
	p2 =	por !p2, p0  }
0x20: {  	[sflag:s8] =	ssyncset.s32 @!p0 $0xFFFFF086;
	s6 =	sadd.s32 @!p0 s3, s7;
	s7 =	simm.s32 @!p0 $0x108  }
0x21: {  	s3 =	sadd.s32 s3, s9;
	s6 =	sadd.s32 @!p0 $0x88, s6;
	s7 =	simm.s32 @p2 $0x1082  }
0x22: {  	[simem:s7], [sflag:s8] =	dma.local @!p0 [hbm:s6], $0xF7A  }
0x23: {  	s9 =	sor.u32 $0xD0000000, s2;
	s6 =	simm.s32 $0x108;
	_ =	swait.ge @!p0 [sflag:s8], $0x0  }
0x24: {  	s3 =	sadd.s32 $0x88, s3;
	s6 =	simm.s32 @!p1 $0x1082;
	[sflag:s4] =	ssyncset.s32 $0xFFFFF086  }
0x25: {  	[simem:s6], [sflag:s4] =	dma.local [hbm:s3], $0xF7A  }
0x26: {  	[smem:$0x3F9F] =	sst s1;
	(tag) =	ssettag s2;
	_ =	strace s9  }
0x27: {  	s1 =	sld [smem:$0x3FAF]  }
0x28: {  	s2 =	sld [smem:$0x3FB0]  }
0x29: {  	s4 =	sld [smem:$0x3FB2]  }
0x2a: {  	p0 =	seq.s32 s5, $0x0;
	s5 =	sld [smem:$0x3FB3]  }
0x2b: {  	s6 =	sld [smem:$0x3FB4]  }
0x2c: {  	s7 =	sld [smem:$0x3FB5]  }
0x2d: {  	s3 =	simm.s32 $0x108;
	s8 =	sld [smem:$0x3FB6]  }
0x2e: {  	s3 =	simm.s32 @!p0 $0x1082;
	s9 =	sld [smem:$0x3FB7]  }
0x2f: {  	lr =	sadd.s32 s0, s3;
	s0 =	sld [smem:$0x3FAE]  }
0x30: {  	s3 =	sld [smem:$0x3FB1]  }
0x31: {  	[smem:$0x3FBA] =	sst s10  }
0x32: {  	s10 =	sld [smem:$0x3FB8];
	_ =	sdelay $0x3  }
0x33: {  	p0 =	seq.s32 s10, $0x1;
	s10 =	sld [smem:$0x3FBA];
	_ =	sdelay $0x3  }
0x34: {  	[smem:$0x3FBA] =	sst s10  }
0x35: {  	s10 =	sld [smem:$0x3FB9];
	_ =	sdelay $0x3  }
0x36: {  	p1 =	seq.s32 s10, $0x1;
	s10 =	sld [smem:$0x3FBA];
	_ =	sdelay $0x3  }
0x37: {  	[smem:$0x3FBA] =	sst s10  }
0x38: {  	s10 =	sld [smem:$0x3FBB]  }
0x39: {  	_ = 	snop;
	(pc) =	sbr.ind lr, $3  }
0x3a: {  	_ = 	snop  }
0x3b: {  	_ = 	snop  }
0x3c: {  	p2 =	seq.s32 s10, $0x1;
	s10 =	sld [smem:$0x3FBA]  }
0x3d: {  	_ =	shalt  }
0x3e: {  	_ =	shalt  }
0x3f: {  	_ =	shalt  }
0x40: {  	_ =	shalt  }
0x41: {  	_ =	shalt  }
0x42: {  	_ =	shalt  }
0x43: {  	_ =	shalt  }
0x44: {  	_ =	shalt  }
0x45: {  	_ =	shalt  }
0x46: {  	_ =	shalt  }
0x47: {  	_ =	shalt  }
0x48: {  	_ =	shalt  }
0x49: {  	_ =	shalt  }
0x4a: {  	_ =	shalt  }
0x4b: {  	_ =	shalt  }
0x4c: {  	_ =	shalt  }
0x4d: {  	_ =	shalt  }
0x4e: {  	_ =	shalt  }
0x4f: {  	_ =	shalt  }
0x50: {  	_ =	shalt  }
0x51: {  	_ =	shalt  }
0x52: {  	_ =	shalt  }
0x53: {  	_ =	shalt  }
0x54: {  	_ =	shalt  }
0x55: {  	_ =	shalt  }
0x56: {  	_ =	shalt  }
0x57: {  	_ =	shalt  }
0x58: {  	_ =	shalt  }
0x59: {  	_ =	shalt  }
0x5a: {  	_ =	shalt  }
0x5b: {  	_ =	shalt  }
0x5c: {  	_ =	shalt  }
0x5d: {  	_ =	shalt  }
0x5e: {  	_ =	shalt  }
0x5f: {  	_ =	shalt  }
0x60: {  	_ =	shalt  }
0x61: {  	_ =	shalt  }
0x62: {  	_ =	shalt  }
0x63: {  	_ =	shalt  }
0x64: {  	_ =	shalt  }
0x65: {  	_ =	shalt  }
0x66: {  	_ =	shalt  }
0x67: {  	_ =	shalt  }
0x68: {  	_ =	shalt  }
0x69: {  	_ =	shalt  }
0x6a: {  	_ =	shalt  }
0x6b: {  	_ =	shalt  }
0x6c: {  	_ =	shalt  }
0x6d: {  	_ =	shalt  }
0x6e: {  	_ =	shalt  }
0x6f: {  	_ =	shalt  }
0x70: {  	_ =	shalt  }
0x71: {  	_ =	shalt  }
0x72: {  	_ =	shalt  }
0x73: {  	_ =	shalt  }
0x74: {  	_ =	shalt  }
0x75: {  	_ =	shalt  }
0x76: {  	_ =	shalt  }
0x77: {  	_ =	shalt  }
0x78: {  	_ =	shalt  }
0x79: {  	_ =	shalt  }
0x7a: {  	_ =	shalt  }
0x7b: {  	_ =	shalt  }
0x7c: {  	_ =	shalt  }
0x7d: {  	_ =	shalt  }
0x7e: {  	_ =	shalt  }
0x7f: {  	_ =	shalt  }
0x80: {  	_ =	shalt  }
0x81: {  	_ =	shalt  }
0x82: {  	_ =	shalt  }
0x83: {  	_ =	shalt  }
0x84: {  	_ =	shalt  }
0x85: {  	_ =	shalt  }
0x86: {  	_ =	shalt  }
0x87: {  	_ =	shalt  }
.Lfunc_end0:
.L_simem_size_0:
called_computation_lowered:
.L_overlay_start_0:
0x88: {  	s2 =	sld [smem:$0x3FD9]  }
0x89: {  	s3 =	sld [smem:$0x3FFE];
	_ =	sdelay $0x1  }
0x8a: {  	s1 =	srdreg.scid  }
0x8b: {  	s0 =	sand.u32 $0x1, s1  }
0x8c: {  	s18 =	sshll.u32 s0, $0xA;
	s2 =	sadd.s32 s3, s2  }
0x8d: {  	s2 =	sadd.s32 s2, s18  }
0x8e: {  	[smem:$0x3FC6] =	sst s2  }
0x8f: {  	_ = 	snop  }
0x90: {  	s2 =	sld [smem:$0x3FC9]  }
0x91: {  	s19 =	sld [smem:$0x3FC8]  }
0x92: {  	s4 =	sld [smem:$0x3FD0];
	(tm) =	ssettm $0x1  }
0x93: {  	s5 =	sld [smem:$0x3FFB];
	_ =	sdelay $0x3  }
0x94: {  	_ =	strace s5  }
0x95: {  	s5 =	sld [smem:$0x3FFC];
	_ =	sdelay $0x3  }
0x96: {  	_ =	strace s5  }
0x97: {  	s5 =	sld [smem:$0x3FFD];
	_ =	sdelay $0x3  }
0x98: {  	_ =	strace s5  }
0x99: {  	_ =	strace $0x8FFFFFFF  }
0x9a: {  	s20 =	sld [smem:$0x3FDB];
	_ =	sdelay $0x1  }
0x9b: {  	s6 =	simm.s32 $_scs_section_size  }
0x9c: {  	s7 =	simm.s32 $_size__tile_overlayer_lowered;
	s8 =	simm.s32 $_tile_overlayer_lowered  }
0x9d: {  	s23 =	simm.s32 $0x1BFF;
	s22 =	sshll.u32 s8, $0x1;
	s5 =	sadd.s32 s6, s20  }
0x9e: {  	s9 =	simm.s32 $0x0;
	s21 =	sshll.u32 s7, $0x1;
	s7 =	sadd.s32 s22, s5  }
0x9f: {  	[timem:s9], [sflag:s23] =	dma.local [hbm:s7], s21  }
0xa0: {  	_ =	swait.ge [sflag:s23], s21  }
0xa1: {  	s6 =	ssub.s32 $0x0, s21;
	[sflag:s23] =	ssyncset.done $0x0  }
0xa2: {  	[sflag:s23] =	ssyncadd.s32 s6;
	_ =	sdelay $0x1  }
0xa3: {  	s24 =	simm.s32 $0x1B8B  }
0xa4: {  	_ =	swait.ge [sflag:s24], $0x1  }
0xa5: {  	[sflag:s24] =	ssyncset.done $0x0  }
0xa6: {  	s25 =	simm.s32 $0x1B8E;
	[sflag:s24] =	ssyncadd.s32 $0xFFFFFFFF  }
0xa7: {  	s26 =	simm.s32 $execute0_lowered;
	[smem:$0x3FD2] =	sst s25  }
0xa8: {  	s6 =	sshll.u32 s26, $0x1;
	_ =	strace $0x80000046;
	[dreg:$0x1] =	wrdreg $0xFFFFFFFF  }
0xa9: {  	s28 =	simm.s32 $_size_execute0_lowered;
	s5 =	sadd.s32 s5, s6;
	[dreg:$0x0] =	wrdreg $0x0  }
0xaa: {  	s6 =	sshll.u32 s28, $0x1;
	[dreg:$0x2] =	wrdreg s5  }
0xab: {  	[dreg:$0x3] =	wrdreg s6  }
0xac: {  	[dreg:$0x4] =	wrdreg $0xC0  }
0xad: {  	_ =	task [dreg:s9], $0x5FFFF  }
0xae: {  	[dreg:$0x1] =	wrdreg $0xFFFFFFFF  }
0xaf: {  	[dreg:$0x0] =	wrdreg $0x60  }
0xb0: {  	[dreg:$0x2] =	wrdreg s2  }
0xb1: {  	[dreg:$0x3] =	wrdreg s19  }
0xb2: {  	[dreg:$0x4] =	wrdreg s4  }
0xb3: {  	[dreg:$0x5] =	wrdreg $0x9  }
0xb4: {  	_ =	task.clear_ibuf [dreg:s9], $0x6FFFF;
	_ =	strace $0x90000046  }
0xb5: {  	s29 =	simm.s32 $0x9;
	_ =	strace $0x80000048  }
0xb6: {  	_ =	swait.ge [sflag:s29], $0x1  }
0xb7: {  	[sflag:s29] =	ssyncadd.s32 $0xFFFFFFFF  }
0xb8: {  	_ =	strace $0x90000048  }
0xb9: {  	_ =	sfence  }
0xba: {  	s30 =	sld [smem:$0x0];
	_ =	sdelay $0x2  }
0xbb: {  	s31 =	sshll.u32 s1, $0xD;
	s1 =	sshrl.u32 s1, $0x2  }
0xbc: {  	s3 =	sand.u32 $0x4000, s31;
	s1 =	sadd.s32 s1, s30  }
0xbd: {  	s0 =	sor.u32 s3, s0;
	s1 =	sshll.u32 s1, $0x11  }
0xbe: {  	s0 =	sor.u32 s1, s0  }
0xbf: {  	s0 =	sadd.s32 $0x8F2B, s0  }
0xc0: {  	[sflag:s0] =	ssyncadd.remote.s32 $0x1  }
0xc1: {  	_ =	sfence.sel $0xFFFF  }
0xc2: {  	[dreg:$0x0] =	wrdreg $0xFFFFFFFF;
	(pc) =	sbr.abs _section_cstart, $3  }
0xc3: {  	[dreg:$0x1] =	wrdreg $0xFFFFFFFF  }
0xc4: {  	_ =	task.clear_ibuf [dreg:s9], $0x2FFFF;
	_ =	strace $0x9FFFFFFF  }
0xc5: {  	(tm) =	ssettm $0x7FFFFFFF  }
tec
execute0_lowered:
.L_overlay_start_1:
0x0: {  	(tag) =	ssettag $0x1  }
0x1: {  	s0 =	srdreg.scid  }
0x2: {  	s2 =	stileid.u32;
	s6 =	sand.u32 $0x1, s0  }
0x3: {  	s11 =	sshll.u32 s2, $0x6;
	s12 =	sshll.u32 s6, $0x5  }
0x4: {  	s0 =	sor.u32 s12, s11  }
0x5: {  	s1 =	rddreg [dreg:$0x0];
	s0 =	smul.u32 $0x1800, s0  }
0x6: {  	s5 =	rddreg [dreg:$0x1]  }
0x7: {  	s3 =	rddreg [dreg:$0x2];
	s2 =	simm.s32 $0x0;
	s4 =	sshrl.u32 s0, $0x3  }
0x8: {  	[smem:$0x7FF] =	sst s2;
	s0 =	sadd.s32 s5, s4  }
0x9: {  	_ =	strace $0x80000047;
	s13 =	sadd.s32 s1, s4;
	[dreg:$0x4] =	wrdreg s0  }
0xa: {  	s7 =	sor.u32 $0xC00, s4;
	s16 =	sadd.s32 s3, s4;
	[dreg:$0x5] =	wrdreg s13  }
0xb: {  	s8 =	sadd.s32 $0xC0000, s4;
	s14 =	sadd.s32 s5, s7;
	[dreg:$0x8] =	wrdreg s16  }
0xc: {  	s9 =	sadd.s32 $0x180000, s4;
	s15 =	sadd.s32 s1, s8;
	[dreg:$0x6] =	wrdreg s14  }
0xd: {  	s17 =	sadd.s32 s1, s9;
	[dreg:$0x7] =	wrdreg s15  }
0xe: {  	s19 =	sadd.s32 $0x240000, s4;
	s18 =	sadd.s32 s3, s8;
	[dreg:$0x9] =	wrdreg s17  }
0xf: {  	s20 =	sadd.s32 s1, s19;
	[dreg:$0xa] =	wrdreg s18  }
0x10: {  	s21 =	sadd.s32 s3, s9;
	[dreg:$0xb] =	wrdreg s20  }
0x11: {  	s22 =	sadd.s32 s1, s7;
	[dreg:$0xc] =	wrdreg s21  }
0x12: {  	s24 =	sor.u32 $0x1800, s4;
	s23 =	sadd.s32 s3, s19;
	[dreg:$0xd] =	wrdreg s22  }
0x13: {  	s26 =	sadd.s32 $0xC0C00, s4;
	s25 =	sadd.s32 s5, s24;
	[dreg:$0xe] =	wrdreg s23  }
0x14: {  	s10 =	sadd.s32 s1, s26;
	[dreg:$0xf] =	wrdreg s25  }
0x15: {  	s12 =	sadd.s32 $0x180C00, s4;
	s11 =	sadd.s32 s3, s7;
	[dreg:$0x10] =	wrdreg s10  }
0x16: {  	s13 =	sadd.s32 s1, s12;
	[dreg:$0x11] =	wrdreg s11  }
0x17: {  	[dreg:$0x12] =	wrdreg s13  }
0x18: {  	s14 =	sadd.s32 s3, s26;
	s0 =	rddreg [dreg:$0x4]  }
0x19: {  	s17 =	sadd.s32 s3, s12;
	[dreg:$0x13] =	wrdreg s14  }
0x1a: {  	s18 =	sadd.s32 s1, s24;
	[dreg:$0x15] =	wrdreg s17  }
0x1b: {  	s15 =	sadd.s32 $0x240C00, s4;
	s24 =	sadd.s32 s3, s24;
	[dreg:$0x16] =	wrdreg s18  }
0x1c: {  	s16 =	sadd.s32 s1, s15;
	[dreg:$0x1a] =	wrdreg s24  }
0x1d: {  	s20 =	sadd.s32 $0x2400, s4;
	s19 =	sadd.s32 s3, s15;
	[dreg:$0x14] =	wrdreg s16  }
0x1e: {  	s22 =	sadd.s32 $0xC1800, s4;
	s21 =	sadd.s32 s5, s20;
	[dreg:$0x17] =	wrdreg s19  }
0x1f: {  	s25 =	sadd.s32 $0x181800, s4;
	s23 =	sadd.s32 s1, s22;
	[dreg:$0x18] =	wrdreg s21  }
0x20: {  	s26 =	sadd.s32 s1, s25;
	[dreg:$0x19] =	wrdreg s23  }
0x21: {  	s11 =	sadd.s32 $0x241800, s4;
	s10 =	sadd.s32 s3, s22;
	[dreg:$0x1b] =	wrdreg s26  }
0x22: {  	s12 =	sadd.s32 s1, s11;
	[dreg:$0x1c] =	wrdreg s10  }
0x23: {  	s13 =	sadd.s32 s3, s25;
	[dreg:$0x1d] =	wrdreg s12  }
0x24: {  	s14 =	sadd.s32 s1, s20;
	[dreg:$0x1e] =	wrdreg s13  }
0x25: {  	s15 =	sadd.s32 s3, s11;
	[dreg:$0x1f] =	wrdreg s14  }
0x26: {  	s18 =	sadd.s32 $0xC2400, s4;
	s20 =	sadd.s32 s3, s20;
	[smem:$0x7E2] =	sst s15  }
0x27: {  	s19 =	sadd.s32 s1, s18;
	[smem:$0x7E5] =	sst s20  }
0x28: {  	s24 =	sadd.s32 $0x242400, s4;
	s23 =	sadd.s32 s3, s18;
	[smem:$0x7E4] =	sst s19  }
0x29: {  	s31 =	simm.s32 $0x12000;
	s25 =	sadd.s32 s1, s24;
	[smem:$0x7E7] =	sst s23  }
0x2a: {  	s16 =	sadd.s32 $0x3000, s4;
	s9 =	sadd.s32 s3, s24;
	[smem:$0x7E8] =	sst s25  }
0x2b: {  	s21 =	sadd.s32 $0x182400, s4;
	s17 =	sadd.s32 s5, s16;
	[smem:$0x7EB] =	sst s9  }
0x2c: {  	s29 =	simm.s32 $0x7;
	s22 =	sadd.s32 s1, s21;
	[smem:$0x7E3] =	sst s17  }
0x2d: {  	s30 =	simm.s32 $0x18000;
	s26 =	sadd.s32 s3, s21;
	[smem:$0x7E6] =	sst s22  }
0x2e: {  	s10 =	sadd.s32 $0x3C00, s4;
	s7 =	sadd.s32 s1, s16;
	[smem:$0x7E9] =	sst s26  }
0x2f: {  	s12 =	sadd.s32 $0xC3000, s4;
	s11 =	sadd.s32 s5, s10;
	[smem:$0x7EA] =	sst s7  }
0x30: {  	p0 =	por $0x0, $0x0;
	s13 =	sadd.s32 s1, s12;
	[smem:$0x7EC] =	sst s11  }
0x31: {  	s15 =	sadd.s32 $0x183000, s4;
	s14 =	sadd.s32 s3, s16;
	[smem:$0x7ED] =	sst s13  }
0x32: {  	s18 =	sadd.s32 $0x243000, s4;
	s16 =	sadd.s32 s1, s15;
	[smem:$0x7EE] =	sst s14  }
0x33: {  	s28 =	simm.s32 $0x8;
	s19 =	sadd.s32 s1, s18;
	[smem:$0x7EF] =	sst s16  }
0x34: {  	s6 =	ssub.s32 $0x2, s6;
	s20 =	sadd.s32 s3, s15;
	[smem:$0x7F1] =	sst s19  }
0x35: {  	s8 =	simm.s32 $0x4;
	s21 =	sadd.s32 s1, s10;
	[smem:$0x7F2] =	sst s20  }
0x36: {  	s23 =	sadd.s32 $0x4800, s4;
	s17 =	sadd.s32 s3, s12;
	[smem:$0x7F3] =	sst s21  }
0x37: {  	s25 =	sadd.s32 $0xC3C00, s4;
	s22 =	sadd.s32 s3, s18;
	[smem:$0x7F0] =	sst s17  }
0x38: {  	s24 =	sadd.s32 s5, s23;
	s26 =	sadd.s32 s1, s25;
	[smem:$0x7F4] =	sst s22  }
0x39: {  	s7 =	sadd.s32 s3, s10;
	s10 =	sadd.s32 $0x183C00, s4;
	[smem:$0x7F5] =	sst s24  }
0x3a: {  	s12 =	sadd.s32 s3, s25;
	s13 =	sadd.s32 $0x243C00, s4;
	[smem:$0x7F6] =	sst s26  }
0x3b: {  	s16 =	sshrl.u32 s6, $0x1;
	s19 =	sadd.s32 $0x5400, s4;
	[smem:$0x7F7] =	sst s7  }
0x3c: {  	s11 =	sadd.s32 s1, s10;
	[smem:$0x7F9] =	sst s12;
	s14 =	sadd.s32 s1, s13  }
0x3d: {  	s15 =	sadd.s32 s3, s10;
	s17 =	sadd.s32 s1, s23;
	s6 =	ssub.s32 s6, s16  }
0x3e: {  	s18 =	sadd.s32 s3, s13;
	s22 =	sadd.s32 $0xC4800, s4;
	[smem:$0x7F8] =	sst s11  }
0x3f: {  	s26 =	sadd.s32 s5, s19;
	s10 =	sadd.s32 $0x184800, s4;
	[smem:$0x7FA] =	sst s14  }
0x40: {  	s24 =	sadd.s32 s3, s23;
	s13 =	sadd.s32 $0x185400, s4;
	[smem:$0x7FB] =	sst s15  }
0x41: {  	s12 =	sadd.s32 $0xC5400, s4;
	s16 =	sadd.s32 $0x245400, s4;
	[smem:$0x7FC] =	sst s17  }
0x42: {  	s5 =	simm.s32 $0x6000;
	[smem:$0x7FD] =	sst s18;
	s25 =	sadd.s32 s1, s22  }
0x43: {  	s11 =	sadd.s32 $0x244800, s4;
	s23 =	sadd.s32 s1, s10;
	s22 =	sadd.s32 s3, s22  }
0x44: {  	s18 =	sadd.s32 s1, s19;
	s14 =	sadd.s32 s3, s19;
	s19 =	smax.u32 s6, $0x1  }
0x45: {  	s20 =	sadd.s32 s3, s10;
	s15 =	sadd.s32 s1, s12;
	p1 =	sne.s32 s19, $0x1  }
.Ltmp0:
0x46: {  	s10 =	sadd.s32 s1, s13;
	s9 =	sadd.s32 s3, s12;
	(pc) =	sbr.rel @!p1 .LBB2_3-.Ltmp0, $4  }
0x47: {  	s7 =	sadd.s32 s1, s16;
	s4 =	sadd.s32 s3, s13;
	s12 =	simm.s32 $0x2  }
0x48: {  	s6 =	simm.s32 $0x5;
	s13 =	simm.s32 $0x6;
	s21 =	sadd.s32 s1, s11  }
0x49: {  	s17 =	sadd.s32 s3, s11;
	s3 =	sadd.s32 s3, s16;
	s11 =	simm.s32 $0x1  }
0x4a: {  	s16 =	simm.s32 $0xC000;
	s1 =	sadd.s32 $0xFFFFFFFF, s19;
	s19 =	simm.s32 $0x3  }
0x4b: {  	[smem:$0x7E1] =	sst s1  }
0x4c: {  	[tilespmem:s31], [sflag:$0x7] =	stream.linear.gather [hbm4b:s0+s2], $0x6000, $0x38;
	[tilespmem:$0x1E000] =	vst v63  }
0x4d: {  	s1 =	rddreg [dreg:$0x5]  }
0x4e: {  	[tilespmem:s2], [sflag:$0x1] =	stream.linear.gather [hbm4b:s1+s2], $0x6000, $0x38;
	[tilespmem:$0x1E000] =	vst v63  }
0x4f: {  	_ =	swait.ge [sflag:s29], $0x6000  }
0x50: {  	[sflag:s29] =	ssyncset.done $0x0  }
0x51: {  	s0 =	rddreg [dreg:$0x6];
	[sflag:s29] =	ssyncadd.s32 $0xFFFFA000  }
0x52: {  	[tilespmem:s30], [sflag:$0x8] =	stream.linear.gather [hbm4b:s0+s2], $0x6000, $0x38;
	[tilespmem:$0x1E000] =	vst v63  }
0x53: {  	s1 =	rddreg [dreg:$0x7]  }
0x54: {  	[tilespmem:s5], [sflag:$0x2] =	stream.linear.gather [hbm4b:s1+s2], $0x6000, $0x38;
	[tilespmem:$0x1E000] =	vst v63  }
0x55: {  	_ =	swait.ge [sflag:s11], $0x6000  }
0x56: {  	[sflag:s11] =	ssyncset.done $0x0  }
0x57: {  	s0 =	rddreg [dreg:$0x8];
	[sflag:s11] =	ssyncadd.s32 $0xFFFFA000  }
0x58: {  	[hbm4b:s0+s2] =	stream.linear.scatter [tilespmem:s2], [sflag:$0x4], $0x6000, $0x38;
	[tilespmem:$0x1E000] =	vst v63  }
0x59: {  	s1 =	rddreg [dreg:$0x9]  }
0x5a: {  	[tilespmem:s16], [sflag:$0x3] =	stream.linear.gather [hbm4b:s1+s2], $0x6000, $0x38;
	[tilespmem:$0x1E000] =	vst v63  }
0x5b: {  	_ =	swait.ge [sflag:s12], $0x6000  }
0x5c: {  	[sflag:s12] =	ssyncset.done $0x0  }
0x5d: {  	s1 =	rddreg [dreg:$0xa];
	[sflag:s12] =	ssyncadd.s32 $0xFFFFA000  }
0x5e: {  	[hbm4b:s1+s2] =	stream.linear.scatter [tilespmem:s5], [sflag:$0x5], $0x6000, $0x38;
	[tilespmem:$0x1E000] =	vst v63  }
0x5f: {  	_ =	swait.ge [sflag:s8], $0x6000  }
0x60: {  	[sflag:s8] =	ssyncset.done $0x0  }
0x61: {  	s1 =	rddreg [dreg:$0xb];
	[sflag:s8] =	ssyncadd.s32 $0xFFFFA000  }
0x62: {  	[tilespmem:s2], [sflag:$0x1] =	stream.linear.gather [hbm4b:s1+s2], $0x6000, $0x38;
	[tilespmem:$0x1E000] =	vst v63  }
0x63: {  	_ =	swait.ge [sflag:s19], $0x6000  }
0x64: {  	[sflag:s19] =	ssyncset.done $0x0  }
0x65: {  	s1 =	rddreg [dreg:$0xc];
	[sflag:s19] =	ssyncadd.s32 $0xFFFFA000  }
0x66: {  	[hbm4b:s1+s2] =	stream.linear.scatter [tilespmem:s16], [sflag:$0x6], $0x6000, $0x38;
	[tilespmem:$0x1E000] =	vst v63  }
0x67: {  	_ =	swait.ge [sflag:s6], $0x6000  }
0x68: {  	[sflag:s6] =	ssyncset.done $0x0  }
0x69: {  	s1 =	rddreg [dreg:$0xd];
	[sflag:s6] =	ssyncadd.s32 $0xFFFFA000  }
0x6a: {  	[tilespmem:s5], [sflag:$0x2] =	stream.linear.gather [hbm4b:s1+s2], $0x6000, $0x38;
	[tilespmem:$0x1E000] =	vst v63  }
0x6b: {  	_ =	swait.ge [sflag:s11], $0x6000  }
0x6c: {  	[sflag:s11] =	ssyncset.done $0x0  }
0x6d: {  	s1 =	rddreg [dreg:$0xe];
	[sflag:s11] =	ssyncadd.s32 $0xFFFFA000  }
0x6e: {  	[hbm4b:s1+s2] =	stream.linear.scatter [tilespmem:s2], [sflag:$0x4], $0x6000, $0x38;
	[tilespmem:$0x1E000] =	vst v63  }
0x6f: {  	_ =	swait.ge [sflag:s28], $0x6000  }
0x70: {  	[sflag:s28] =	ssyncset.done $0x0  }
0x71: {  	s1 =	rddreg [dreg:$0xf];
	[sflag:s28] =	ssyncadd.s32 $0xFFFFA000  }
0x72: {  	[tilespmem:s31], [sflag:$0x7] =	stream.linear.gather [hbm4b:s1+s2], $0x6000, $0x38;
	[tilespmem:$0x1E000] =	vst v63  }
0x73: {  	_ =	swait.ge [sflag:s13], $0x6000  }
0x74: {  	[sflag:s13] =	ssyncset.done $0x0  }
0x75: {  	s1 =	rddreg [dreg:$0x10];
	[sflag:s13] =	ssyncadd.s32 $0xFFFFA000  }
0x76: {  	[tilespmem:s16], [sflag:$0x3] =	stream.linear.gather [hbm4b:s1+s2], $0x6000, $0x38;
	[tilespmem:$0x1E000] =	vst v63  }
0x77: {  	_ =	swait.ge [sflag:s12], $0x6000  }
0x78: {  	[sflag:s12] =	ssyncset.done $0x0  }
0x79: {  	s1 =	rddreg [dreg:$0x11];
	[sflag:s12] =	ssyncadd.s32 $0xFFFFA000  }
0x7a: {  	[hbm4b:s1+s2] =	stream.linear.scatter [tilespmem:s5], [sflag:$0x5], $0x6000, $0x38;
	[tilespmem:$0x1E000] =	vst v63  }
0x7b: {  	_ =	swait.ge [sflag:s8], $0x6000  }
0x7c: {  	[sflag:s8] =	ssyncset.done $0x0  }
0x7d: {  	s1 =	rddreg [dreg:$0x12];
	[sflag:s8] =	ssyncadd.s32 $0xFFFFA000  }
0x7e: {  	[tilespmem:s2], [sflag:$0x1] =	stream.linear.gather [hbm4b:s1+s2], $0x6000, $0x38;
	[tilespmem:$0x1E000] =	vst v63  }
0x7f: {  	_ =	swait.ge [sflag:s19], $0x6000  }
0x80: {  	[sflag:s19] =	ssyncset.done $0x0  }
0x81: {  	s1 =	rddreg [dreg:$0x13];
	[sflag:s19] =	ssyncadd.s32 $0xFFFFA000  }
0x82: {  	[hbm4b:s1+s2] =	stream.linear.scatter [tilespmem:s16], [sflag:$0x6], $0x6000, $0x38;
	[tilespmem:$0x1E000] =	vst v63  }
0x83: {  	_ =	swait.ge [sflag:s6], $0x6000  }
0x84: {  	[sflag:s6] =	ssyncset.done $0x0  }
0x85: {  	s1 =	rddreg [dreg:$0x14];
	[sflag:s6] =	ssyncadd.s32 $0xFFFFA000  }
0x86: {  	[tilespmem:s5], [sflag:$0x2] =	stream.linear.gather [hbm4b:s1+s2], $0x6000, $0x38;
	[tilespmem:$0x1E000] =	vst v63  }
0x87: {  	_ =	swait.ge [sflag:s11], $0x6000  }
0x88: {  	[sflag:s11] =	ssyncset.done $0x0  }
0x89: {  	s1 =	rddreg [dreg:$0x15];
	[sflag:s11] =	ssyncadd.s32 $0xFFFFA000  }
0x8a: {  	[hbm4b:s1+s2] =	stream.linear.scatter [tilespmem:s2], [sflag:$0x4], $0x6000, $0x38;
	[tilespmem:$0x1E000] =	vst v63  }
0x8b: {  	_ =	swait.ge [sflag:s13], $0x6000  }
0x8c: {  	[sflag:s13] =	ssyncset.done $0x0  }
0x8d: {  	s1 =	rddreg [dreg:$0x16];
	[sflag:s13] =	ssyncadd.s32 $0xFFFFA000  }
0x8e: {  	[tilespmem:s16], [sflag:$0x3] =	stream.linear.gather [hbm4b:s1+s2], $0x6000, $0x38;
	[tilespmem:$0x1E000] =	vst v63  }
0x8f: {  	_ =	swait.ge [sflag:s12], $0x6000  }
0x90: {  	[sflag:s12] =	ssyncset.done $0x0  }
0x91: {  	s1 =	rddreg [dreg:$0x17];
	[sflag:s12] =	ssyncadd.s32 $0xFFFFA000  }
0x92: {  	[hbm4b:s1+s2] =	stream.linear.scatter [tilespmem:s5], [sflag:$0x5], $0x6000, $0x38;
	[tilespmem:$0x1E000] =	vst v63  }
0x93: {  	_ =	swait.ge [sflag:s29], $0x6000  }
0x94: {  	[sflag:s29] =	ssyncset.done $0x0  }
0x95: {  	s1 =	rddreg [dreg:$0x18];
	[sflag:s29] =	ssyncadd.s32 $0xFFFFA000  }
0x96: {  	[tilespmem:s30], [sflag:$0x8] =	stream.linear.gather [hbm4b:s1+s2], $0x6000, $0x38;
	[tilespmem:$0x1E000] =	vst v63  }
0x97: {  	_ =	swait.ge [sflag:s8], $0x6000  }
0x98: {  	[sflag:s8] =	ssyncset.done $0x0  }
0x99: {  	s1 =	rddreg [dreg:$0x19];
	[sflag:s8] =	ssyncadd.s32 $0xFFFFA000  }
0x9a: {  	[tilespmem:s2], [sflag:$0x1] =	stream.linear.gather [hbm4b:s1+s2], $0x6000, $0x38;
	[tilespmem:$0x1E000] =	vst v63  }
0x9b: {  	_ =	swait.ge [sflag:s19], $0x6000  }
0x9c: {  	[sflag:s19] =	ssyncset.done $0x0  }
0x9d: {  	s1 =	rddreg [dreg:$0x1a];
	[sflag:s19] =	ssyncadd.s32 $0xFFFFA000  }
0x9e: {  	[hbm4b:s1+s2] =	stream.linear.scatter [tilespmem:s16], [sflag:$0x6], $0x6000, $0x38;
	[tilespmem:$0x1E000] =	vst v63  }
0x9f: {  	_ =	swait.ge [sflag:s6], $0x6000  }
0xa0: {  	[sflag:s6] =	ssyncset.done $0x0  }
0xa1: {  	s1 =	rddreg [dreg:$0x1b];
	[sflag:s6] =	ssyncadd.s32 $0xFFFFA000  }
0xa2: {  	[tilespmem:s5], [sflag:$0x2] =	stream.linear.gather [hbm4b:s1+s2], $0x6000, $0x38;
	[tilespmem:$0x1E000] =	vst v63  }
0xa3: {  	_ =	swait.ge [sflag:s11], $0x6000  }
0xa4: {  	[sflag:s11] =	ssyncset.done $0x0  }
0xa5: {  	s1 =	rddreg [dreg:$0x1c];
	[sflag:s11] =	ssyncadd.s32 $0xFFFFA000  }
0xa6: {  	[hbm4b:s1+s2] =	stream.linear.scatter [tilespmem:s2], [sflag:$0x4], $0x6000, $0x38;
	[tilespmem:$0x1E000] =	vst v63  }
0xa7: {  	_ =	swait.ge [sflag:s13], $0x6000  }
0xa8: {  	[sflag:s13] =	ssyncset.done $0x0  }
0xa9: {  	s1 =	rddreg [dreg:$0x1d];
	[sflag:s13] =	ssyncadd.s32 $0xFFFFA000  }
0xaa: {  	[tilespmem:s16], [sflag:$0x3] =	stream.linear.gather [hbm4b:s1+s2], $0x6000, $0x38;
	[tilespmem:$0x1E000] =	vst v63  }
0xab: {  	_ =	swait.ge [sflag:s12], $0x6000  }
0xac: {  	[sflag:s12] =	ssyncset.done $0x0  }
0xad: {  	s1 =	rddreg [dreg:$0x1e];
	[sflag:s12] =	ssyncadd.s32 $0xFFFFA000  }
0xae: {  	[hbm4b:s1+s2] =	stream.linear.scatter [tilespmem:s5], [sflag:$0x5], $0x6000, $0x38;
	[tilespmem:$0x1E000] =	vst v63  }
0xaf: {  	_ =	swait.ge [sflag:s8], $0x6000  }
0xb0: {  	[sflag:s8] =	ssyncset.done $0x0  }
0xb1: {  	s1 =	rddreg [dreg:$0x1f];
	[sflag:s8] =	ssyncadd.s32 $0xFFFFA000  }
0xb2: {  	[tilespmem:s2], [sflag:$0x1] =	stream.linear.gather [hbm4b:s1+s2], $0x6000, $0x38;
	[tilespmem:$0x1E000] =	vst v63  }
0xb3: {  	_ =	swait.ge [sflag:s19], $0x6000  }
0xb4: {  	s1 =	sld [smem:$0x7E2]  }
0xb5: {  	[sflag:s19] =	ssyncset.done $0x0  }
0xb6: {  	[sflag:s19] =	ssyncadd.s32 $0xFFFFA000  }
0xb7: {  	[hbm4b:s1+s2] =	stream.linear.scatter [tilespmem:s16], [sflag:$0x6], $0x6000, $0x38;
	[tilespmem:$0x1E000] =	vst v63  }
0xb8: {  	_ =	swait.ge [sflag:s28], $0x6000  }
0xb9: {  	s1 =	sld [smem:$0x7E3]  }
0xba: {  	[sflag:s28] =	ssyncset.done $0x0  }
0xbb: {  	[sflag:s28] =	ssyncadd.s32 $0xFFFFA000  }
0xbc: {  	[tilespmem:s31], [sflag:$0x7] =	stream.linear.gather [hbm4b:s1+s2], $0x6000, $0x38;
	[tilespmem:$0x1E000] =	vst v63  }
0xbd: {  	_ =	swait.ge [sflag:s6], $0x6000  }
0xbe: {  	s1 =	sld [smem:$0x7E4]  }
0xbf: {  	[sflag:s6] =	ssyncset.done $0x0  }
0xc0: {  	[sflag:s6] =	ssyncadd.s32 $0xFFFFA000  }
0xc1: {  	[tilespmem:s5], [sflag:$0x2] =	stream.linear.gather [hbm4b:s1+s2], $0x6000, $0x38;
	[tilespmem:$0x1E000] =	vst v63  }
0xc2: {  	_ =	swait.ge [sflag:s11], $0x6000  }
0xc3: {  	s1 =	sld [smem:$0x7E5]  }
0xc4: {  	[sflag:s11] =	ssyncset.done $0x0  }
0xc5: {  	[sflag:s11] =	ssyncadd.s32 $0xFFFFA000  }
0xc6: {  	[hbm4b:s1+s2] =	stream.linear.scatter [tilespmem:s2], [sflag:$0x4], $0x6000, $0x38;
	[tilespmem:$0x1E000] =	vst v63  }
0xc7: {  	_ =	swait.ge [sflag:s13], $0x6000  }
0xc8: {  	s1 =	sld [smem:$0x7E6]  }
0xc9: {  	[sflag:s13] =	ssyncset.done $0x0  }
0xca: {  	[sflag:s13] =	ssyncadd.s32 $0xFFFFA000  }
0xcb: {  	[tilespmem:s16], [sflag:$0x3] =	stream.linear.gather [hbm4b:s1+s2], $0x6000, $0x38;
	[tilespmem:$0x1E000] =	vst v63  }
0xcc: {  	_ =	swait.ge [sflag:s12], $0x6000  }
0xcd: {  	s1 =	sld [smem:$0x7E7]  }
0xce: {  	[sflag:s12] =	ssyncset.done $0x0  }
0xcf: {  	[sflag:s12] =	ssyncadd.s32 $0xFFFFA000  }
0xd0: {  	[hbm4b:s1+s2] =	stream.linear.scatter [tilespmem:s5], [sflag:$0x5], $0x6000, $0x38;
	[tilespmem:$0x1E000] =	vst v63  }
0xd1: {  	_ =	swait.ge [sflag:s8], $0x6000  }
0xd2: {  	s1 =	sld [smem:$0x7E8]  }
0xd3: {  	[sflag:s8] =	ssyncset.done $0x0  }
0xd4: {  	[sflag:s8] =	ssyncadd.s32 $0xFFFFA000  }
0xd5: {  	[tilespmem:s2], [sflag:$0x1] =	stream.linear.gather [hbm4b:s1+s2], $0x6000, $0x38;
	[tilespmem:$0x1E000] =	vst v63  }
0xd6: {  	_ =	swait.ge [sflag:s19], $0x6000  }
0xd7: {  	s1 =	sld [smem:$0x7E9]  }
0xd8: {  	[sflag:s19] =	ssyncset.done $0x0  }
0xd9: {  	[sflag:s19] =	ssyncadd.s32 $0xFFFFA000  }
0xda: {  	[hbm4b:s1+s2] =	stream.linear.scatter [tilespmem:s16], [sflag:$0x6], $0x6000, $0x38;
	[tilespmem:$0x1E000] =	vst v63  }
0xdb: {  	_ =	swait.ge [sflag:s6], $0x6000  }
0xdc: {  	s1 =	sld [smem:$0x7EA]  }
0xdd: {  	[sflag:s6] =	ssyncset.done $0x0  }
0xde: {  	[sflag:s6] =	ssyncadd.s32 $0xFFFFA000  }
0xdf: {  	[tilespmem:s5], [sflag:$0x2] =	stream.linear.gather [hbm4b:s1+s2], $0x6000, $0x38;
	[tilespmem:$0x1E000] =	vst v63  }
0xe0: {  	_ =	swait.ge [sflag:s11], $0x6000  }
0xe1: {  	s1 =	sld [smem:$0x7EB]  }
0xe2: {  	[sflag:s11] =	ssyncset.done $0x0  }
0xe3: {  	[sflag:s11] =	ssyncadd.s32 $0xFFFFA000  }
0xe4: {  	[hbm4b:s1+s2] =	stream.linear.scatter [tilespmem:s2], [sflag:$0x4], $0x6000, $0x38;
	[tilespmem:$0x1E000] =	vst v63  }
0xe5: {  	_ =	swait.ge [sflag:s29], $0x6000  }
0xe6: {  	s1 =	sld [smem:$0x7EC]  }
0xe7: {  	[sflag:s29] =	ssyncset.done $0x0  }
0xe8: {  	[sflag:s29] =	ssyncadd.s32 $0xFFFFA000  }
0xe9: {  	[tilespmem:s30], [sflag:$0x8] =	stream.linear.gather [hbm4b:s1+s2], $0x6000, $0x38;
	[tilespmem:$0x1E000] =	vst v63  }
0xea: {  	_ =	swait.ge [sflag:s13], $0x6000  }
0xeb: {  	s1 =	sld [smem:$0x7ED]  }
0xec: {  	[sflag:s13] =	ssyncset.done $0x0  }
0xed: {  	[sflag:s13] =	ssyncadd.s32 $0xFFFFA000  }
0xee: {  	[tilespmem:s16], [sflag:$0x3] =	stream.linear.gather [hbm4b:s1+s2], $0x6000, $0x38;
	[tilespmem:$0x1E000] =	vst v63  }
0xef: {  	_ =	swait.ge [sflag:s12], $0x6000  }
0xf0: {  	s1 =	sld [smem:$0x7EE]  }
0xf1: {  	[sflag:s12] =	ssyncset.done $0x0  }
0xf2: {  	[sflag:s12] =	ssyncadd.s32 $0xFFFFA000  }
0xf3: {  	[hbm4b:s1+s2] =	stream.linear.scatter [tilespmem:s5], [sflag:$0x5], $0x6000, $0x38;
	[tilespmem:$0x1E000] =	vst v63  }
0xf4: {  	_ =	swait.ge [sflag:s8], $0x6000  }
0xf5: {  	s1 =	sld [smem:$0x7EF]  }
0xf6: {  	[sflag:s8] =	ssyncset.done $0x0  }
0xf7: {  	[sflag:s8] =	ssyncadd.s32 $0xFFFFA000  }
0xf8: {  	[tilespmem:s2], [sflag:$0x1] =	stream.linear.gather [hbm4b:s1+s2], $0x6000, $0x38;
	[tilespmem:$0x1E000] =	vst v63  }
0xf9: {  	_ =	swait.ge [sflag:s19], $0x6000  }
0xfa: {  	s1 =	sld [smem:$0x7F0]  }
0xfb: {  	[sflag:s19] =	ssyncset.done $0x0  }
0xfc: {  	[sflag:s19] =	ssyncadd.s32 $0xFFFFA000  }
0xfd: {  	[hbm4b:s1+s2] =	stream.linear.scatter [tilespmem:s16], [sflag:$0x6], $0x6000, $0x38;
	[tilespmem:$0x1E000] =	vst v63  }
0xfe: {  	_ =	swait.ge [sflag:s6], $0x6000  }
0xff: {  	s1 =	sld [smem:$0x7F1]  }
0x100: {  	[sflag:s6] =	ssyncset.done $0x0  }
0x101: {  	[sflag:s6] =	ssyncadd.s32 $0xFFFFA000  }
0x102: {  	[tilespmem:s5], [sflag:$0x2] =	stream.linear.gather [hbm4b:s1+s2], $0x6000, $0x38;
	[tilespmem:$0x1E000] =	vst v63  }
0x103: {  	_ =	swait.ge [sflag:s11], $0x6000  }
0x104: {  	s1 =	sld [smem:$0x7F2]  }
0x105: {  	[sflag:s11] =	ssyncset.done $0x0  }
0x106: {  	[sflag:s11] =	ssyncadd.s32 $0xFFFFA000  }
0x107: {  	[hbm4b:s1+s2] =	stream.linear.scatter [tilespmem:s2], [sflag:$0x4], $0x6000, $0x38;
	[tilespmem:$0x1E000] =	vst v63  }
0x108: {  	_ =	swait.ge [sflag:s13], $0x6000  }
0x109: {  	s1 =	sld [smem:$0x7F3]  }
0x10a: {  	[sflag:s13] =	ssyncset.done $0x0  }
0x10b: {  	[sflag:s13] =	ssyncadd.s32 $0xFFFFA000  }
0x10c: {  	[tilespmem:s16], [sflag:$0x3] =	stream.linear.gather [hbm4b:s1+s2], $0x6000, $0x38;
	[tilespmem:$0x1E000] =	vst v63  }
0x10d: {  	_ =	swait.ge [sflag:s12], $0x6000  }
0x10e: {  	s1 =	sld [smem:$0x7F4]  }
0x10f: {  	[sflag:s12] =	ssyncset.done $0x0  }
0x110: {  	[sflag:s12] =	ssyncadd.s32 $0xFFFFA000  }
0x111: {  	[hbm4b:s1+s2] =	stream.linear.scatter [tilespmem:s5], [sflag:$0x5], $0x6000, $0x38;
	[tilespmem:$0x1E000] =	vst v63  }
0x112: {  	_ =	swait.ge [sflag:s28], $0x6000  }
0x113: {  	s1 =	sld [smem:$0x7F5]  }
0x114: {  	[sflag:s28] =	ssyncset.done $0x0  }
0x115: {  	[sflag:s28] =	ssyncadd.s32 $0xFFFFA000  }
0x116: {  	[tilespmem:s31], [sflag:$0x7] =	stream.linear.gather [hbm4b:s1+s2], $0x6000, $0x38;
	[tilespmem:$0x1E000] =	vst v63  }
0x117: {  	_ =	swait.ge [sflag:s8], $0x6000  }
0x118: {  	s1 =	sld [smem:$0x7F6]  }
0x119: {  	[sflag:s8] =	ssyncset.done $0x0  }
0x11a: {  	[sflag:s8] =	ssyncadd.s32 $0xFFFFA000  }
0x11b: {  	[tilespmem:s2], [sflag:$0x1] =	stream.linear.gather [hbm4b:s1+s2], $0x6000, $0x38;
	[tilespmem:$0x1E000] =	vst v63  }
0x11c: {  	_ =	swait.ge [sflag:s19], $0x6000  }
0x11d: {  	s1 =	sld [smem:$0x7F7]  }
0x11e: {  	[sflag:s19] =	ssyncset.done $0x0  }
0x11f: {  	[sflag:s19] =	ssyncadd.s32 $0xFFFFA000  }
0x120: {  	[hbm4b:s1+s2] =	stream.linear.scatter [tilespmem:s16], [sflag:$0x6], $0x6000, $0x38;
	[tilespmem:$0x1E000] =	vst v63  }
0x121: {  	_ =	swait.ge [sflag:s6], $0x6000  }
0x122: {  	s1 =	sld [smem:$0x7F8]  }
0x123: {  	[sflag:s6] =	ssyncset.done $0x0  }
0x124: {  	[sflag:s6] =	ssyncadd.s32 $0xFFFFA000  }
0x125: {  	[tilespmem:s5], [sflag:$0x2] =	stream.linear.gather [hbm4b:s1+s2], $0x6000, $0x38;
	[tilespmem:$0x1E000] =	vst v63  }
0x126: {  	_ =	swait.ge [sflag:s11], $0x6000  }
0x127: {  	s1 =	sld [smem:$0x7F9]  }
0x128: {  	[sflag:s11] =	ssyncset.done $0x0  }
0x129: {  	[sflag:s11] =	ssyncadd.s32 $0xFFFFA000  }
0x12a: {  	[hbm4b:s1+s2] =	stream.linear.scatter [tilespmem:s2], [sflag:$0x4], $0x6000, $0x38;
	[tilespmem:$0x1E000] =	vst v63  }
0x12b: {  	_ =	swait.ge [sflag:s13], $0x6000  }
0x12c: {  	s1 =	sld [smem:$0x7FA]  }
0x12d: {  	[sflag:s13] =	ssyncset.done $0x0  }
0x12e: {  	[sflag:s13] =	ssyncadd.s32 $0xFFFFA000  }
0x12f: {  	[tilespmem:s16], [sflag:$0x3] =	stream.linear.gather [hbm4b:s1+s2], $0x6000, $0x38;
	[tilespmem:$0x1E000] =	vst v63  }
0x130: {  	_ =	swait.ge [sflag:s12], $0x6000  }
0x131: {  	s1 =	sld [smem:$0x7FB]  }
0x132: {  	[sflag:s12] =	ssyncset.done $0x0  }
0x133: {  	[sflag:s12] =	ssyncadd.s32 $0xFFFFA000  }
0x134: {  	[hbm4b:s1+s2] =	stream.linear.scatter [tilespmem:s5], [sflag:$0x5], $0x6000, $0x38;
	[tilespmem:$0x1E000] =	vst v63  }
0x135: {  	_ =	swait.ge [sflag:s8], $0x6000  }
0x136: {  	s1 =	sld [smem:$0x7FC]  }
0x137: {  	[sflag:s8] =	ssyncset.done $0x0  }
0x138: {  	[sflag:s8] =	ssyncadd.s32 $0xFFFFA000  }
0x139: {  	[tilespmem:s2], [sflag:$0x1] =	stream.linear.gather [hbm4b:s1+s2], $0x6000, $0x38;
	[tilespmem:$0x1E000] =	vst v63  }
0x13a: {  	_ =	swait.ge [sflag:s19], $0x6000  }
0x13b: {  	s1 =	sld [smem:$0x7FD]  }
0x13c: {  	[sflag:s19] =	ssyncset.done $0x0  }
0x13d: {  	[sflag:s19] =	ssyncadd.s32 $0xFFFFA000  }
0x13e: {  	[hbm4b:s1+s2] =	stream.linear.scatter [tilespmem:s16], [sflag:$0x6], $0x6000, $0x38;
	[tilespmem:$0x1E000] =	vst v63  }
0x13f: {  	_ =	swait.ge [sflag:s29], $0x6000  }
0x140: {  	[sflag:s29] =	ssyncset.done $0x0  }
0x141: {  	[sflag:s29] =	ssyncadd.s32 $0xFFFFA000  }
0x142: {  	[tilespmem:s30], [sflag:$0x8] =	stream.linear.gather [hbm4b:s26+s2], $0x6000, $0x38;
	[tilespmem:$0x1E000] =	vst v63  }
0x143: {  	_ =	swait.ge [sflag:s6], $0x6000  }
0x144: {  	[sflag:s6] =	ssyncset.done $0x0  }
0x145: {  	[sflag:s6] =	ssyncadd.s32 $0xFFFFA000  }
0x146: {  	[tilespmem:s5], [sflag:$0x2] =	stream.linear.gather [hbm4b:s25+s2], $0x6000, $0x38;
	[tilespmem:$0x1E000] =	vst v63  }
0x147: {  	_ =	swait.ge [sflag:s11], $0x6000  }
0x148: {  	[sflag:s11] =	ssyncset.done $0x0  }
0x149: {  	[sflag:s11] =	ssyncadd.s32 $0xFFFFA000  }
0x14a: {  	[hbm4b:s24+s2] =	stream.linear.scatter [tilespmem:s2], [sflag:$0x4], $0x6000, $0x38;
	[tilespmem:$0x1E000] =	vst v63  }
0x14b: {  	_ =	swait.ge [sflag:s13], $0x6000  }
0x14c: {  	[sflag:s13] =	ssyncset.done $0x0  }
0x14d: {  	[sflag:s13] =	ssyncadd.s32 $0xFFFFA000  }
0x14e: {  	[tilespmem:s16], [sflag:$0x3] =	stream.linear.gather [hbm4b:s23+s2], $0x6000, $0x38;
	[tilespmem:$0x1E000] =	vst v63  }
0x14f: {  	_ =	swait.ge [sflag:s12], $0x6000  }
0x150: {  	[sflag:s12] =	ssyncset.done $0x0  }
0x151: {  	[sflag:s12] =	ssyncadd.s32 $0xFFFFA000  }
0x152: {  	[hbm4b:s22+s2] =	stream.linear.scatter [tilespmem:s5], [sflag:$0x5], $0x6000, $0x38;
	[tilespmem:$0x1E000] =	vst v63  }
0x153: {  	_ =	swait.ge [sflag:s8], $0x6000  }
0x154: {  	[sflag:s8] =	ssyncset.done $0x0  }
0x155: {  	[sflag:s8] =	ssyncadd.s32 $0xFFFFA000  }
0x156: {  	[tilespmem:s2], [sflag:$0x1] =	stream.linear.gather [hbm4b:s21+s2], $0x6000, $0x38;
	[tilespmem:$0x1E000] =	vst v63  }
0x157: {  	_ =	swait.ge [sflag:s19], $0x6000  }
0x158: {  	[sflag:s19] =	ssyncset.done $0x0  }
0x159: {  	[sflag:s19] =	ssyncadd.s32 $0xFFFFA000  }
0x15a: {  	[hbm4b:s20+s2] =	stream.linear.scatter [tilespmem:s16], [sflag:$0x6], $0x6000, $0x38;
	[tilespmem:$0x1E000] =	vst v63  }
0x15b: {  	_ =	swait.ge [sflag:s6], $0x6000  }
0x15c: {  	[sflag:s6] =	ssyncset.done $0x0  }
0x15d: {  	[sflag:s6] =	ssyncadd.s32 $0xFFFFA000  }
0x15e: {  	[tilespmem:s5], [sflag:$0x2] =	stream.linear.gather [hbm4b:s18+s2], $0x6000, $0x38;
	[tilespmem:$0x1E000] =	vst v63  }
0x15f: {  	_ =	swait.ge [sflag:s11], $0x6000  }
0x160: {  	[sflag:s11] =	ssyncset.done $0x0  }
0x161: {  	[sflag:s11] =	ssyncadd.s32 $0xFFFFA000  }
0x162: {  	[hbm4b:s17+s2] =	stream.linear.scatter [tilespmem:s2], [sflag:$0x4], $0x6000, $0x38;
	[tilespmem:$0x1E000] =	vst v63  }
0x163: {  	_ =	swait.ge [sflag:s28], $0x6000  }
0x164: {  	[sflag:s28] =	ssyncset.done $0x0  }
0x165: {  	[sflag:s28] =	ssyncadd.s32 $0xFFFFA000  }
0x166: {  	_ =	swait.ge [sflag:s13], $0x6000  }
0x167: {  	[sflag:s13] =	ssyncset.done $0x0  }
0x168: {  	[sflag:s13] =	ssyncadd.s32 $0xFFFFA000  }
0x169: {  	[tilespmem:s16], [sflag:$0x3] =	stream.linear.gather [hbm4b:s15+s2], $0x6000, $0x38;
	[tilespmem:$0x1E000] =	vst v63  }
0x16a: {  	_ =	swait.ge [sflag:s12], $0x6000  }
0x16b: {  	[sflag:s12] =	ssyncset.done $0x0  }
0x16c: {  	[sflag:s12] =	ssyncadd.s32 $0xFFFFA000  }
0x16d: {  	[hbm4b:s14+s2] =	stream.linear.scatter [tilespmem:s5], [sflag:$0x5], $0x6000, $0x38;
	[tilespmem:$0x1E000] =	vst v63  }
0x16e: {  	_ =	swait.ge [sflag:s8], $0x6000  }
0x16f: {  	[sflag:s8] =	ssyncset.done $0x0  }
0x170: {  	[sflag:s8] =	ssyncadd.s32 $0xFFFFA000  }
0x171: {  	[tilespmem:s2], [sflag:$0x1] =	stream.linear.gather [hbm4b:s10+s2], $0x6000, $0x38;
	[tilespmem:$0x1E000] =	vst v63  }
0x172: {  	_ =	swait.ge [sflag:s19], $0x6000  }
0x173: {  	[sflag:s19] =	ssyncset.done $0x0  }
0x174: {  	[sflag:s19] =	ssyncadd.s32 $0xFFFFA000  }
0x175: {  	[hbm4b:s9+s2] =	stream.linear.scatter [tilespmem:s16], [sflag:$0x6], $0x6000, $0x38;
	[tilespmem:$0x1E000] =	vst v63  }
0x176: {  	_ =	swait.ge [sflag:s6], $0x6000  }
0x177: {  	[sflag:s6] =	ssyncset.done $0x0  }
0x178: {  	[sflag:s6] =	ssyncadd.s32 $0xFFFFA000  }
0x179: {  	[tilespmem:s5], [sflag:$0x2] =	stream.linear.gather [hbm4b:s7+s2], $0x6000, $0x38;
	[tilespmem:$0x1E000] =	vst v63  }
0x17a: {  	_ =	swait.ge [sflag:s11], $0x6000  }
0x17b: {  	[sflag:s11] =	ssyncset.done $0x0  }
0x17c: {  	[sflag:s11] =	ssyncadd.s32 $0xFFFFA000  }
0x17d: {  	[hbm4b:s4+s2] =	stream.linear.scatter [tilespmem:s2], [sflag:$0x4], $0x6000, $0x38;
	[tilespmem:$0x1E000] =	vst v63  }
0x17e: {  	_ =	swait.ge [sflag:s12], $0x6000  }
0x17f: {  	[sflag:s12] =	ssyncset.done $0x0  }
0x180: {  	[sflag:s12] =	ssyncadd.s32 $0xFFFFA000  }
0x181: {  	[hbm4b:s3+s2] =	stream.linear.scatter [tilespmem:s5], [sflag:$0x5], $0x6000, $0x38;
	[tilespmem:$0x1E000] =	vst v63  }
0x182: {  	_ =	swait.ge [sflag:s13], $0x6000  }
0x183: {  	[sflag:s13] =	ssyncset.done $0x0  }
0x184: {  	[sflag:s13] =	ssyncadd.s32 $0xFFFFA000  }
0x185: {  	_ =	swait.ge [sflag:s8], $0x6000  }
0x186: {  	s1 =	sld [smem:$0x7E1];
	_ =	sdelay $0x2  }
0x187: {  	p1 =	sne.s32 s1, $0x1  }
.Ltmp1:
0x188: {  	_ = 	snop;
	(pc) =	sbr.rel @!p1 .LBB2_3-.Ltmp1, $4  }
0x189: {  	[sflag:s8] =	ssyncset.done $0x0  }
0x18a: {  	[sflag:s8] =	ssyncadd.s32 $0xFFFFA000  }
0x18b: {  	p0 =	por $0x1, $0x1;
	_ =	swait.ge [sflag:s6], $0x6000  }
0x18c: {  	s1 =	sadd.s32 $0xFFFFFFFF, s1;
	s0 =	rddreg [dreg:$0x4];
	[sflag:s6] =	ssyncset.done $0x0  }
.LBB2_2:
0x18d: {  	[sflag:s6] =	ssyncadd.s32 $0xFFFFA000  }
0x18e: {  	s28 =	simm.s32 $0x12000;
	s30 =	smov.u32 s26;
	s26 =	smov.u32 s25  }
0x18f: {  	s25 =	smov.u32 s24;
	s24 =	smov.u32 s23;
	s23 =	smov.u32 s22  }
0x190: {  	s22 =	smov.u32 s21;
	s21 =	smov.u32 s20;
	s20 =	smov.u32 s18  }
0x191: {  	s18 =	smov.u32 s17;
	s17 =	smov.u32 s15;
	s15 =	smov.u32 s14  }
0x192: {  	s14 =	smov.u32 s10;
	s10 =	smov.u32 s9;
	s9 =	smov.u32 s7  }
0x193: {  	[tilespmem:s28], [sflag:$0x7] =	stream.linear.gather [hbm4b:s0+s2], $0x6000, $0x38;
	[tilespmem:$0x1E000] =	vst v63  }
0x194: {  	s7 =	smov.u32 s4;
	s4 =	smov.u32 s3;
	s3 =	rddreg [dreg:$0x5]  }
0x195: {  	[tilespmem:s2], [sflag:$0x1] =	stream.linear.gather [hbm4b:s3+s2], $0x6000, $0x38;
	[tilespmem:$0x1E000] =	vst v63  }
0x196: {  	_ =	swait.ge [sflag:s29], $0x6000  }
0x197: {  	[sflag:s29] =	ssyncset.done $0x0  }
0x198: {  	s31 =	simm.s32 $0x18000;
	s0 =	rddreg [dreg:$0x6];
	[sflag:s29] =	ssyncadd.s32 $0xFFFFA000  }
0x199: {  	[tilespmem:s31], [sflag:$0x8] =	stream.linear.gather [hbm4b:s0+s2], $0x6000, $0x38;
	[tilespmem:$0x1E000] =	vst v63  }
0x19a: {  	s3 =	rddreg [dreg:$0x7]  }
0x19b: {  	[tilespmem:s5], [sflag:$0x2] =	stream.linear.gather [hbm4b:s3+s2], $0x6000, $0x38;
	[tilespmem:$0x1E000] =	vst v63  }
0x19c: {  	_ =	swait.ge [sflag:s11], $0x6000  }
0x19d: {  	[sflag:s11] =	ssyncset.done $0x0  }
0x19e: {  	s0 =	rddreg [dreg:$0x8];
	[sflag:s11] =	ssyncadd.s32 $0xFFFFA000  }
0x19f: {  	[hbm4b:s0+s2] =	stream.linear.scatter [tilespmem:s2], [sflag:$0x4], $0x6000, $0x38;
	[tilespmem:$0x1E000] =	vst v63  }
0x1a0: {  	s3 =	rddreg [dreg:$0x9]  }
0x1a1: {  	[tilespmem:s16], [sflag:$0x3] =	stream.linear.gather [hbm4b:s3+s2], $0x6000, $0x38;
	[tilespmem:$0x1E000] =	vst v63  }
0x1a2: {  	_ =	swait.ge [sflag:s12], $0x6000  }
0x1a3: {  	[sflag:s12] =	ssyncset.done $0x0  }
0x1a4: {  	s0 =	rddreg [dreg:$0xa];
	[sflag:s12] =	ssyncadd.s32 $0xFFFFA000  }
0x1a5: {  	[hbm4b:s0+s2] =	stream.linear.scatter [tilespmem:s5], [sflag:$0x5], $0x6000, $0x38;
	[tilespmem:$0x1E000] =	vst v63  }
0x1a6: {  	_ =	swait.ge [sflag:s8], $0x6000  }
0x1a7: {  	[sflag:s8] =	ssyncset.done $0x0  }
0x1a8: {  	s0 =	rddreg [dreg:$0xb];
	[sflag:s8] =	ssyncadd.s32 $0xFFFFA000  }
0x1a9: {  	[tilespmem:s2], [sflag:$0x1] =	stream.linear.gather [hbm4b:s0+s2], $0x6000, $0x38;
	[tilespmem:$0x1E000] =	vst v63  }
0x1aa: {  	_ =	swait.ge [sflag:s19], $0x6000  }
0x1ab: {  	[sflag:s19] =	ssyncset.done $0x0  }
0x1ac: {  	s0 =	rddreg [dreg:$0xc];
	[sflag:s19] =	ssyncadd.s32 $0xFFFFA000  }
0x1ad: {  	[hbm4b:s0+s2] =	stream.linear.scatter [tilespmem:s16], [sflag:$0x6], $0x6000, $0x38;
	[tilespmem:$0x1E000] =	vst v63  }
0x1ae: {  	_ =	swait.ge [sflag:s6], $0x6000  }
0x1af: {  	[sflag:s6] =	ssyncset.done $0x0  }
0x1b0: {  	s0 =	rddreg [dreg:$0xd];
	[sflag:s6] =	ssyncadd.s32 $0xFFFFA000  }
0x1b1: {  	[tilespmem:s5], [sflag:$0x2] =	stream.linear.gather [hbm4b:s0+s2], $0x6000, $0x38;
	[tilespmem:$0x1E000] =	vst v63  }
0x1b2: {  	_ =	swait.ge [sflag:s11], $0x6000  }
0x1b3: {  	[sflag:s11] =	ssyncset.done $0x0  }
0x1b4: {  	s28 =	simm.s32 $0x8;
	s0 =	rddreg [dreg:$0xe];
	[sflag:s11] =	ssyncadd.s32 $0xFFFFA000  }
0x1b5: {  	[hbm4b:s0+s2] =	stream.linear.scatter [tilespmem:s2], [sflag:$0x4], $0x6000, $0x38;
	[tilespmem:$0x1E000] =	vst v63  }
0x1b6: {  	_ =	swait.ge [sflag:s28], $0x6000  }
0x1b7: {  	[sflag:s28] =	ssyncset.done $0x0  }
0x1b8: {  	s31 =	simm.s32 $0x12000;
	s0 =	rddreg [dreg:$0xf];
	[sflag:s28] =	ssyncadd.s32 $0xFFFFA000  }
0x1b9: {  	[tilespmem:s31], [sflag:$0x7] =	stream.linear.gather [hbm4b:s0+s2], $0x6000, $0x38;
	[tilespmem:$0x1E000] =	vst v63  }
0x1ba: {  	_ =	swait.ge [sflag:s13], $0x6000  }
0x1bb: {  	[sflag:s13] =	ssyncset.done $0x0  }
0x1bc: {  	s0 =	rddreg [dreg:$0x10];
	[sflag:s13] =	ssyncadd.s32 $0xFFFFA000  }
0x1bd: {  	[tilespmem:s16], [sflag:$0x3] =	stream.linear.gather [hbm4b:s0+s2], $0x6000, $0x38;
	[tilespmem:$0x1E000] =	vst v63  }
0x1be: {  	_ =	swait.ge [sflag:s12], $0x6000  }
0x1bf: {  	[sflag:s12] =	ssyncset.done $0x0  }
0x1c0: {  	s0 =	rddreg [dreg:$0x11];
	[sflag:s12] =	ssyncadd.s32 $0xFFFFA000  }
0x1c1: {  	[hbm4b:s0+s2] =	stream.linear.scatter [tilespmem:s5], [sflag:$0x5], $0x6000, $0x38;
	[tilespmem:$0x1E000] =	vst v63  }
0x1c2: {  	_ =	swait.ge [sflag:s8], $0x6000  }
0x1c3: {  	[sflag:s8] =	ssyncset.done $0x0  }
0x1c4: {  	s0 =	rddreg [dreg:$0x12];
	[sflag:s8] =	ssyncadd.s32 $0xFFFFA000  }
0x1c5: {  	[tilespmem:s2], [sflag:$0x1] =	stream.linear.gather [hbm4b:s0+s2], $0x6000, $0x38;
	[tilespmem:$0x1E000] =	vst v63  }
0x1c6: {  	_ =	swait.ge [sflag:s19], $0x6000  }
0x1c7: {  	[sflag:s19] =	ssyncset.done $0x0  }
0x1c8: {  	s0 =	rddreg [dreg:$0x13];
	[sflag:s19] =	ssyncadd.s32 $0xFFFFA000  }
0x1c9: {  	[hbm4b:s0+s2] =	stream.linear.scatter [tilespmem:s16], [sflag:$0x6], $0x6000, $0x38;
	[tilespmem:$0x1E000] =	vst v63  }
0x1ca: {  	_ =	swait.ge [sflag:s6], $0x6000  }
0x1cb: {  	[sflag:s6] =	ssyncset.done $0x0  }
0x1cc: {  	s0 =	rddreg [dreg:$0x14];
	[sflag:s6] =	ssyncadd.s32 $0xFFFFA000  }
0x1cd: {  	[tilespmem:s5], [sflag:$0x2] =	stream.linear.gather [hbm4b:s0+s2], $0x6000, $0x38;
	[tilespmem:$0x1E000] =	vst v63  }
0x1ce: {  	_ =	swait.ge [sflag:s11], $0x6000  }
0x1cf: {  	s3 =	smov.u32 s4;
	[sflag:s11] =	ssyncset.done $0x0  }
0x1d0: {  	s4 =	smov.u32 s7;
	s0 =	rddreg [dreg:$0x15];
	[sflag:s11] =	ssyncadd.s32 $0xFFFFA000  }
0x1d1: {  	[hbm4b:s0+s2] =	stream.linear.scatter [tilespmem:s2], [sflag:$0x4], $0x6000, $0x38;
	[tilespmem:$0x1E000] =	vst v63  }
0x1d2: {  	s7 =	smov.u32 s9;
	s9 =	smov.u32 s10;
	_ =	swait.ge [sflag:s13], $0x6000  }
0x1d3: {  	s10 =	smov.u32 s14;
	s14 =	smov.u32 s15;
	[sflag:s13] =	ssyncset.done $0x0  }
0x1d4: {  	s15 =	smov.u32 s17;
	s0 =	rddreg [dreg:$0x16];
	[sflag:s13] =	ssyncadd.s32 $0xFFFFA000  }
0x1d5: {  	[tilespmem:s16], [sflag:$0x3] =	stream.linear.gather [hbm4b:s0+s2], $0x6000, $0x38;
	[tilespmem:$0x1E000] =	vst v63  }
0x1d6: {  	s17 =	smov.u32 s18;
	s18 =	smov.u32 s20;
	_ =	swait.ge [sflag:s12], $0x6000  }
0x1d7: {  	s20 =	smov.u32 s21;
	s21 =	smov.u32 s22;
	[sflag:s12] =	ssyncset.done $0x0  }
0x1d8: {  	s22 =	smov.u32 s23;
	s0 =	rddreg [dreg:$0x17];
	[sflag:s12] =	ssyncadd.s32 $0xFFFFA000  }
0x1d9: {  	[hbm4b:s0+s2] =	stream.linear.scatter [tilespmem:s5], [sflag:$0x5], $0x6000, $0x38;
	[tilespmem:$0x1E000] =	vst v63  }
0x1da: {  	s23 =	smov.u32 s24;
	s24 =	smov.u32 s25;
	_ =	swait.ge [sflag:s29], $0x6000  }
0x1db: {  	s25 =	smov.u32 s26;
	s26 =	smov.u32 s30;
	[sflag:s29] =	ssyncset.done $0x0  }
0x1dc: {  	s30 =	simm.s32 $0x18000;
	s0 =	rddreg [dreg:$0x18];
	[sflag:s29] =	ssyncadd.s32 $0xFFFFA000  }
0x1dd: {  	[tilespmem:s30], [sflag:$0x8] =	stream.linear.gather [hbm4b:s0+s2], $0x6000, $0x38;
	[tilespmem:$0x1E000] =	vst v63  }
0x1de: {  	_ =	swait.ge [sflag:s8], $0x6000  }
0x1df: {  	[sflag:s8] =	ssyncset.done $0x0  }
0x1e0: {  	s0 =	rddreg [dreg:$0x19];
	[sflag:s8] =	ssyncadd.s32 $0xFFFFA000  }
0x1e1: {  	[tilespmem:s2], [sflag:$0x1] =	stream.linear.gather [hbm4b:s0+s2], $0x6000, $0x38;
	[tilespmem:$0x1E000] =	vst v63  }
0x1e2: {  	_ =	swait.ge [sflag:s19], $0x6000  }
0x1e3: {  	[sflag:s19] =	ssyncset.done $0x0  }
0x1e4: {  	s0 =	rddreg [dreg:$0x1a];
	[sflag:s19] =	ssyncadd.s32 $0xFFFFA000  }
0x1e5: {  	[hbm4b:s0+s2] =	stream.linear.scatter [tilespmem:s16], [sflag:$0x6], $0x6000, $0x38;
	[tilespmem:$0x1E000] =	vst v63  }
0x1e6: {  	_ =	swait.ge [sflag:s6], $0x6000  }
0x1e7: {  	[sflag:s6] =	ssyncset.done $0x0  }
0x1e8: {  	s0 =	rddreg [dreg:$0x1b];
	[sflag:s6] =	ssyncadd.s32 $0xFFFFA000  }
0x1e9: {  	[tilespmem:s5], [sflag:$0x2] =	stream.linear.gather [hbm4b:s0+s2], $0x6000, $0x38;
	[tilespmem:$0x1E000] =	vst v63  }
0x1ea: {  	_ =	swait.ge [sflag:s11], $0x6000  }
0x1eb: {  	[sflag:s11] =	ssyncset.done $0x0  }
0x1ec: {  	s0 =	rddreg [dreg:$0x1c];
	[sflag:s11] =	ssyncadd.s32 $0xFFFFA000  }
0x1ed: {  	[hbm4b:s0+s2] =	stream.linear.scatter [tilespmem:s2], [sflag:$0x4], $0x6000, $0x38;
	[tilespmem:$0x1E000] =	vst v63  }
0x1ee: {  	_ =	swait.ge [sflag:s13], $0x6000  }
0x1ef: {  	[sflag:s13] =	ssyncset.done $0x0  }
0x1f0: {  	s0 =	rddreg [dreg:$0x1d];
	[sflag:s13] =	ssyncadd.s32 $0xFFFFA000  }
0x1f1: {  	[tilespmem:s16], [sflag:$0x3] =	stream.linear.gather [hbm4b:s0+s2], $0x6000, $0x38;
	[tilespmem:$0x1E000] =	vst v63  }
0x1f2: {  	_ =	swait.ge [sflag:s12], $0x6000  }
0x1f3: {  	[sflag:s12] =	ssyncset.done $0x0  }
0x1f4: {  	s0 =	rddreg [dreg:$0x1e];
	[sflag:s12] =	ssyncadd.s32 $0xFFFFA000  }
0x1f5: {  	[hbm4b:s0+s2] =	stream.linear.scatter [tilespmem:s5], [sflag:$0x5], $0x6000, $0x38;
	[tilespmem:$0x1E000] =	vst v63  }
0x1f6: {  	_ =	swait.ge [sflag:s8], $0x6000  }
0x1f7: {  	[sflag:s8] =	ssyncset.done $0x0  }
0x1f8: {  	s0 =	rddreg [dreg:$0x1f];
	[sflag:s8] =	ssyncadd.s32 $0xFFFFA000  }
0x1f9: {  	[tilespmem:s2], [sflag:$0x1] =	stream.linear.gather [hbm4b:s0+s2], $0x6000, $0x38;
	[tilespmem:$0x1E000] =	vst v63  }
0x1fa: {  	_ =	swait.ge [sflag:s19], $0x6000  }
0x1fb: {  	s0 =	sld [smem:$0x7E2]  }
0x1fc: {  	[sflag:s19] =	ssyncset.done $0x0  }
0x1fd: {  	[sflag:s19] =	ssyncadd.s32 $0xFFFFA000  }
0x1fe: {  	[hbm4b:s0+s2] =	stream.linear.scatter [tilespmem:s16], [sflag:$0x6], $0x6000, $0x38;
	[tilespmem:$0x1E000] =	vst v63  }
0x1ff: {  	_ =	swait.ge [sflag:s28], $0x6000  }
0x200: {  	s0 =	sld [smem:$0x7E3]  }
0x201: {  	[sflag:s28] =	ssyncset.done $0x0  }
0x202: {  	[sflag:s28] =	ssyncadd.s32 $0xFFFFA000  }
0x203: {  	[tilespmem:s31], [sflag:$0x7] =	stream.linear.gather [hbm4b:s0+s2], $0x6000, $0x38;
	[tilespmem:$0x1E000] =	vst v63  }
0x204: {  	_ =	swait.ge [sflag:s6], $0x6000  }
0x205: {  	s0 =	sld [smem:$0x7E4]  }
0x206: {  	[sflag:s6] =	ssyncset.done $0x0  }
0x207: {  	[sflag:s6] =	ssyncadd.s32 $0xFFFFA000  }
0x208: {  	[tilespmem:s5], [sflag:$0x2] =	stream.linear.gather [hbm4b:s0+s2], $0x6000, $0x38;
	[tilespmem:$0x1E000] =	vst v63  }
0x209: {  	_ =	swait.ge [sflag:s11], $0x6000  }
0x20a: {  	s0 =	sld [smem:$0x7E5]  }
0x20b: {  	[sflag:s11] =	ssyncset.done $0x0  }
0x20c: {  	[sflag:s11] =	ssyncadd.s32 $0xFFFFA000  }
0x20d: {  	[hbm4b:s0+s2] =	stream.linear.scatter [tilespmem:s2], [sflag:$0x4], $0x6000, $0x38;
	[tilespmem:$0x1E000] =	vst v63  }
0x20e: {  	_ =	swait.ge [sflag:s13], $0x6000  }
0x20f: {  	s0 =	sld [smem:$0x7E6]  }
0x210: {  	[sflag:s13] =	ssyncset.done $0x0  }
0x211: {  	[sflag:s13] =	ssyncadd.s32 $0xFFFFA000  }
0x212: {  	[tilespmem:s16], [sflag:$0x3] =	stream.linear.gather [hbm4b:s0+s2], $0x6000, $0x38;
	[tilespmem:$0x1E000] =	vst v63  }
0x213: {  	_ =	swait.ge [sflag:s12], $0x6000  }
0x214: {  	s0 =	sld [smem:$0x7E7]  }
0x215: {  	[sflag:s12] =	ssyncset.done $0x0  }
0x216: {  	[sflag:s12] =	ssyncadd.s32 $0xFFFFA000  }
0x217: {  	[hbm4b:s0+s2] =	stream.linear.scatter [tilespmem:s5], [sflag:$0x5], $0x6000, $0x38;
	[tilespmem:$0x1E000] =	vst v63  }
0x218: {  	_ =	swait.ge [sflag:s8], $0x6000  }
0x219: {  	s0 =	sld [smem:$0x7E8]  }
0x21a: {  	[sflag:s8] =	ssyncset.done $0x0  }
0x21b: {  	[sflag:s8] =	ssyncadd.s32 $0xFFFFA000  }
0x21c: {  	[tilespmem:s2], [sflag:$0x1] =	stream.linear.gather [hbm4b:s0+s2], $0x6000, $0x38;
	[tilespmem:$0x1E000] =	vst v63  }
0x21d: {  	_ =	swait.ge [sflag:s19], $0x6000  }
0x21e: {  	s0 =	sld [smem:$0x7E9]  }
0x21f: {  	[sflag:s19] =	ssyncset.done $0x0  }
0x220: {  	[sflag:s19] =	ssyncadd.s32 $0xFFFFA000  }
0x221: {  	[hbm4b:s0+s2] =	stream.linear.scatter [tilespmem:s16], [sflag:$0x6], $0x6000, $0x38;
	[tilespmem:$0x1E000] =	vst v63  }
0x222: {  	_ =	swait.ge [sflag:s6], $0x6000  }
0x223: {  	s0 =	sld [smem:$0x7EA]  }
0x224: {  	[sflag:s6] =	ssyncset.done $0x0  }
0x225: {  	[sflag:s6] =	ssyncadd.s32 $0xFFFFA000  }
0x226: {  	[tilespmem:s5], [sflag:$0x2] =	stream.linear.gather [hbm4b:s0+s2], $0x6000, $0x38;
	[tilespmem:$0x1E000] =	vst v63  }
0x227: {  	_ =	swait.ge [sflag:s11], $0x6000  }
0x228: {  	s0 =	sld [smem:$0x7EB]  }
0x229: {  	[sflag:s11] =	ssyncset.done $0x0  }
0x22a: {  	[sflag:s11] =	ssyncadd.s32 $0xFFFFA000  }
0x22b: {  	[hbm4b:s0+s2] =	stream.linear.scatter [tilespmem:s2], [sflag:$0x4], $0x6000, $0x38;
	[tilespmem:$0x1E000] =	vst v63  }
0x22c: {  	_ =	swait.ge [sflag:s29], $0x6000  }
0x22d: {  	s0 =	sld [smem:$0x7EC]  }
0x22e: {  	[sflag:s29] =	ssyncset.done $0x0  }
0x22f: {  	[sflag:s29] =	ssyncadd.s32 $0xFFFFA000  }
0x230: {  	[tilespmem:s30], [sflag:$0x8] =	stream.linear.gather [hbm4b:s0+s2], $0x6000, $0x38;
	[tilespmem:$0x1E000] =	vst v63  }
0x231: {  	_ =	swait.ge [sflag:s13], $0x6000  }
0x232: {  	s0 =	sld [smem:$0x7ED]  }
0x233: {  	[sflag:s13] =	ssyncset.done $0x0  }
0x234: {  	[sflag:s13] =	ssyncadd.s32 $0xFFFFA000  }
0x235: {  	[tilespmem:s16], [sflag:$0x3] =	stream.linear.gather [hbm4b:s0+s2], $0x6000, $0x38;
	[tilespmem:$0x1E000] =	vst v63  }
0x236: {  	_ =	swait.ge [sflag:s12], $0x6000  }
0x237: {  	s0 =	sld [smem:$0x7EE]  }
0x238: {  	[sflag:s12] =	ssyncset.done $0x0  }
0x239: {  	[sflag:s12] =	ssyncadd.s32 $0xFFFFA000  }
0x23a: {  	[hbm4b:s0+s2] =	stream.linear.scatter [tilespmem:s5], [sflag:$0x5], $0x6000, $0x38;
	[tilespmem:$0x1E000] =	vst v63  }
0x23b: {  	_ =	swait.ge [sflag:s8], $0x6000  }
0x23c: {  	s0 =	sld [smem:$0x7EF]  }
0x23d: {  	[sflag:s8] =	ssyncset.done $0x0  }
0x23e: {  	[sflag:s8] =	ssyncadd.s32 $0xFFFFA000  }
0x23f: {  	[tilespmem:s2], [sflag:$0x1] =	stream.linear.gather [hbm4b:s0+s2], $0x6000, $0x38;
	[tilespmem:$0x1E000] =	vst v63  }
0x240: {  	_ =	swait.ge [sflag:s19], $0x6000  }
0x241: {  	s0 =	sld [smem:$0x7F0]  }
0x242: {  	[sflag:s19] =	ssyncset.done $0x0  }
0x243: {  	[sflag:s19] =	ssyncadd.s32 $0xFFFFA000  }
0x244: {  	[hbm4b:s0+s2] =	stream.linear.scatter [tilespmem:s16], [sflag:$0x6], $0x6000, $0x38;
	[tilespmem:$0x1E000] =	vst v63  }
0x245: {  	_ =	swait.ge [sflag:s6], $0x6000  }
0x246: {  	s0 =	sld [smem:$0x7F1]  }
0x247: {  	[sflag:s6] =	ssyncset.done $0x0  }
0x248: {  	[sflag:s6] =	ssyncadd.s32 $0xFFFFA000  }
0x249: {  	[tilespmem:s5], [sflag:$0x2] =	stream.linear.gather [hbm4b:s0+s2], $0x6000, $0x38;
	[tilespmem:$0x1E000] =	vst v63  }
0x24a: {  	_ =	swait.ge [sflag:s11], $0x6000  }
0x24b: {  	s0 =	sld [smem:$0x7F2]  }
0x24c: {  	[sflag:s11] =	ssyncset.done $0x0  }
0x24d: {  	[sflag:s11] =	ssyncadd.s32 $0xFFFFA000  }
0x24e: {  	[hbm4b:s0+s2] =	stream.linear.scatter [tilespmem:s2], [sflag:$0x4], $0x6000, $0x38;
	[tilespmem:$0x1E000] =	vst v63  }
0x24f: {  	_ =	swait.ge [sflag:s13], $0x6000  }
0x250: {  	s0 =	sld [smem:$0x7F3]  }
0x251: {  	[sflag:s13] =	ssyncset.done $0x0  }
0x252: {  	[sflag:s13] =	ssyncadd.s32 $0xFFFFA000  }
0x253: {  	[tilespmem:s16], [sflag:$0x3] =	stream.linear.gather [hbm4b:s0+s2], $0x6000, $0x38;
	[tilespmem:$0x1E000] =	vst v63  }
0x254: {  	_ =	swait.ge [sflag:s12], $0x6000  }
0x255: {  	s0 =	sld [smem:$0x7F4]  }
0x256: {  	[sflag:s12] =	ssyncset.done $0x0  }
0x257: {  	[sflag:s12] =	ssyncadd.s32 $0xFFFFA000  }
0x258: {  	[hbm4b:s0+s2] =	stream.linear.scatter [tilespmem:s5], [sflag:$0x5], $0x6000, $0x38;
	[tilespmem:$0x1E000] =	vst v63  }
0x259: {  	_ =	swait.ge [sflag:s28], $0x6000  }
0x25a: {  	s0 =	sld [smem:$0x7F5]  }
0x25b: {  	[sflag:s28] =	ssyncset.done $0x0  }
0x25c: {  	[sflag:s28] =	ssyncadd.s32 $0xFFFFA000  }
0x25d: {  	[tilespmem:s31], [sflag:$0x7] =	stream.linear.gather [hbm4b:s0+s2], $0x6000, $0x38;
	[tilespmem:$0x1E000] =	vst v63  }
0x25e: {  	_ =	swait.ge [sflag:s8], $0x6000  }
0x25f: {  	s0 =	sld [smem:$0x7F6]  }
0x260: {  	[sflag:s8] =	ssyncset.done $0x0  }
0x261: {  	[sflag:s8] =	ssyncadd.s32 $0xFFFFA000  }
0x262: {  	[tilespmem:s2], [sflag:$0x1] =	stream.linear.gather [hbm4b:s0+s2], $0x6000, $0x38;
	[tilespmem:$0x1E000] =	vst v63  }
0x263: {  	_ =	swait.ge [sflag:s19], $0x6000  }
0x264: {  	s0 =	sld [smem:$0x7F7]  }
0x265: {  	[sflag:s19] =	ssyncset.done $0x0  }
0x266: {  	[sflag:s19] =	ssyncadd.s32 $0xFFFFA000  }
0x267: {  	[hbm4b:s0+s2] =	stream.linear.scatter [tilespmem:s16], [sflag:$0x6], $0x6000, $0x38;
	[tilespmem:$0x1E000] =	vst v63  }
0x268: {  	_ =	swait.ge [sflag:s6], $0x6000  }
0x269: {  	s0 =	sld [smem:$0x7F8]  }
0x26a: {  	[sflag:s6] =	ssyncset.done $0x0  }
0x26b: {  	[sflag:s6] =	ssyncadd.s32 $0xFFFFA000  }
0x26c: {  	[tilespmem:s5], [sflag:$0x2] =	stream.linear.gather [hbm4b:s0+s2], $0x6000, $0x38;
	[tilespmem:$0x1E000] =	vst v63  }
0x26d: {  	_ =	swait.ge [sflag:s11], $0x6000  }
0x26e: {  	s0 =	sld [smem:$0x7F9]  }
0x26f: {  	[sflag:s11] =	ssyncset.done $0x0  }
0x270: {  	[sflag:s11] =	ssyncadd.s32 $0xFFFFA000  }
0x271: {  	[hbm4b:s0+s2] =	stream.linear.scatter [tilespmem:s2], [sflag:$0x4], $0x6000, $0x38;
	[tilespmem:$0x1E000] =	vst v63  }
0x272: {  	_ =	swait.ge [sflag:s13], $0x6000  }
0x273: {  	s0 =	sld [smem:$0x7FA]  }
0x274: {  	[sflag:s13] =	ssyncset.done $0x0  }
0x275: {  	[sflag:s13] =	ssyncadd.s32 $0xFFFFA000  }
0x276: {  	[tilespmem:s16], [sflag:$0x3] =	stream.linear.gather [hbm4b:s0+s2], $0x6000, $0x38;
	[tilespmem:$0x1E000] =	vst v63  }
0x277: {  	_ =	swait.ge [sflag:s12], $0x6000  }
0x278: {  	s0 =	sld [smem:$0x7FB]  }
0x279: {  	[sflag:s12] =	ssyncset.done $0x0  }
0x27a: {  	[sflag:s12] =	ssyncadd.s32 $0xFFFFA000  }
0x27b: {  	[hbm4b:s0+s2] =	stream.linear.scatter [tilespmem:s5], [sflag:$0x5], $0x6000, $0x38;
	[tilespmem:$0x1E000] =	vst v63  }
0x27c: {  	_ =	swait.ge [sflag:s8], $0x6000  }
0x27d: {  	s0 =	sld [smem:$0x7FC]  }
0x27e: {  	[sflag:s8] =	ssyncset.done $0x0  }
0x27f: {  	[sflag:s8] =	ssyncadd.s32 $0xFFFFA000  }
0x280: {  	[tilespmem:s2], [sflag:$0x1] =	stream.linear.gather [hbm4b:s0+s2], $0x6000, $0x38;
	[tilespmem:$0x1E000] =	vst v63  }
0x281: {  	_ =	swait.ge [sflag:s19], $0x6000  }
0x282: {  	s0 =	sld [smem:$0x7FD]  }
0x283: {  	[sflag:s19] =	ssyncset.done $0x0  }
0x284: {  	[sflag:s19] =	ssyncadd.s32 $0xFFFFA000  }
0x285: {  	[hbm4b:s0+s2] =	stream.linear.scatter [tilespmem:s16], [sflag:$0x6], $0x6000, $0x38;
	[tilespmem:$0x1E000] =	vst v63  }
0x286: {  	_ =	swait.ge [sflag:s29], $0x6000  }
0x287: {  	[sflag:s29] =	ssyncset.done $0x0  }
0x288: {  	[sflag:s29] =	ssyncadd.s32 $0xFFFFA000  }
0x289: {  	[tilespmem:s30], [sflag:$0x8] =	stream.linear.gather [hbm4b:s26+s2], $0x6000, $0x38;
	[tilespmem:$0x1E000] =	vst v63  }
0x28a: {  	_ =	swait.ge [sflag:s6], $0x6000  }
0x28b: {  	[sflag:s6] =	ssyncset.done $0x0  }
0x28c: {  	[sflag:s6] =	ssyncadd.s32 $0xFFFFA000  }
0x28d: {  	[tilespmem:s5], [sflag:$0x2] =	stream.linear.gather [hbm4b:s25+s2], $0x6000, $0x38;
	[tilespmem:$0x1E000] =	vst v63  }
0x28e: {  	_ =	swait.ge [sflag:s11], $0x6000  }
0x28f: {  	[sflag:s11] =	ssyncset.done $0x0  }
0x290: {  	[sflag:s11] =	ssyncadd.s32 $0xFFFFA000  }
0x291: {  	[hbm4b:s24+s2] =	stream.linear.scatter [tilespmem:s2], [sflag:$0x4], $0x6000, $0x38;
	[tilespmem:$0x1E000] =	vst v63  }
0x292: {  	_ =	swait.ge [sflag:s13], $0x6000  }
0x293: {  	[sflag:s13] =	ssyncset.done $0x0  }
0x294: {  	[sflag:s13] =	ssyncadd.s32 $0xFFFFA000  }
0x295: {  	[tilespmem:s16], [sflag:$0x3] =	stream.linear.gather [hbm4b:s23+s2], $0x6000, $0x38;
	[tilespmem:$0x1E000] =	vst v63  }
0x296: {  	_ =	swait.ge [sflag:s12], $0x6000  }
0x297: {  	[sflag:s12] =	ssyncset.done $0x0  }
0x298: {  	[sflag:s12] =	ssyncadd.s32 $0xFFFFA000  }
0x299: {  	[hbm4b:s22+s2] =	stream.linear.scatter [tilespmem:s5], [sflag:$0x5], $0x6000, $0x38;
	[tilespmem:$0x1E000] =	vst v63  }
0x29a: {  	_ =	swait.ge [sflag:s8], $0x6000  }
0x29b: {  	[sflag:s8] =	ssyncset.done $0x0  }
0x29c: {  	[sflag:s8] =	ssyncadd.s32 $0xFFFFA000  }
0x29d: {  	[tilespmem:s2], [sflag:$0x1] =	stream.linear.gather [hbm4b:s21+s2], $0x6000, $0x38;
	[tilespmem:$0x1E000] =	vst v63  }
0x29e: {  	_ =	swait.ge [sflag:s19], $0x6000  }
0x29f: {  	[sflag:s19] =	ssyncset.done $0x0  }
0x2a0: {  	[sflag:s19] =	ssyncadd.s32 $0xFFFFA000  }
0x2a1: {  	[hbm4b:s20+s2] =	stream.linear.scatter [tilespmem:s16], [sflag:$0x6], $0x6000, $0x38;
	[tilespmem:$0x1E000] =	vst v63  }
0x2a2: {  	_ =	swait.ge [sflag:s6], $0x6000  }
0x2a3: {  	[sflag:s6] =	ssyncset.done $0x0  }
0x2a4: {  	[sflag:s6] =	ssyncadd.s32 $0xFFFFA000  }
0x2a5: {  	[tilespmem:s5], [sflag:$0x2] =	stream.linear.gather [hbm4b:s18+s2], $0x6000, $0x38;
	[tilespmem:$0x1E000] =	vst v63  }
0x2a6: {  	_ =	swait.ge [sflag:s11], $0x6000  }
0x2a7: {  	[sflag:s11] =	ssyncset.done $0x0  }
0x2a8: {  	[sflag:s11] =	ssyncadd.s32 $0xFFFFA000  }
0x2a9: {  	[hbm4b:s17+s2] =	stream.linear.scatter [tilespmem:s2], [sflag:$0x4], $0x6000, $0x38;
	[tilespmem:$0x1E000] =	vst v63  }
0x2aa: {  	_ =	swait.ge [sflag:s28], $0x6000  }
0x2ab: {  	[sflag:s28] =	ssyncset.done $0x0  }
0x2ac: {  	[sflag:s28] =	ssyncadd.s32 $0xFFFFA000  }
0x2ad: {  	_ =	swait.ge [sflag:s13], $0x6000  }
0x2ae: {  	[sflag:s13] =	ssyncset.done $0x0  }
0x2af: {  	[sflag:s13] =	ssyncadd.s32 $0xFFFFA000  }
0x2b0: {  	[tilespmem:s16], [sflag:$0x3] =	stream.linear.gather [hbm4b:s15+s2], $0x6000, $0x38;
	[tilespmem:$0x1E000] =	vst v63  }
0x2b1: {  	_ =	swait.ge [sflag:s12], $0x6000  }
0x2b2: {  	[sflag:s12] =	ssyncset.done $0x0  }
0x2b3: {  	[sflag:s12] =	ssyncadd.s32 $0xFFFFA000  }
0x2b4: {  	[hbm4b:s14+s2] =	stream.linear.scatter [tilespmem:s5], [sflag:$0x5], $0x6000, $0x38;
	[tilespmem:$0x1E000] =	vst v63  }
0x2b5: {  	_ =	swait.ge [sflag:s8], $0x6000  }
0x2b6: {  	[sflag:s8] =	ssyncset.done $0x0  }
0x2b7: {  	[sflag:s8] =	ssyncadd.s32 $0xFFFFA000  }
0x2b8: {  	[tilespmem:s2], [sflag:$0x1] =	stream.linear.gather [hbm4b:s10+s2], $0x6000, $0x38;
	[tilespmem:$0x1E000] =	vst v63  }
0x2b9: {  	_ =	swait.ge [sflag:s19], $0x6000  }
0x2ba: {  	[sflag:s19] =	ssyncset.done $0x0  }
0x2bb: {  	[sflag:s19] =	ssyncadd.s32 $0xFFFFA000  }
0x2bc: {  	[hbm4b:s9+s2] =	stream.linear.scatter [tilespmem:s16], [sflag:$0x6], $0x6000, $0x38;
	[tilespmem:$0x1E000] =	vst v63  }
0x2bd: {  	_ =	swait.ge [sflag:s6], $0x6000  }
0x2be: {  	[sflag:s6] =	ssyncset.done $0x0  }
0x2bf: {  	[sflag:s6] =	ssyncadd.s32 $0xFFFFA000  }
0x2c0: {  	[tilespmem:s5], [sflag:$0x2] =	stream.linear.gather [hbm4b:s7+s2], $0x6000, $0x38;
	[tilespmem:$0x1E000] =	vst v63  }
0x2c1: {  	_ =	swait.ge [sflag:s11], $0x6000  }
0x2c2: {  	[sflag:s11] =	ssyncset.done $0x0  }
0x2c3: {  	[sflag:s11] =	ssyncadd.s32 $0xFFFFA000  }
0x2c4: {  	[hbm4b:s4+s2] =	stream.linear.scatter [tilespmem:s2], [sflag:$0x4], $0x6000, $0x38;
	[tilespmem:$0x1E000] =	vst v63  }
0x2c5: {  	_ =	swait.ge [sflag:s12], $0x6000  }
0x2c6: {  	[sflag:s12] =	ssyncset.done $0x0  }
0x2c7: {  	[sflag:s12] =	ssyncadd.s32 $0xFFFFA000  }
0x2c8: {  	[hbm4b:s3+s2] =	stream.linear.scatter [tilespmem:s5], [sflag:$0x5], $0x6000, $0x38;
	[tilespmem:$0x1E000] =	vst v63  }
0x2c9: {  	_ =	swait.ge [sflag:s13], $0x6000  }
0x2ca: {  	[sflag:s13] =	ssyncset.done $0x0  }
0x2cb: {  	p1 =	sne.s32 s1, $0x1;
	[sflag:s13] =	ssyncadd.s32 $0xFFFFA000  }
.Ltmp2:
0x2cc: {  	_ =	swait.ge [sflag:s8], $0x6000;
	(pc) =	sbr.rel @p1 .LBB2_2-.Ltmp2, $4  }
0x2cd: {  	[sflag:s8] =	ssyncset.done $0x0  }
0x2ce: {  	[sflag:s8] =	ssyncadd.s32 $0xFFFFA000  }
0x2cf: {  	_ =	swait.ge [sflag:s6], $0x6000  }
0x2d0: {  	s1 =	sadd.s32 $0xFFFFFFFF, s1;
	s0 =	rddreg [dreg:$0x4];
	[sflag:s6] =	ssyncset.done $0x0  }
.LBB2_3:
0x2d1: {  	[sflag:s6] =	ssyncadd.s32 @p0 $0xFFFFA000  }
0x2d2: {  	[tilespmem:s31], [sflag:$0x7] =	stream.linear.gather [hbm4b:s0+s2], $0x6000, $0x38;
	[tilespmem:$0x1E000] =	vst v63  }
0x2d3: {  	s1 =	rddreg [dreg:$0x5]  }
0x2d4: {  	[tilespmem:s2], [sflag:$0x1] =	stream.linear.gather [hbm4b:s1+s2], $0x6000, $0x38;
	[tilespmem:$0x1E000] =	vst v63  }
0x2d5: {  	_ =	swait.ge [sflag:s29], $0x6000  }
0x2d6: {  	[sflag:s29] =	ssyncset.done $0x0  }
0x2d7: {  	s0 =	rddreg [dreg:$0x6];
	[sflag:s29] =	ssyncadd.s32 $0xFFFFA000  }
0x2d8: {  	[tilespmem:s30], [sflag:$0x8] =	stream.linear.gather [hbm4b:s0+s2], $0x6000, $0x38;
	[tilespmem:$0x1E000] =	vst v63  }
0x2d9: {  	s1 =	rddreg [dreg:$0x7]  }
0x2da: {  	[tilespmem:s5], [sflag:$0x2] =	stream.linear.gather [hbm4b:s1+s2], $0x6000, $0x38;
	[tilespmem:$0x1E000] =	vst v63  }
0x2db: {  	_ =	swait.ge [sflag:s11], $0x6000  }
0x2dc: {  	[sflag:s11] =	ssyncset.done $0x0  }
0x2dd: {  	s0 =	rddreg [dreg:$0x8];
	[sflag:s11] =	ssyncadd.s32 $0xFFFFA000  }
0x2de: {  	[hbm4b:s0+s2] =	stream.linear.scatter [tilespmem:s2], [sflag:$0x4], $0x6000, $0x38;
	[tilespmem:$0x1E000] =	vst v63  }
0x2df: {  	s1 =	rddreg [dreg:$0x9]  }
0x2e0: {  	[tilespmem:s16], [sflag:$0x3] =	stream.linear.gather [hbm4b:s1+s2], $0x6000, $0x38;
	[tilespmem:$0x1E000] =	vst v63  }
0x2e1: {  	_ =	swait.ge [sflag:s12], $0x6000  }
0x2e2: {  	[sflag:s12] =	ssyncset.done $0x0  }
0x2e3: {  	s1 =	rddreg [dreg:$0xa];
	[sflag:s12] =	ssyncadd.s32 $0xFFFFA000  }
0x2e4: {  	[hbm4b:s1+s2] =	stream.linear.scatter [tilespmem:s5], [sflag:$0x5], $0x6000, $0x38;
	[tilespmem:$0x1E000] =	vst v63  }
0x2e5: {  	_ =	swait.ge [sflag:s8], $0x6000  }
0x2e6: {  	[sflag:s8] =	ssyncset.done $0x0  }
0x2e7: {  	s1 =	rddreg [dreg:$0xb];
	[sflag:s8] =	ssyncadd.s32 $0xFFFFA000  }
0x2e8: {  	[tilespmem:s2], [sflag:$0x1] =	stream.linear.gather [hbm4b:s1+s2], $0x6000, $0x38;
	[tilespmem:$0x1E000] =	vst v63  }
0x2e9: {  	_ =	swait.ge [sflag:s19], $0x6000  }
0x2ea: {  	[sflag:s19] =	ssyncset.done $0x0  }
0x2eb: {  	s1 =	rddreg [dreg:$0xc];
	[sflag:s19] =	ssyncadd.s32 $0xFFFFA000  }
0x2ec: {  	[hbm4b:s1+s2] =	stream.linear.scatter [tilespmem:s16], [sflag:$0x6], $0x6000, $0x38;
	[tilespmem:$0x1E000] =	vst v63  }
0x2ed: {  	_ =	swait.ge [sflag:s6], $0x6000  }
0x2ee: {  	[sflag:s6] =	ssyncset.done $0x0  }
0x2ef: {  	s1 =	rddreg [dreg:$0xd];
	[sflag:s6] =	ssyncadd.s32 $0xFFFFA000  }
0x2f0: {  	[tilespmem:s5], [sflag:$0x2] =	stream.linear.gather [hbm4b:s1+s2], $0x6000, $0x38;
	[tilespmem:$0x1E000] =	vst v63  }
0x2f1: {  	_ =	swait.ge [sflag:s11], $0x6000  }
0x2f2: {  	[sflag:s11] =	ssyncset.done $0x0  }
0x2f3: {  	s1 =	rddreg [dreg:$0xe];
	[sflag:s11] =	ssyncadd.s32 $0xFFFFA000  }
0x2f4: {  	[hbm4b:s1+s2] =	stream.linear.scatter [tilespmem:s2], [sflag:$0x4], $0x6000, $0x38;
	[tilespmem:$0x1E000] =	vst v63  }
0x2f5: {  	_ =	swait.ge [sflag:s28], $0x6000  }
0x2f6: {  	[sflag:s28] =	ssyncset.done $0x0  }
0x2f7: {  	s1 =	rddreg [dreg:$0xf];
	[sflag:s28] =	ssyncadd.s32 $0xFFFFA000  }
0x2f8: {  	[tilespmem:s31], [sflag:$0x7] =	stream.linear.gather [hbm4b:s1+s2], $0x6000, $0x38;
	[tilespmem:$0x1E000] =	vst v63  }
0x2f9: {  	_ =	swait.ge [sflag:s13], $0x6000  }
0x2fa: {  	[sflag:s13] =	ssyncset.done $0x0  }
0x2fb: {  	s1 =	rddreg [dreg:$0x10];
	[sflag:s13] =	ssyncadd.s32 $0xFFFFA000  }
0x2fc: {  	[tilespmem:s16], [sflag:$0x3] =	stream.linear.gather [hbm4b:s1+s2], $0x6000, $0x38;
	[tilespmem:$0x1E000] =	vst v63  }
0x2fd: {  	_ =	swait.ge [sflag:s12], $0x6000  }
0x2fe: {  	[sflag:s12] =	ssyncset.done $0x0  }
0x2ff: {  	s1 =	rddreg [dreg:$0x11];
	[sflag:s12] =	ssyncadd.s32 $0xFFFFA000  }
0x300: {  	[hbm4b:s1+s2] =	stream.linear.scatter [tilespmem:s5], [sflag:$0x5], $0x6000, $0x38;
	[tilespmem:$0x1E000] =	vst v63  }
0x301: {  	_ =	swait.ge [sflag:s8], $0x6000  }
0x302: {  	[sflag:s8] =	ssyncset.done $0x0  }
0x303: {  	s1 =	rddreg [dreg:$0x12];
	[sflag:s8] =	ssyncadd.s32 $0xFFFFA000  }
0x304: {  	[tilespmem:s2], [sflag:$0x1] =	stream.linear.gather [hbm4b:s1+s2], $0x6000, $0x38;
	[tilespmem:$0x1E000] =	vst v63  }
0x305: {  	_ =	swait.ge [sflag:s19], $0x6000  }
0x306: {  	[sflag:s19] =	ssyncset.done $0x0  }
0x307: {  	s1 =	rddreg [dreg:$0x13];
	[sflag:s19] =	ssyncadd.s32 $0xFFFFA000  }
0x308: {  	[hbm4b:s1+s2] =	stream.linear.scatter [tilespmem:s16], [sflag:$0x6], $0x6000, $0x38;
	[tilespmem:$0x1E000] =	vst v63  }
0x309: {  	_ =	swait.ge [sflag:s6], $0x6000  }
0x30a: {  	[sflag:s6] =	ssyncset.done $0x0  }
0x30b: {  	s1 =	rddreg [dreg:$0x14];
	[sflag:s6] =	ssyncadd.s32 $0xFFFFA000  }
0x30c: {  	[tilespmem:s5], [sflag:$0x2] =	stream.linear.gather [hbm4b:s1+s2], $0x6000, $0x38;
	[tilespmem:$0x1E000] =	vst v63  }
0x30d: {  	_ =	swait.ge [sflag:s11], $0x6000  }
0x30e: {  	[sflag:s11] =	ssyncset.done $0x0  }
0x30f: {  	s1 =	rddreg [dreg:$0x15];
	[sflag:s11] =	ssyncadd.s32 $0xFFFFA000  }
0x310: {  	[hbm4b:s1+s2] =	stream.linear.scatter [tilespmem:s2], [sflag:$0x4], $0x6000, $0x38;
	[tilespmem:$0x1E000] =	vst v63  }
0x311: {  	_ =	swait.ge [sflag:s13], $0x6000  }
0x312: {  	[sflag:s13] =	ssyncset.done $0x0  }
0x313: {  	s1 =	rddreg [dreg:$0x16];
	[sflag:s13] =	ssyncadd.s32 $0xFFFFA000  }
0x314: {  	[tilespmem:s16], [sflag:$0x3] =	stream.linear.gather [hbm4b:s1+s2], $0x6000, $0x38;
	[tilespmem:$0x1E000] =	vst v63  }
0x315: {  	_ =	swait.ge [sflag:s12], $0x6000  }
0x316: {  	[sflag:s12] =	ssyncset.done $0x0  }
0x317: {  	s1 =	rddreg [dreg:$0x17];
	[sflag:s12] =	ssyncadd.s32 $0xFFFFA000  }
0x318: {  	[hbm4b:s1+s2] =	stream.linear.scatter [tilespmem:s5], [sflag:$0x5], $0x6000, $0x38;
	[tilespmem:$0x1E000] =	vst v63  }
0x319: {  	_ =	swait.ge [sflag:s29], $0x6000  }
0x31a: {  	[sflag:s29] =	ssyncset.done $0x0  }
0x31b: {  	s1 =	rddreg [dreg:$0x18];
	[sflag:s29] =	ssyncadd.s32 $0xFFFFA000  }
0x31c: {  	[tilespmem:s30], [sflag:$0x8] =	stream.linear.gather [hbm4b:s1+s2], $0x6000, $0x38;
	[tilespmem:$0x1E000] =	vst v63  }
0x31d: {  	_ =	swait.ge [sflag:s8], $0x6000  }
0x31e: {  	[sflag:s8] =	ssyncset.done $0x0  }
0x31f: {  	s1 =	rddreg [dreg:$0x19];
	[sflag:s8] =	ssyncadd.s32 $0xFFFFA000  }
0x320: {  	[tilespmem:s2], [sflag:$0x1] =	stream.linear.gather [hbm4b:s1+s2], $0x6000, $0x38;
	[tilespmem:$0x1E000] =	vst v63  }
0x321: {  	_ =	swait.ge [sflag:s19], $0x6000  }
0x322: {  	[sflag:s19] =	ssyncset.done $0x0  }
0x323: {  	s1 =	rddreg [dreg:$0x1a];
	[sflag:s19] =	ssyncadd.s32 $0xFFFFA000  }
0x324: {  	[hbm4b:s1+s2] =	stream.linear.scatter [tilespmem:s16], [sflag:$0x6], $0x6000, $0x38;
	[tilespmem:$0x1E000] =	vst v63  }
0x325: {  	_ =	swait.ge [sflag:s6], $0x6000  }
0x326: {  	[sflag:s6] =	ssyncset.done $0x0  }
0x327: {  	s1 =	rddreg [dreg:$0x1b];
	[sflag:s6] =	ssyncadd.s32 $0xFFFFA000  }
0x328: {  	[tilespmem:s5], [sflag:$0x2] =	stream.linear.gather [hbm4b:s1+s2], $0x6000, $0x38;
	[tilespmem:$0x1E000] =	vst v63  }
0x329: {  	_ =	swait.ge [sflag:s11], $0x6000  }
0x32a: {  	[sflag:s11] =	ssyncset.done $0x0  }
0x32b: {  	s1 =	rddreg [dreg:$0x1c];
	[sflag:s11] =	ssyncadd.s32 $0xFFFFA000  }
0x32c: {  	[hbm4b:s1+s2] =	stream.linear.scatter [tilespmem:s2], [sflag:$0x4], $0x6000, $0x38;
	[tilespmem:$0x1E000] =	vst v63  }
0x32d: {  	_ =	swait.ge [sflag:s13], $0x6000  }
0x32e: {  	[sflag:s13] =	ssyncset.done $0x0  }
0x32f: {  	s1 =	rddreg [dreg:$0x1d];
	[sflag:s13] =	ssyncadd.s32 $0xFFFFA000  }
0x330: {  	[tilespmem:s16], [sflag:$0x3] =	stream.linear.gather [hbm4b:s1+s2], $0x6000, $0x38;
	[tilespmem:$0x1E000] =	vst v63  }
0x331: {  	_ =	swait.ge [sflag:s12], $0x6000  }
0x332: {  	[sflag:s12] =	ssyncset.done $0x0  }
0x333: {  	s1 =	rddreg [dreg:$0x1e];
	[sflag:s12] =	ssyncadd.s32 $0xFFFFA000  }
0x334: {  	[hbm4b:s1+s2] =	stream.linear.scatter [tilespmem:s5], [sflag:$0x5], $0x6000, $0x38;
	[tilespmem:$0x1E000] =	vst v63  }
0x335: {  	_ =	swait.ge [sflag:s8], $0x6000  }
0x336: {  	[sflag:s8] =	ssyncset.done $0x0  }
0x337: {  	s1 =	rddreg [dreg:$0x1f];
	[sflag:s8] =	ssyncadd.s32 $0xFFFFA000  }
0x338: {  	[tilespmem:s2], [sflag:$0x1] =	stream.linear.gather [hbm4b:s1+s2], $0x6000, $0x38;
	[tilespmem:$0x1E000] =	vst v63  }
0x339: {  	_ =	swait.ge [sflag:s19], $0x6000  }
0x33a: {  	s1 =	sld [smem:$0x7E2]  }
0x33b: {  	[sflag:s19] =	ssyncset.done $0x0  }
0x33c: {  	[sflag:s19] =	ssyncadd.s32 $0xFFFFA000  }
0x33d: {  	[hbm4b:s1+s2] =	stream.linear.scatter [tilespmem:s16], [sflag:$0x6], $0x6000, $0x38;
	[tilespmem:$0x1E000] =	vst v63  }
0x33e: {  	_ =	swait.ge [sflag:s28], $0x6000  }
0x33f: {  	s1 =	sld [smem:$0x7E3]  }
0x340: {  	[sflag:s28] =	ssyncset.done $0x0  }
0x341: {  	[sflag:s28] =	ssyncadd.s32 $0xFFFFA000  }
0x342: {  	[tilespmem:s31], [sflag:$0x7] =	stream.linear.gather [hbm4b:s1+s2], $0x6000, $0x38;
	[tilespmem:$0x1E000] =	vst v63  }
0x343: {  	_ =	swait.ge [sflag:s6], $0x6000  }
0x344: {  	s1 =	sld [smem:$0x7E4]  }
0x345: {  	[sflag:s6] =	ssyncset.done $0x0  }
0x346: {  	[sflag:s6] =	ssyncadd.s32 $0xFFFFA000  }
0x347: {  	[tilespmem:s5], [sflag:$0x2] =	stream.linear.gather [hbm4b:s1+s2], $0x6000, $0x38;
	[tilespmem:$0x1E000] =	vst v63  }
0x348: {  	_ =	swait.ge [sflag:s11], $0x6000  }
0x349: {  	s1 =	sld [smem:$0x7E5]  }
0x34a: {  	[sflag:s11] =	ssyncset.done $0x0  }
0x34b: {  	[sflag:s11] =	ssyncadd.s32 $0xFFFFA000  }
0x34c: {  	[hbm4b:s1+s2] =	stream.linear.scatter [tilespmem:s2], [sflag:$0x4], $0x6000, $0x38;
	[tilespmem:$0x1E000] =	vst v63  }
0x34d: {  	_ =	swait.ge [sflag:s13], $0x6000  }
0x34e: {  	s1 =	sld [smem:$0x7E6]  }
0x34f: {  	[sflag:s13] =	ssyncset.done $0x0  }
0x350: {  	[sflag:s13] =	ssyncadd.s32 $0xFFFFA000  }
0x351: {  	[tilespmem:s16], [sflag:$0x3] =	stream.linear.gather [hbm4b:s1+s2], $0x6000, $0x38;
	[tilespmem:$0x1E000] =	vst v63  }
0x352: {  	_ =	swait.ge [sflag:s12], $0x6000  }
0x353: {  	s1 =	sld [smem:$0x7E7]  }
0x354: {  	[sflag:s12] =	ssyncset.done $0x0  }
0x355: {  	[sflag:s12] =	ssyncadd.s32 $0xFFFFA000  }
0x356: {  	[hbm4b:s1+s2] =	stream.linear.scatter [tilespmem:s5], [sflag:$0x5], $0x6000, $0x38;
	[tilespmem:$0x1E000] =	vst v63  }
0x357: {  	_ =	swait.ge [sflag:s8], $0x6000  }
0x358: {  	s1 =	sld [smem:$0x7E8]  }
0x359: {  	[sflag:s8] =	ssyncset.done $0x0  }
0x35a: {  	[sflag:s8] =	ssyncadd.s32 $0xFFFFA000  }
0x35b: {  	[tilespmem:s2], [sflag:$0x1] =	stream.linear.gather [hbm4b:s1+s2], $0x6000, $0x38;
	[tilespmem:$0x1E000] =	vst v63  }
0x35c: {  	_ =	swait.ge [sflag:s19], $0x6000  }
0x35d: {  	s1 =	sld [smem:$0x7E9]  }
0x35e: {  	[sflag:s19] =	ssyncset.done $0x0  }
0x35f: {  	[sflag:s19] =	ssyncadd.s32 $0xFFFFA000  }
0x360: {  	[hbm4b:s1+s2] =	stream.linear.scatter [tilespmem:s16], [sflag:$0x6], $0x6000, $0x38;
	[tilespmem:$0x1E000] =	vst v63  }
0x361: {  	_ =	swait.ge [sflag:s6], $0x6000  }
0x362: {  	s1 =	sld [smem:$0x7EA]  }
0x363: {  	[sflag:s6] =	ssyncset.done $0x0  }
0x364: {  	[sflag:s6] =	ssyncadd.s32 $0xFFFFA000  }
0x365: {  	[tilespmem:s5], [sflag:$0x2] =	stream.linear.gather [hbm4b:s1+s2], $0x6000, $0x38;
	[tilespmem:$0x1E000] =	vst v63  }
0x366: {  	_ =	swait.ge [sflag:s11], $0x6000  }
0x367: {  	s1 =	sld [smem:$0x7EB]  }
0x368: {  	[sflag:s11] =	ssyncset.done $0x0  }
0x369: {  	[sflag:s11] =	ssyncadd.s32 $0xFFFFA000  }
0x36a: {  	[hbm4b:s1+s2] =	stream.linear.scatter [tilespmem:s2], [sflag:$0x4], $0x6000, $0x38;
	[tilespmem:$0x1E000] =	vst v63  }
0x36b: {  	_ =	swait.ge [sflag:s29], $0x6000  }
0x36c: {  	s1 =	sld [smem:$0x7EC]  }
0x36d: {  	[sflag:s29] =	ssyncset.done $0x0  }
0x36e: {  	[sflag:s29] =	ssyncadd.s32 $0xFFFFA000  }
0x36f: {  	[tilespmem:s30], [sflag:$0x8] =	stream.linear.gather [hbm4b:s1+s2], $0x6000, $0x38;
	[tilespmem:$0x1E000] =	vst v63  }
0x370: {  	_ =	swait.ge [sflag:s13], $0x6000  }
0x371: {  	s1 =	sld [smem:$0x7ED]  }
0x372: {  	[sflag:s13] =	ssyncset.done $0x0  }
0x373: {  	[sflag:s13] =	ssyncadd.s32 $0xFFFFA000  }
0x374: {  	[tilespmem:s16], [sflag:$0x3] =	stream.linear.gather [hbm4b:s1+s2], $0x6000, $0x38;
	[tilespmem:$0x1E000] =	vst v63  }
0x375: {  	_ =	swait.ge [sflag:s12], $0x6000  }
0x376: {  	s1 =	sld [smem:$0x7EE]  }
0x377: {  	[sflag:s12] =	ssyncset.done $0x0  }
0x378: {  	[sflag:s12] =	ssyncadd.s32 $0xFFFFA000  }
0x379: {  	[hbm4b:s1+s2] =	stream.linear.scatter [tilespmem:s5], [sflag:$0x5], $0x6000, $0x38;
	[tilespmem:$0x1E000] =	vst v63  }
0x37a: {  	_ =	swait.ge [sflag:s8], $0x6000  }
0x37b: {  	s1 =	sld [smem:$0x7EF]  }
0x37c: {  	[sflag:s8] =	ssyncset.done $0x0  }
0x37d: {  	[sflag:s8] =	ssyncadd.s32 $0xFFFFA000  }
0x37e: {  	[tilespmem:s2], [sflag:$0x1] =	stream.linear.gather [hbm4b:s1+s2], $0x6000, $0x38;
	[tilespmem:$0x1E000] =	vst v63  }
0x37f: {  	_ =	swait.ge [sflag:s19], $0x6000  }
0x380: {  	s1 =	sld [smem:$0x7F0]  }
0x381: {  	[sflag:s19] =	ssyncset.done $0x0  }
0x382: {  	[sflag:s19] =	ssyncadd.s32 $0xFFFFA000  }
0x383: {  	[hbm4b:s1+s2] =	stream.linear.scatter [tilespmem:s16], [sflag:$0x6], $0x6000, $0x38;
	[tilespmem:$0x1E000] =	vst v63  }
0x384: {  	_ =	swait.ge [sflag:s6], $0x6000  }
0x385: {  	s1 =	sld [smem:$0x7F1]  }
0x386: {  	[sflag:s6] =	ssyncset.done $0x0  }
0x387: {  	[sflag:s6] =	ssyncadd.s32 $0xFFFFA000  }
0x388: {  	[tilespmem:s5], [sflag:$0x2] =	stream.linear.gather [hbm4b:s1+s2], $0x6000, $0x38;
	[tilespmem:$0x1E000] =	vst v63  }
0x389: {  	_ =	swait.ge [sflag:s11], $0x6000  }
0x38a: {  	s1 =	sld [smem:$0x7F2]  }
0x38b: {  	[sflag:s11] =	ssyncset.done $0x0  }
0x38c: {  	[sflag:s11] =	ssyncadd.s32 $0xFFFFA000  }
0x38d: {  	[hbm4b:s1+s2] =	stream.linear.scatter [tilespmem:s2], [sflag:$0x4], $0x6000, $0x38;
	[tilespmem:$0x1E000] =	vst v63  }
0x38e: {  	_ =	swait.ge [sflag:s13], $0x6000  }
0x38f: {  	s1 =	sld [smem:$0x7F3]  }
0x390: {  	[sflag:s13] =	ssyncset.done $0x0  }
0x391: {  	[sflag:s13] =	ssyncadd.s32 $0xFFFFA000  }
0x392: {  	[tilespmem:s16], [sflag:$0x3] =	stream.linear.gather [hbm4b:s1+s2], $0x6000, $0x38;
	[tilespmem:$0x1E000] =	vst v63  }
0x393: {  	_ =	swait.ge [sflag:s12], $0x6000  }
0x394: {  	s1 =	sld [smem:$0x7F4]  }
0x395: {  	[sflag:s12] =	ssyncset.done $0x0  }
0x396: {  	[sflag:s12] =	ssyncadd.s32 $0xFFFFA000  }
0x397: {  	[hbm4b:s1+s2] =	stream.linear.scatter [tilespmem:s5], [sflag:$0x5], $0x6000, $0x38;
	[tilespmem:$0x1E000] =	vst v63  }
0x398: {  	_ =	swait.ge [sflag:s28], $0x6000  }
0x399: {  	s1 =	sld [smem:$0x7F5]  }
0x39a: {  	[sflag:s28] =	ssyncset.done $0x0  }
0x39b: {  	[sflag:s28] =	ssyncadd.s32 $0xFFFFA000  }
0x39c: {  	[tilespmem:s31], [sflag:$0x7] =	stream.linear.gather [hbm4b:s1+s2], $0x6000, $0x38;
	[tilespmem:$0x1E000] =	vst v63  }
0x39d: {  	_ =	swait.ge [sflag:s8], $0x6000  }
0x39e: {  	s31 =	sld [smem:$0x7F6]  }
0x39f: {  	[sflag:s8] =	ssyncset.done $0x0  }
0x3a0: {  	[sflag:s8] =	ssyncadd.s32 $0xFFFFA000  }
0x3a1: {  	[tilespmem:s2], [sflag:$0x1] =	stream.linear.gather [hbm4b:s31+s2], $0x6000, $0x38;
	[tilespmem:$0x1E000] =	vst v63  }
0x3a2: {  	_ =	swait.ge [sflag:s19], $0x6000  }
0x3a3: {  	s1 =	sld [smem:$0x7F7]  }
0x3a4: {  	[sflag:s19] =	ssyncset.done $0x0  }
0x3a5: {  	[sflag:s19] =	ssyncadd.s32 $0xFFFFA000  }
0x3a6: {  	[hbm4b:s1+s2] =	stream.linear.scatter [tilespmem:s16], [sflag:$0x6], $0x6000, $0x38;
	[tilespmem:$0x1E000] =	vst v63  }
0x3a7: {  	_ =	swait.ge [sflag:s6], $0x6000  }
0x3a8: {  	s31 =	sld [smem:$0x7F8]  }
0x3a9: {  	[sflag:s6] =	ssyncset.done $0x0  }
0x3aa: {  	[sflag:s6] =	ssyncadd.s32 $0xFFFFA000  }
0x3ab: {  	[tilespmem:s5], [sflag:$0x2] =	stream.linear.gather [hbm4b:s31+s2], $0x6000, $0x38;
	[tilespmem:$0x1E000] =	vst v63  }
0x3ac: {  	_ =	swait.ge [sflag:s11], $0x6000  }
0x3ad: {  	s1 =	sld [smem:$0x7F9]  }
0x3ae: {  	[sflag:s11] =	ssyncset.done $0x0  }
0x3af: {  	[sflag:s11] =	ssyncadd.s32 $0xFFFFA000  }
0x3b0: {  	[hbm4b:s1+s2] =	stream.linear.scatter [tilespmem:s2], [sflag:$0x4], $0x6000, $0x38;
	[tilespmem:$0x1E000] =	vst v63  }
0x3b1: {  	_ =	swait.ge [sflag:s13], $0x6000  }
0x3b2: {  	s31 =	sld [smem:$0x7FA]  }
0x3b3: {  	[sflag:s13] =	ssyncset.done $0x0  }
0x3b4: {  	[sflag:s13] =	ssyncadd.s32 $0xFFFFA000  }
0x3b5: {  	[tilespmem:s16], [sflag:$0x3] =	stream.linear.gather [hbm4b:s31+s2], $0x6000, $0x38;
	[tilespmem:$0x1E000] =	vst v63  }
0x3b6: {  	_ =	swait.ge [sflag:s12], $0x6000  }
0x3b7: {  	s1 =	sld [smem:$0x7FB]  }
0x3b8: {  	[sflag:s12] =	ssyncset.done $0x0  }
0x3b9: {  	[sflag:s12] =	ssyncadd.s32 $0xFFFFA000  }
0x3ba: {  	[hbm4b:s1+s2] =	stream.linear.scatter [tilespmem:s5], [sflag:$0x5], $0x6000, $0x38;
	[tilespmem:$0x1E000] =	vst v63  }
0x3bb: {  	_ =	swait.ge [sflag:s8], $0x6000  }
0x3bc: {  	s31 =	sld [smem:$0x7FC]  }
0x3bd: {  	[sflag:s8] =	ssyncset.done $0x0  }
0x3be: {  	[sflag:s8] =	ssyncadd.s32 $0xFFFFA000  }
0x3bf: {  	[tilespmem:s2], [sflag:$0x1] =	stream.linear.gather [hbm4b:s31+s2], $0x6000, $0x38;
	[tilespmem:$0x1E000] =	vst v63  }
0x3c0: {  	_ =	swait.ge [sflag:s19], $0x6000  }
0x3c1: {  	s1 =	sld [smem:$0x7FD]  }
0x3c2: {  	[sflag:s19] =	ssyncset.done $0x0  }
0x3c3: {  	[sflag:s19] =	ssyncadd.s32 $0xFFFFA000  }
0x3c4: {  	[hbm4b:s1+s2] =	stream.linear.scatter [tilespmem:s16], [sflag:$0x6], $0x6000, $0x38;
	[tilespmem:$0x1E000] =	vst v63  }
0x3c5: {  	_ =	swait.ge [sflag:s29], $0x6000  }
0x3c6: {  	[sflag:s29] =	ssyncset.done $0x0  }
0x3c7: {  	[sflag:s29] =	ssyncadd.s32 $0xFFFFA000  }
0x3c8: {  	[tilespmem:s30], [sflag:$0x8] =	stream.linear.gather [hbm4b:s26+s2], $0x6000, $0x38;
	[tilespmem:$0x1E000] =	vst v63  }
0x3c9: {  	_ =	swait.ge [sflag:s6], $0x6000  }
0x3ca: {  	[sflag:s6] =	ssyncset.done $0x0  }
0x3cb: {  	[sflag:s6] =	ssyncadd.s32 $0xFFFFA000  }
0x3cc: {  	[tilespmem:s5], [sflag:$0x2] =	stream.linear.gather [hbm4b:s25+s2], $0x6000, $0x38;
	[tilespmem:$0x1E000] =	vst v63  }
0x3cd: {  	_ =	swait.ge [sflag:s11], $0x6000  }
0x3ce: {  	[sflag:s11] =	ssyncset.done $0x0  }
0x3cf: {  	[sflag:s11] =	ssyncadd.s32 $0xFFFFA000  }
0x3d0: {  	[hbm4b:s24+s2] =	stream.linear.scatter [tilespmem:s2], [sflag:$0x4], $0x6000, $0x38;
	[tilespmem:$0x1E000] =	vst v63  }
0x3d1: {  	_ =	swait.ge [sflag:s13], $0x6000  }
0x3d2: {  	[sflag:s13] =	ssyncset.done $0x0  }
0x3d3: {  	[sflag:s13] =	ssyncadd.s32 $0xFFFFA000  }
0x3d4: {  	[tilespmem:s16], [sflag:$0x3] =	stream.linear.gather [hbm4b:s23+s2], $0x6000, $0x38;
	[tilespmem:$0x1E000] =	vst v63  }
0x3d5: {  	_ =	swait.ge [sflag:s12], $0x6000  }
0x3d6: {  	[sflag:s12] =	ssyncset.done $0x0  }
0x3d7: {  	[sflag:s12] =	ssyncadd.s32 $0xFFFFA000  }
0x3d8: {  	[hbm4b:s22+s2] =	stream.linear.scatter [tilespmem:s5], [sflag:$0x5], $0x6000, $0x38;
	[tilespmem:$0x1E000] =	vst v63  }
0x3d9: {  	_ =	swait.ge [sflag:s8], $0x6000  }
0x3da: {  	[sflag:s8] =	ssyncset.done $0x0  }
0x3db: {  	[sflag:s8] =	ssyncadd.s32 $0xFFFFA000  }
0x3dc: {  	[tilespmem:s2], [sflag:$0x1] =	stream.linear.gather [hbm4b:s21+s2], $0x6000, $0x38;
	[tilespmem:$0x1E000] =	vst v63  }
0x3dd: {  	_ =	swait.ge [sflag:s19], $0x6000  }
0x3de: {  	[sflag:s19] =	ssyncset.done $0x0  }
0x3df: {  	[sflag:s19] =	ssyncadd.s32 $0xFFFFA000  }
0x3e0: {  	[hbm4b:s20+s2] =	stream.linear.scatter [tilespmem:s16], [sflag:$0x6], $0x6000, $0x38;
	[tilespmem:$0x1E000] =	vst v63  }
0x3e1: {  	_ =	swait.ge [sflag:s6], $0x6000  }
0x3e2: {  	[sflag:s6] =	ssyncset.done $0x0  }
0x3e3: {  	[sflag:s6] =	ssyncadd.s32 $0xFFFFA000  }
0x3e4: {  	[tilespmem:s5], [sflag:$0x2] =	stream.linear.gather [hbm4b:s18+s2], $0x6000, $0x38;
	[tilespmem:$0x1E000] =	vst v63  }
0x3e5: {  	_ =	swait.ge [sflag:s11], $0x6000  }
0x3e6: {  	[sflag:s11] =	ssyncset.done $0x0  }
0x3e7: {  	[sflag:s11] =	ssyncadd.s32 $0xFFFFA000  }
0x3e8: {  	[hbm4b:s17+s2] =	stream.linear.scatter [tilespmem:s2], [sflag:$0x4], $0x6000, $0x38;
	[tilespmem:$0x1E000] =	vst v63  }
0x3e9: {  	_ =	swait.ge [sflag:s28], $0x6000  }
0x3ea: {  	[sflag:s28] =	ssyncset.done $0x0  }
0x3eb: {  	[sflag:s28] =	ssyncadd.s32 $0xFFFFA000  }
0x3ec: {  	_ =	swait.ge [sflag:s13], $0x6000  }
0x3ed: {  	[sflag:s13] =	ssyncset.done $0x0  }
0x3ee: {  	[sflag:s13] =	ssyncadd.s32 $0xFFFFA000  }
0x3ef: {  	[tilespmem:s16], [sflag:$0x3] =	stream.linear.gather [hbm4b:s15+s2], $0x6000, $0x38;
	[tilespmem:$0x1E000] =	vst v63  }
0x3f0: {  	_ =	swait.ge [sflag:s12], $0x6000  }
0x3f1: {  	[sflag:s12] =	ssyncset.done $0x0  }
0x3f2: {  	[sflag:s12] =	ssyncadd.s32 $0xFFFFA000  }
0x3f3: {  	[hbm4b:s14+s2] =	stream.linear.scatter [tilespmem:s5], [sflag:$0x5], $0x6000, $0x38;
	[tilespmem:$0x1E000] =	vst v63  }
0x3f4: {  	_ =	swait.ge [sflag:s8], $0x6000  }
0x3f5: {  	[sflag:s8] =	ssyncset.done $0x0  }
0x3f6: {  	[sflag:s8] =	ssyncadd.s32 $0xFFFFA000  }
0x3f7: {  	[tilespmem:s2], [sflag:$0x1] =	stream.linear.gather [hbm4b:s10+s2], $0x6000, $0x38;
	[tilespmem:$0x1E000] =	vst v63  }
0x3f8: {  	_ =	swait.ge [sflag:s19], $0x6000  }
0x3f9: {  	[sflag:s19] =	ssyncset.done $0x0  }
0x3fa: {  	[sflag:s19] =	ssyncadd.s32 $0xFFFFA000  }
0x3fb: {  	[hbm4b:s9+s2] =	stream.linear.scatter [tilespmem:s16], [sflag:$0x6], $0x6000, $0x38;
	[tilespmem:$0x1E000] =	vst v63  }
0x3fc: {  	_ =	swait.ge [sflag:s6], $0x6000  }
0x3fd: {  	[sflag:s6] =	ssyncset.done $0x0  }
0x3fe: {  	[sflag:s6] =	ssyncadd.s32 $0xFFFFA000  }
0x3ff: {  	[tilespmem:s5], [sflag:$0x2] =	stream.linear.gather [hbm4b:s7+s2], $0x6000, $0x38;
	[tilespmem:$0x1E000] =	vst v63  }
0x400: {  	_ =	swait.ge [sflag:s11], $0x6000  }
0x401: {  	[sflag:s11] =	ssyncset.done $0x0  }
0x402: {  	[sflag:s11] =	ssyncadd.s32 $0xFFFFA000  }
0x403: {  	[hbm4b:s4+s2] =	stream.linear.scatter [tilespmem:s2], [sflag:$0x4], $0x6000, $0x38;
	[tilespmem:$0x1E000] =	vst v63  }
0x404: {  	_ =	swait.ge [sflag:s12], $0x6000  }
0x405: {  	[sflag:s12] =	ssyncset.done $0x0  }
0x406: {  	[sflag:s12] =	ssyncadd.s32 $0xFFFFA000  }
0x407: {  	[hbm4b:s3+s2] =	stream.linear.scatter [tilespmem:s5], [sflag:$0x5], $0x6000, $0x38;
	[tilespmem:$0x1E000] =	vst v63  }
0x408: {  	_ =	swait.ge [sflag:s13], $0x6000  }
0x409: {  	[sflag:s13] =	ssyncset.done $0x0  }
0x40a: {  	[sflag:s13] =	ssyncadd.s32 $0xFFFFA000  }
0x40b: {  	_ =	swait.ge [sflag:s8], $0x6000  }
0x40c: {  	[sflag:s8] =	ssyncset.done $0x0  }
0x40d: {  	[sflag:s8] =	ssyncadd.s32 $0xFFFFA000  }
0x40e: {  	_ =	swait.ge [sflag:s6], $0x6000  }
0x40f: {  	[sflag:s6] =	ssyncset.done $0x0  }
0x410: {  	[sflag:s6] =	ssyncadd.s32 $0xFFFFA000  }
0x411: {  	_ =	sfence.sel $0x180000  }
0x412: {  	[bflag:$0x0] =	sbarrier.arrive $0xFFFF  }
0x413: {  	_ =	strace $0x90000047  }
0x414: {  	s31 =	stileid.u32;
	[bflag:$0x2] =	sbarrier.arrive $0xFFFF  }
0x415: {  	p0 =	sne.s32 s31, $0x0;
	s0 =	rddreg [dreg:$0x3]  }
0x416: {  	s0 =	sadd.s32 @!p0 $0x100000, s0  }
0x417: {  	[sflag:s0] =	ssyncadd.tile.s32 @!p0 $0x1;
	_ =	shalt  }
.Lfunc_end2:
_tile_overlayer_lowered:
.L_overlay_start_2:
0x418: {  	(tag) =	ssettag $0x2  }
0x419: {  	s0 =	rddreg [dreg:$0x0];
	s2 =	stileid.u32  }
0x41a: {  	s1 =	rddreg [dreg:$0x1];
	p0 =	sne.s32 s2, $0x0  }
0x41b: {  	s3 =	rddreg [dreg:$0x2];
	[bflag:$0x3] =	sbarrier.arrive $0xFFFF;
	s2 =	simm.s32 @!p0 $0x1C09  }
0x41c: {  	[timem:s3], [sflag:s2] =	dma.local @!p0 [hbm:s0], s1  }
0x41d: {  	s0 =	simm.s32 @!p0 $0x9  }
0x41e: {  	_ =	swait.ge @!p0 [sflag:s0], s1  }
0x41f: {  	s1 =	ssub.s32 @!p0 $0x0, s1;
	[sflag:s0] =	ssyncset.done @!p0 $0x0  }
0x420: {  	[sflag:s0] =	ssyncadd.s32 @!p0 s1  }
0x421: {  	[bflag:$0x3] =	sbarrier.arrive $0xFFFF  }
0x422: {  	_ =	shalt  }

</sc_bundles>
